<compile_context>
chip_gen: v7x
topology: tpu7x:2x2x1
jax: 0.10.2.dev20260603
libtpu: 0.0.44.dev20260713+nightly
codegen_flags: <defaults>
</compile_context>

<pallas_src>
import functools

import jax
import jax.numpy as jnp
from jax import lax
from jax.experimental import pallas as pl
from jax.experimental.pallas import tpu as pltpu
from jax.experimental.pallas import tpu_sc as plsc

N = 10000
E = 320000
D = 128
H = 16
NC, NS = 2, 16
NW = NC * NS
NP = 10240
ROWS_PT = NP // NS
EPW = E // NW
CH = 80
NCHUNK = EPW // CH
DE = 2 * E
DEPW = DE // NW
NB16 = DEPW // 16
F_AUG = H + 2

_SC_MESH = plsc.VectorSubcoreMesh(
    core_axis_name="c", subcore_axis_name="s", num_cores=NC, num_subcores=NS)
_SC_PARAMS = pltpu.CompilerParams(use_tc_tiling_on_sc=False)


@functools.partial(
    pl.kernel,
    out_type=jax.ShapeDtypeStruct((NC, NS, ROWS_PT), jnp.float32),
    mesh=_SC_MESH,
    scratch_types=[
        pltpu.VMEM((NCHUNK, CH), jnp.int32),
        pltpu.VMEM((CH,), jnp.float32),
        pltpu.VMEM_SHARED((NP,), jnp.float32),
    ],
    compiler_params=_SC_PARAMS,
)
def _sc_deg(dst_hbm, zeros_hbm, deg_out, didx_v, ones_v, acc_sh):
    cid = lax.axis_index("c")
    sid = lax.axis_index("s")
    wid = cid * NS + sid
    pltpu.sync_copy(zeros_hbm, acc_sh.at[pl.ds(sid * ROWS_PT, ROWS_PT)])
    pltpu.sync_copy(dst_hbm.at[wid], didx_v)
    for i in range(CH // 16):
        ones_v[pl.ds(i * 16, 16)] = jnp.full((16,), 1.0, jnp.float32)
    plsc.subcore_barrier()

    def _chunk(j, carry):
        pltpu.sync_copy(ones_v, acc_sh.at[didx_v.at[j]], add=True)
        return carry

    lax.fori_loop(0, NCHUNK, _chunk, 0)
    plsc.subcore_barrier()
    pltpu.sync_copy(acc_sh.at[pl.ds(sid * ROWS_PT, ROWS_PT)], deg_out.at[cid, sid])


@functools.partial(
    pl.kernel,
    out_type=jax.ShapeDtypeStruct((NC, NS, ROWS_PT, H), jnp.float32),
    mesh=_SC_MESH,
    scratch_types=[
        pltpu.VMEM((NCHUNK, CH), jnp.int32),
        pltpu.VMEM((NCHUNK, CH), jnp.int32),
        pltpu.VMEM((CH, H), jnp.float32),
        pltpu.VMEM_SHARED((NP, H), jnp.float32),
        pltpu.SemaphoreType.DMA,
    ],
    compiler_params=_SC_PARAMS,
)
def _sc_conv(src_hbm, dst_hbm, table_hbm, zeros_hbm, acc_out,
             sidx_v, didx_v, msg_v, acc_sh, sem):
    cid = lax.axis_index("c")
    sid = lax.axis_index("s")
    wid = cid * NS + sid
    pltpu.sync_copy(zeros_hbm, acc_sh.at[pl.ds(sid * ROWS_PT, ROWS_PT)])
    pltpu.sync_copy(src_hbm.at[wid], sidx_v)
    pltpu.sync_copy(dst_hbm.at[wid], didx_v)
    plsc.subcore_barrier()

    def _chunk(j, carry):
        pltpu.async_copy(table_hbm.at[sidx_v.at[j]], msg_v, sem).wait()
        pltpu.sync_copy(msg_v, acc_sh.at[didx_v.at[j]], add=True)
        return carry

    lax.fori_loop(0, NCHUNK, _chunk, 0)
    plsc.subcore_barrier()
    pltpu.sync_copy(acc_sh.at[pl.ds(sid * ROWS_PT, ROWS_PT)], acc_out.at[cid, sid])


@functools.partial(
    pl.kernel,
    out_type=jax.ShapeDtypeStruct((NW, DEPW), jnp.float32),
    mesh=_SC_MESH,
    scratch_types=[
        pltpu.VMEM((DEPW,), jnp.int32),
        pltpu.VMEM((DEPW,), jnp.int32),
        pltpu.VMEM((DEPW,), jnp.float32),
        pltpu.VMEM((NP,), jnp.float32),
        pltpu.VMEM((NP,), jnp.float32),
    ],
    compiler_params=pltpu.CompilerParams(
        use_tc_tiling_on_sc=False, needs_layout_passes=False),
)
def _sc_dec(sidx_hbm, tidx_hbm, ut_hbm, vt_hbm, out_hbm,
            sv_v, tv_v, acc_v, urow_v, vrow_v):
    cid = lax.axis_index("c")
    sid = lax.axis_index("s")
    wid = cid * NS + sid
    pltpu.sync_copy(sidx_hbm.at[wid], sv_v)
    pltpu.sync_copy(tidx_hbm.at[wid], tv_v)

    def _zero(b, carry):
        acc_v[pl.ds(b * 16, 16)] = jnp.zeros((16,), jnp.float32)
        return carry

    lax.fori_loop(0, NB16, _zero, 0)
    for k in range(F_AUG):
        pltpu.sync_copy(ut_hbm.at[k], urow_v)
        pltpu.sync_copy(vt_hbm.at[k], vrow_v)

        def _dot(b, carry):
            s = sv_v[pl.ds(b * 16, 16)]
            t = tv_v[pl.ds(b * 16, 16)]
            a = plsc.load_gather(urow_v, [s])
            bb = plsc.load_gather(vrow_v, [t])
            acc_v[pl.ds(b * 16, 16)] = acc_v[pl.ds(b * 16, 16)] + a * bb
            return carry

        lax.fori_loop(0, NB16, _dot, 0)

    def _sig(b, carry):
        v = acc_v[pl.ds(b * 16, 16)]
        acc_v[pl.ds(b * 16, 16)] = 1.0 / (1.0 + jnp.exp(-v))
        return carry

    lax.fori_loop(0, NB16, _sig, 0)
    pltpu.sync_copy(acc_v, out_hbm.at[wid])


def _tc1_body(x_ref, w1_ref, degp_ref, hpT_ref, dinvT_ref):
    h0T = lax.dot_general(w1_ref[...], x_ref[...], (((0,), (1,)), ((), ())),
                          preferred_element_type=jnp.float32)
    deg = degp_ref[0:1, :] + degp_ref[1:2, :] + 1.0
    dinvT = lax.rsqrt(deg)
    hpT_ref[...] = h0T * dinvT
    dinvT_ref[...] = dinvT


_tc1 = pl.pallas_call(
    _tc1_body,
    out_shape=[jax.ShapeDtypeStruct((H, N), jnp.float32),
               jax.ShapeDtypeStruct((1, N), jnp.float32)],
)


def _tc2_body(accT_ref, hpT_ref, dinvT_ref, b1_ref, hp2T_ref):
    s = accT_ref[0] + accT_ref[1] + hpT_ref[...]
    h = jnp.maximum(dinvT_ref[...] * s + b1_ref[...], 0.0)
    hp2T_ref[...] = h * dinvT_ref[...]


_tc2 = pl.pallas_call(
    _tc2_body,
    out_shape=jax.ShapeDtypeStruct((H, N), jnp.float32),
)


def _tc3_body(accT_ref, hp2T_ref, dinvT_ref, w2_ref, b2_ref, ut_ref, vt_ref):
    g2T = dinvT_ref[...] * (accT_ref[0] + accT_ref[1] + hp2T_ref[...])
    w2 = w2_ref[...]
    q = lax.dot_general(w2, w2, (((1,), (1,)), ((), ())),
                        preferred_element_type=jnp.float32)
    pT = lax.dot_general(q, g2T, (((1,), (0,)), ((), ())),
                         preferred_element_type=jnp.float32)
    b2 = b2_ref[...]
    w2b2 = lax.dot_general(w2, b2, (((1,), (1,)), ((), ())),
                           preferred_element_type=jnp.float32)
    dT = lax.dot_general(w2b2, g2T, (((0,), (0,)), ((), ())),
                         preferred_element_type=jnp.float32)
    c = jnp.sum(b2 * b2)
    ones = jnp.ones((1, N), jnp.float32)
    ut_ref[...] = jnp.concatenate([g2T, dT, ones], axis=0)
    vt_ref[...] = jnp.concatenate([pT, ones, dT + c], axis=0)


_tc3 = pl.pallas_call(
    _tc3_body,
    out_shape=[jax.ShapeDtypeStruct((F_AUG, N), jnp.float32),
               jax.ShapeDtypeStruct((F_AUG, N), jnp.float32)],
)


def kernel(x, pos_edge_index, neg_edge_index, W1, b1, W2, b2):
    pei = pos_edge_index.astype(jnp.int32)
    nei = neg_edge_index.astype(jnp.int32)
    src_c = pei[0].reshape(NW, NCHUNK, CH)
    dst_c = pei[1].reshape(NW, NCHUNK, CH)
    deg_z = jnp.zeros((ROWS_PT,), jnp.float32)
    conv_z = jnp.zeros((ROWS_PT, H), jnp.float32)

    degp = _sc_deg(dst_c, deg_z)
    hpT, dinvT = _tc1(x, W1, degp.reshape(NC, NP)[:, :N])
    hp = jnp.pad(hpT.T, ((0, NP - N), (0, 0)))
    acc1 = _sc_conv(src_c, dst_c, hp, conv_z)
    acc1T = acc1.reshape(NC, NP, H)[:, :N, :].transpose(0, 2, 1)
    hp2T = _tc2(acc1T, hpT, dinvT, b1.reshape(H, 1))
    hp2 = jnp.pad(hp2T.T, ((0, NP - N), (0, 0)))
    acc2 = _sc_conv(src_c, dst_c, hp2, conv_z)
    acc2T = acc2.reshape(NC, NP, H)[:, :N, :].transpose(0, 2, 1)
    ut, vt = _tc3(acc2T, hp2T, dinvT, W2, b2.reshape(1, D))
    utp = jnp.pad(ut, ((0, 0), (0, NP - N)))
    vtp = jnp.pad(vt, ((0, 0), (0, NP - N)))
    s_all = jnp.concatenate([pei[0], nei[0]]).reshape(NW, DEPW)
    t_all = jnp.concatenate([pei[1], nei[1]]).reshape(NW, DEPW)
    logits = _sc_dec(s_all, t_all, utp, vtp)
    return logits.reshape(DE, 1)

# --- scband reference (transcript-rebuilt; emitter-appended) ---
"""Pipeline reference for scband-gnn-l-32727650795998 (READ-ONLY COPY).

The authoritative reference and input builder live on the scoring server;
editing this copy changes nothing except your own understanding.
"""

import jax, jax.numpy as jnp
import numpy as np

N_NODES = 10000
N_EDGES = 320000
D_FEAT = 128
HIDDEN = 16


def gcn_conv(x, edge_index, W, b):
    # Faithful PyG GCNConv (default: add_self_loops=True, normalize=True, bias=True)
    N = x.shape[0]
    loop = jnp.arange(N, dtype=edge_index.dtype)
    ei = jnp.concatenate([edge_index, jnp.stack([loop, loop], axis=0)], axis=1)
    src = ei[0]
    dst = ei[1]
    # linear transform first (lin has no bias in PyG GCNConv)
    h = x @ W
    # symmetric normalization: deg computed via scatter-add of edge weights (1.0) on dst
    deg = jnp.zeros((N,), dtype=x.dtype).at[dst].add(1.0)
    deg_inv_sqrt = jnp.where(deg > 0, deg ** -0.5, 0.0)
    norm = deg_inv_sqrt[src] * deg_inv_sqrt[dst]
    # gather messages from src, scale, scatter-add into dst
    msg = h[src] * norm[:, None]
    out = jnp.zeros((N, h.shape[1]), dtype=x.dtype).at[dst].add(msg)
    return out + b


def setup_inputs(seed: int = 0) -> dict:
    key = jax.random.key(seed)
    k_x, k_p, k_n, k_w1, k_b1, k_w2, k_b2 = jax.random.split(key, 7)
    x = jax.random.normal(k_x, (N_NODES, D_FEAT), dtype=jnp.float32)
    pos_edge_index = jax.random.randint(k_p, (2, N_EDGES), 0, N_NODES, dtype=jnp.int64)
    neg_edge_index = jax.random.randint(k_n, (2, N_EDGES), 0, N_NODES, dtype=jnp.int64)
    W1 = jax.random.normal(k_w1, (D_FEAT, HIDDEN), dtype=jnp.float32) * (1.0 / np.sqrt(D_FEAT))
    b1 = jnp.zeros((HIDDEN,), dtype=jnp.float32)
    W2 = jax.random.normal(k_w2, (HIDDEN, D_FEAT), dtype=jnp.float32) * (1.0 / np.sqrt(HIDDEN))
    b2 = jnp.zeros((D_FEAT,), dtype=jnp.float32)
    return {"x": x, "pos_edge_index": pos_edge_index, "neg_edge_index": neg_edge_index,
            "W1": W1, "b1": b1, "W2": W2, "b2": b2}


def reference(x, pos_edge_index, neg_edge_index, W1, b1, W2, b2):
    # GCN_Encoder
    h = gcn_conv(x, pos_edge_index, W1, b1)
    h = jax.nn.relu(h)
    z = gcn_conv(h, pos_edge_index, W2, b2)
    # Decoder: dot-product link prediction over pos + neg edges
    fwd_ei = jnp.concatenate([pos_edge_index, neg_edge_index], axis=-1)
    src = fwd_ei[0]
    tar = fwd_ei[1]
    logits = (z[src] * z[tar]).sum(axis=-1)
    logits = logits[:, None]
    return jax.nn.sigmoid(logits)

if __name__ == "__main__":
    import jax
    _d = setup_inputs()
    print(jax.jit(kernel)(*tuple(_d.values())))

</pallas_src>

<mosaic_0001>
#map = affine_map<(d0, d1) -> (0, 0, 0)>
#map1 = affine_map<(d0, d1) -> (0, 0)>
#map2 = affine_map<(d0, d1) -> (0, 0, 0, 0)>
module attributes {stable_mosaic.version = 14 : i64} {
  func.func @_sc_conv(%arg0: i32, %arg1: i32, %arg2: memref<32x125x80xi32, #tpu.memory_space<hbm>>, %arg3: memref<32x125x80xi32, #tpu.memory_space<hbm>>, %arg4: memref<10240x16xf32, #tpu.memory_space<hbm>>, %arg5: memref<640x16xf32, #tpu.memory_space<hbm>>, %arg6: memref<2x16x640x16xf32, #tpu.memory_space<hbm>>, %arg7: memref<125x80xi32, #tpu.memory_space<vmem>>, %arg8: memref<125x80xi32, #tpu.memory_space<vmem>>, %arg9: memref<80x16xf32, #tpu.memory_space<vmem>>, %arg10: memref<10240x16xf32, #tpu.memory_space<vmem_shared>>, %arg11: memref<!tpu.dma_semaphore, #tpu.memory_space<semaphore_mem>>) attributes {dimension_semantics = [#tpu.dimension_semantics<core_parallel>, #tpu.dimension_semantics<subcore_parallel>], iteration_bounds = array<i64: 2, 16>, scalar_prefetch = 0 : i64, scratch_operands = 5 : i64, tpu.core_type = #tpu.core_type<sc_vector_subcore>, window_params = [{transform_indices = #map}, {transform_indices = #map}, {transform_indices = #map1}, {transform_indices = #map1}, {transform_indices = #map2}]} {
    %mul3A = arith.constant 16 : i32
    %mul3A_0 = arith.muli %arg0, %mul3A : i32
    %add3A = arith.addi %mul3A_0, %arg1 : i32
    %mul3A_1 = arith.constant 640 : i32
    %mul3A_2 = arith.muli %arg1, %mul3A_1 : i32
    "tpu.region"() ({
      %run_scoped3A = tpu.sem_alloc : memref<!tpu.dma_semaphore, #tpu.memory_space<semaphore_mem>>
      %dma_start3A = arith.constant 0 : i32
      %dma_start3A_11 = tpu.memref_slice %arg10[%mul3A_2, %dma_start3A] : memref<10240x16xf32, #tpu.memory_space<vmem_shared>> -> memref<640x16xf32, #tpu.memory_space<vmem_shared>>
      tpu.enqueue_dma source(%arg5 : memref<640x16xf32, #tpu.memory_space<hbm>>) target(%dma_start3A_11 : memref<640x16xf32, #tpu.memory_space<vmem_shared>>) target_semaphore(%run_scoped3A : memref<!tpu.dma_semaphore, #tpu.memory_space<semaphore_mem>>)
      %dma_wait3A = arith.constant 0 : i32
      %dma_wait3A_12 = tpu.memref_slice %arg10[%mul3A_2, %dma_wait3A] : memref<10240x16xf32, #tpu.memory_space<vmem_shared>> -> memref<640x16xf32, #tpu.memory_space<vmem_shared>>
      tpu.wait_dma2 semaphore(%run_scoped3A : memref<!tpu.dma_semaphore, #tpu.memory_space<semaphore_mem>>) src(%arg5 : memref<640x16xf32, #tpu.memory_space<hbm>>) dst(%dma_wait3A_12 : memref<640x16xf32, #tpu.memory_space<vmem_shared>>)
      tpu.yield
    }) : () -> ()
    "tpu.region"() ({
      %run_scoped3A = tpu.sem_alloc : memref<!tpu.dma_semaphore, #tpu.memory_space<semaphore_mem>>
      %dma_start3A = arith.constant 0 : i32
      %dma_start3A_11 = arith.constant 0 : i32
      %dma_start3A_12 = tpu.memref_slice %arg2[%add3A, %dma_start3A, %dma_start3A_11] : memref<32x125x80xi32, #tpu.memory_space<hbm>> -> memref<1x125x80xi32, #tpu.memory_space<hbm>>
      %dma_start3A_13 = tpu.memref_squeeze %dma_start3A_12 : memref<1x125x80xi32, #tpu.memory_space<hbm>> -> memref<125x80xi32, #tpu.memory_space<hbm>>
      %dma_start3A_14 = arith.constant 0 : i32
      %dma_start3A_15 = arith.constant 0 : i32
      %dma_start3A_16 = tpu.memref_slice %arg2[%add3A, %dma_start3A_14, %dma_start3A_15] : memref<32x125x80xi32, #tpu.memory_space<hbm>> -> memref<1x125x80xi32, #tpu.memory_space<hbm>>
      %dma_start3A_17 = tpu.memref_squeeze %dma_start3A_16 : memref<1x125x80xi32, #tpu.memory_space<hbm>> -> memref<125x80xi32, #tpu.memory_space<hbm>>
      tpu.enqueue_dma source(%dma_start3A_17 : memref<125x80xi32, #tpu.memory_space<hbm>>) target(%arg7 : memref<125x80xi32, #tpu.memory_space<vmem>>) target_semaphore(%run_scoped3A : memref<!tpu.dma_semaphore, #tpu.memory_space<semaphore_mem>>)
      %dma_wait3A = arith.constant 0 : i32
      %dma_wait3A_18 = arith.constant 0 : i32
      %dma_wait3A_19 = tpu.memref_slice %arg2[%add3A, %dma_wait3A, %dma_wait3A_18] : memref<32x125x80xi32, #tpu.memory_space<hbm>> -> memref<1x125x80xi32, #tpu.memory_space<hbm>>
      %dma_wait3A_20 = tpu.memref_squeeze %dma_wait3A_19 : memref<1x125x80xi32, #tpu.memory_space<hbm>> -> memref<125x80xi32, #tpu.memory_space<hbm>>
      %dma_wait3A_21 = arith.constant 0 : i32
      %dma_wait3A_22 = arith.constant 0 : i32
      %dma_wait3A_23 = tpu.memref_slice %arg2[%add3A, %dma_wait3A_21, %dma_wait3A_22] : memref<32x125x80xi32, #tpu.memory_space<hbm>> -> memref<1x125x80xi32, #tpu.memory_space<hbm>>
      %dma_wait3A_24 = tpu.memref_squeeze %dma_wait3A_23 : memref<1x125x80xi32, #tpu.memory_space<hbm>> -> memref<125x80xi32, #tpu.memory_space<hbm>>
      tpu.wait_dma2 semaphore(%run_scoped3A : memref<!tpu.dma_semaphore, #tpu.memory_space<semaphore_mem>>) src(%dma_wait3A_24 : memref<125x80xi32, #tpu.memory_space<hbm>>) dst(%arg7 : memref<125x80xi32, #tpu.memory_space<vmem>>)
      tpu.yield
    }) : () -> ()
    "tpu.region"() ({
      %run_scoped3A = tpu.sem_alloc : memref<!tpu.dma_semaphore, #tpu.memory_space<semaphore_mem>>
      %dma_start3A = arith.constant 0 : i32
      %dma_start3A_11 = arith.constant 0 : i32
      %dma_start3A_12 = tpu.memref_slice %arg3[%add3A, %dma_start3A, %dma_start3A_11] : memref<32x125x80xi32, #tpu.memory_space<hbm>> -> memref<1x125x80xi32, #tpu.memory_space<hbm>>
      %dma_start3A_13 = tpu.memref_squeeze %dma_start3A_12 : memref<1x125x80xi32, #tpu.memory_space<hbm>> -> memref<125x80xi32, #tpu.memory_space<hbm>>
      %dma_start3A_14 = arith.constant 0 : i32
      %dma_start3A_15 = arith.constant 0 : i32
      %dma_start3A_16 = tpu.memref_slice %arg3[%add3A, %dma_start3A_14, %dma_start3A_15] : memref<32x125x80xi32, #tpu.memory_space<hbm>> -> memref<1x125x80xi32, #tpu.memory_space<hbm>>
      %dma_start3A_17 = tpu.memref_squeeze %dma_start3A_16 : memref<1x125x80xi32, #tpu.memory_space<hbm>> -> memref<125x80xi32, #tpu.memory_space<hbm>>
      tpu.enqueue_dma source(%dma_start3A_17 : memref<125x80xi32, #tpu.memory_space<hbm>>) target(%arg8 : memref<125x80xi32, #tpu.memory_space<vmem>>) target_semaphore(%run_scoped3A : memref<!tpu.dma_semaphore, #tpu.memory_space<semaphore_mem>>)
      %dma_wait3A = arith.constant 0 : i32
      %dma_wait3A_18 = arith.constant 0 : i32
      %dma_wait3A_19 = tpu.memref_slice %arg3[%add3A, %dma_wait3A, %dma_wait3A_18] : memref<32x125x80xi32, #tpu.memory_space<hbm>> -> memref<1x125x80xi32, #tpu.memory_space<hbm>>
      %dma_wait3A_20 = tpu.memref_squeeze %dma_wait3A_19 : memref<1x125x80xi32, #tpu.memory_space<hbm>> -> memref<125x80xi32, #tpu.memory_space<hbm>>
      %dma_wait3A_21 = arith.constant 0 : i32
      %dma_wait3A_22 = arith.constant 0 : i32
      %dma_wait3A_23 = tpu.memref_slice %arg3[%add3A, %dma_wait3A_21, %dma_wait3A_22] : memref<32x125x80xi32, #tpu.memory_space<hbm>> -> memref<1x125x80xi32, #tpu.memory_space<hbm>>
      %dma_wait3A_24 = tpu.memref_squeeze %dma_wait3A_23 : memref<1x125x80xi32, #tpu.memory_space<hbm>> -> memref<125x80xi32, #tpu.memory_space<hbm>>
      tpu.wait_dma2 semaphore(%run_scoped3A : memref<!tpu.dma_semaphore, #tpu.memory_space<semaphore_mem>>) src(%dma_wait3A_24 : memref<125x80xi32, #tpu.memory_space<hbm>>) dst(%arg8 : memref<125x80xi32, #tpu.memory_space<vmem>>)
      tpu.yield
    }) : () -> ()
    %barrier3A = arith.constant 0 : index
    tpu.barrier barrier_id(%barrier3A)
    %scan3A = arith.constant 0 : i32
    %scan3A_3 = arith.constant 0 : i32
    %scan3A_4 = arith.constant 125 : i32
    %scan3A_5 = arith.addi %scan3A_3, %scan3A_4 : i32
    %scan3A_6 = arith.constant 1 : i32
    scf.for %scan3A_11 = %scan3A_3 to %scan3A_5 step %scan3A_6  : i32 {
      %dma_start3A = arith.constant 0 : i32
      %dma_start3A_12 = tpu.memref_slice %arg7[%scan3A_11, %dma_start3A] : memref<125x80xi32, #tpu.memory_space<vmem>> -> memref<1x80xi32, #tpu.memory_space<vmem>>
      %dma_start3A_13 = tpu.memref_squeeze %dma_start3A_12 : memref<1x80xi32, #tpu.memory_space<vmem>> -> memref<80xi32, #tpu.memory_space<vmem>>
      %dma_start3A_14 = arith.constant 0 : i32
      %dma_start3A_15 = arith.constant 0 : i32
      %dma_start3A_16 = tpu.memref_slice %arg4[%dma_start3A_14, %dma_start3A_15] : memref<10240x16xf32, #tpu.memory_space<hbm>> -> memref<10240x16xf32, #tpu.memory_space<hbm>>
      tpu.enqueue_indirect_dma source(%dma_start3A_16 : memref<10240x16xf32, #tpu.memory_space<hbm>>) target(%arg9 : memref<80x16xf32, #tpu.memory_space<vmem>>) offsets(%dma_start3A_13 : memref<80xi32, #tpu.memory_space<vmem>>) semaphore(%arg11 : memref<!tpu.dma_semaphore, #tpu.memory_space<semaphore_mem>>)
      %dma_wait3A = arith.constant 0 : i32
      %dma_wait3A_17 = tpu.memref_slice %arg7[%scan3A_11, %dma_wait3A] : memref<125x80xi32, #tpu.memory_space<vmem>> -> memref<1x80xi32, #tpu.memory_space<vmem>>
      %dma_wait3A_18 = tpu.memref_squeeze %dma_wait3A_17 : memref<1x80xi32, #tpu.memory_space<vmem>> -> memref<80xi32, #tpu.memory_space<vmem>>
      %dma_wait3A_19 = arith.constant 0 : i32
      %dma_wait3A_20 = arith.constant 0 : i32
      %dma_wait3A_21 = tpu.memref_slice %arg4[%dma_wait3A_19, %dma_wait3A_20] : memref<10240x16xf32, #tpu.memory_space<hbm>> -> memref<10240x16xf32, #tpu.memory_space<hbm>>
      tpu.wait_indirect_dma semaphore(%arg11 : memref<!tpu.dma_semaphore, #tpu.memory_space<semaphore_mem>>) src(%dma_wait3A_21 : memref<10240x16xf32, #tpu.memory_space<hbm>>) dst(%arg9 : memref<80x16xf32, #tpu.memory_space<vmem>>)
      "tpu.region"() ({
        %run_scoped3A = tpu.sem_alloc : memref<!tpu.dma_semaphore, #tpu.memory_space<semaphore_mem>>
        %dma_start3A_22 = arith.constant 0 : i32
        %dma_start3A_23 = tpu.memref_slice %arg8[%scan3A_11, %dma_start3A_22] : memref<125x80xi32, #tpu.memory_space<vmem>> -> memref<1x80xi32, #tpu.memory_space<vmem>>
        %dma_start3A_24 = tpu.memref_squeeze %dma_start3A_23 : memref<1x80xi32, #tpu.memory_space<vmem>> -> memref<80xi32, #tpu.memory_space<vmem>>
        %dma_start3A_25 = arith.constant 0 : i32
        %dma_start3A_26 = arith.constant 0 : i32
        %dma_start3A_27 = tpu.memref_slice %arg10[%dma_start3A_25, %dma_start3A_26] : memref<10240x16xf32, #tpu.memory_space<vmem_shared>> -> memref<10240x16xf32, #tpu.memory_space<vmem_shared>>
        tpu.enqueue_indirect_dma source(%arg9 : memref<80x16xf32, #tpu.memory_space<vmem>>) target(%dma_start3A_27 : memref<10240x16xf32, #tpu.memory_space<vmem_shared>>) offsets(%dma_start3A_24 : memref<80xi32, #tpu.memory_space<vmem>>) semaphore(%run_scoped3A : memref<!tpu.dma_semaphore, #tpu.memory_space<semaphore_mem>>) {add = true}
        %dma_wait3A_28 = arith.constant 0 : i32
        %dma_wait3A_29 = tpu.memref_slice %arg8[%scan3A_11, %dma_wait3A_28] : memref<125x80xi32, #tpu.memory_space<vmem>> -> memref<1x80xi32, #tpu.memory_space<vmem>>
        %dma_wait3A_30 = tpu.memref_squeeze %dma_wait3A_29 : memref<1x80xi32, #tpu.memory_space<vmem>> -> memref<80xi32, #tpu.memory_space<vmem>>
        %dma_wait3A_31 = arith.constant 0 : i32
        %dma_wait3A_32 = arith.constant 0 : i32
        %dma_wait3A_33 = tpu.memref_slice %arg10[%dma_wait3A_31, %dma_wait3A_32] : memref<10240x16xf32, #tpu.memory_space<vmem_shared>> -> memref<10240x16xf32, #tpu.memory_space<vmem_shared>>
        tpu.wait_indirect_dma semaphore(%run_scoped3A : memref<!tpu.dma_semaphore, #tpu.memory_space<semaphore_mem>>) src(%arg9 : memref<80x16xf32, #tpu.memory_space<vmem>>) dst(%dma_wait3A_33 : memref<10240x16xf32, #tpu.memory_space<vmem_shared>>)
        tpu.yield
      }) : () -> ()
    }
    %scan3A_7 = arith.constant 125 : i32
    %barrier3A_8 = arith.constant 0 : index
    tpu.barrier barrier_id(%barrier3A_8)
    %mul3A_9 = arith.constant 640 : i32
    %mul3A_10 = arith.muli %arg1, %mul3A_9 : i32
    "tpu.region"() ({
      %run_scoped3A = tpu.sem_alloc : memref<!tpu.dma_semaphore, #tpu.memory_space<semaphore_mem>>
      %dma_start3A = arith.constant 0 : i32
      %dma_start3A_11 = arith.constant 0 : i32
      %dma_start3A_12 = tpu.memref_slice %arg6[%arg0, %arg1, %dma_start3A, %dma_start3A_11] : memref<2x16x640x16xf32, #tpu.memory_space<hbm>> -> memref<1x1x640x16xf32, #tpu.memory_space<hbm>>
      %dma_start3A_13 = tpu.memref_squeeze %dma_start3A_12 : memref<1x1x640x16xf32, #tpu.memory_space<hbm>> -> memref<640x16xf32, #tpu.memory_space<hbm>>
      %dma_start3A_14 = arith.constant 0 : i32
      %dma_start3A_15 = tpu.memref_slice %arg10[%mul3A_10, %dma_start3A_14] : memref<10240x16xf32, #tpu.memory_space<vmem_shared>> -> memref<640x16xf32, #tpu.memory_space<vmem_shared>>
      tpu.enqueue_dma source(%dma_start3A_15 : memref<640x16xf32, #tpu.memory_space<vmem_shared>>) target(%dma_start3A_13 : memref<640x16xf32, #tpu.memory_space<hbm>>) target_semaphore(%run_scoped3A : memref<!tpu.dma_semaphore, #tpu.memory_space<semaphore_mem>>)
      %dma_wait3A = arith.constant 0 : i32
      %dma_wait3A_16 = arith.constant 0 : i32
      %dma_wait3A_17 = tpu.memref_slice %arg6[%arg0, %arg1, %dma_wait3A, %dma_wait3A_16] : memref<2x16x640x16xf32, #tpu.memory_space<hbm>> -> memref<1x1x640x16xf32, #tpu.memory_space<hbm>>
      %dma_wait3A_18 = tpu.memref_squeeze %dma_wait3A_17 : memref<1x1x640x16xf32, #tpu.memory_space<hbm>> -> memref<640x16xf32, #tpu.memory_space<hbm>>
      %dma_wait3A_19 = arith.constant 0 : i32
      %dma_wait3A_20 = tpu.memref_slice %arg10[%mul3A_10, %dma_wait3A_19] : memref<10240x16xf32, #tpu.memory_space<vmem_shared>> -> memref<640x16xf32, #tpu.memory_space<vmem_shared>>
      tpu.wait_dma2 semaphore(%run_scoped3A : memref<!tpu.dma_semaphore, #tpu.memory_space<semaphore_mem>>) src(%dma_wait3A_20 : memref<640x16xf32, #tpu.memory_space<vmem_shared>>) dst(%dma_wait3A_18 : memref<640x16xf32, #tpu.memory_space<hbm>>)
      tpu.yield
    }) : () -> ()
    return
  }
}

#map = affine_map<(d0, d1) -> (0, 0, 0)>
#map1 = affine_map<(d0, d1) -> (0)>
module attributes {stable_mosaic.version = 14 : i64} {
  func.func @_sc_deg(%arg0: i32, %arg1: i32, %arg2: memref<32x125x80xi32, #tpu.memory_space<hbm>>, %arg3: memref<640xf32, #tpu.memory_space<hbm>>, %arg4: memref<2x16x640xf32, #tpu.memory_space<hbm>>, %arg5: memref<125x80xi32, #tpu.memory_space<vmem>>, %arg6: memref<80xf32, #tpu.memory_space<vmem>>, %arg7: memref<10240xf32, #tpu.memory_space<vmem_shared>>) attributes {dimension_semantics = [#tpu.dimension_semantics<core_parallel>, #tpu.dimension_semantics<subcore_parallel>], iteration_bounds = array<i64: 2, 16>, scalar_prefetch = 0 : i64, scratch_operands = 3 : i64, tpu.core_type = #tpu.core_type<sc_vector_subcore>, window_params = [{transform_indices = #map}, {transform_indices = #map1}, {transform_indices = #map}]} {
    %mul3A = arith.constant 16 : i32
    %mul3A_0 = arith.muli %arg0, %mul3A : i32
    %add3A = arith.addi %mul3A_0, %arg1 : i32
    %mul3A_1 = arith.constant 640 : i32
    %mul3A_2 = arith.muli %arg1, %mul3A_1 : i32
    "tpu.region"() ({
      %run_scoped3A = tpu.sem_alloc : memref<!tpu.dma_semaphore, #tpu.memory_space<semaphore_mem>>
      %dma_start3A = tpu.memref_slice %arg7[%mul3A_2] : memref<10240xf32, #tpu.memory_space<vmem_shared>> -> memref<640xf32, #tpu.memory_space<vmem_shared>>
      tpu.enqueue_dma source(%arg3 : memref<640xf32, #tpu.memory_space<hbm>>) target(%dma_start3A : memref<640xf32, #tpu.memory_space<vmem_shared>>) target_semaphore(%run_scoped3A : memref<!tpu.dma_semaphore, #tpu.memory_space<semaphore_mem>>)
      %dma_wait3A = tpu.memref_slice %arg7[%mul3A_2] : memref<10240xf32, #tpu.memory_space<vmem_shared>> -> memref<640xf32, #tpu.memory_space<vmem_shared>>
      tpu.wait_dma2 semaphore(%run_scoped3A : memref<!tpu.dma_semaphore, #tpu.memory_space<semaphore_mem>>) src(%arg3 : memref<640xf32, #tpu.memory_space<hbm>>) dst(%dma_wait3A : memref<640xf32, #tpu.memory_space<vmem_shared>>)
      tpu.yield
    }) : () -> ()
    "tpu.region"() ({
      %run_scoped3A = tpu.sem_alloc : memref<!tpu.dma_semaphore, #tpu.memory_space<semaphore_mem>>
      %dma_start3A = arith.constant 0 : i32
      %dma_start3A_39 = arith.constant 0 : i32
      %dma_start3A_40 = tpu.memref_slice %arg2[%add3A, %dma_start3A, %dma_start3A_39] : memref<32x125x80xi32, #tpu.memory_space<hbm>> -> memref<1x125x80xi32, #tpu.memory_space<hbm>>
      %dma_start3A_41 = tpu.memref_squeeze %dma_start3A_40 : memref<1x125x80xi32, #tpu.memory_space<hbm>> -> memref<125x80xi32, #tpu.memory_space<hbm>>
      %dma_start3A_42 = arith.constant 0 : i32
      %dma_start3A_43 = arith.constant 0 : i32
      %dma_start3A_44 = tpu.memref_slice %arg2[%add3A, %dma_start3A_42, %dma_start3A_43] : memref<32x125x80xi32, #tpu.memory_space<hbm>> -> memref<1x125x80xi32, #tpu.memory_space<hbm>>
      %dma_start3A_45 = tpu.memref_squeeze %dma_start3A_44 : memref<1x125x80xi32, #tpu.memory_space<hbm>> -> memref<125x80xi32, #tpu.memory_space<hbm>>
      tpu.enqueue_dma source(%dma_start3A_45 : memref<125x80xi32, #tpu.memory_space<hbm>>) target(%arg5 : memref<125x80xi32, #tpu.memory_space<vmem>>) target_semaphore(%run_scoped3A : memref<!tpu.dma_semaphore, #tpu.memory_space<semaphore_mem>>)
      %dma_wait3A = arith.constant 0 : i32
      %dma_wait3A_46 = arith.constant 0 : i32
      %dma_wait3A_47 = tpu.memref_slice %arg2[%add3A, %dma_wait3A, %dma_wait3A_46] : memref<32x125x80xi32, #tpu.memory_space<hbm>> -> memref<1x125x80xi32, #tpu.memory_space<hbm>>
      %dma_wait3A_48 = tpu.memref_squeeze %dma_wait3A_47 : memref<1x125x80xi32, #tpu.memory_space<hbm>> -> memref<125x80xi32, #tpu.memory_space<hbm>>
      %dma_wait3A_49 = arith.constant 0 : i32
      %dma_wait3A_50 = arith.constant 0 : i32
      %dma_wait3A_51 = tpu.memref_slice %arg2[%add3A, %dma_wait3A_49, %dma_wait3A_50] : memref<32x125x80xi32, #tpu.memory_space<hbm>> -> memref<1x125x80xi32, #tpu.memory_space<hbm>>
      %dma_wait3A_52 = tpu.memref_squeeze %dma_wait3A_51 : memref<1x125x80xi32, #tpu.memory_space<hbm>> -> memref<125x80xi32, #tpu.memory_space<hbm>>
      tpu.wait_dma2 semaphore(%run_scoped3A : memref<!tpu.dma_semaphore, #tpu.memory_space<semaphore_mem>>) src(%dma_wait3A_52 : memref<125x80xi32, #tpu.memory_space<hbm>>) dst(%arg5 : memref<125x80xi32, #tpu.memory_space<vmem>>)
      tpu.yield
    }) : () -> ()
    %broadcast_in_dim3A = arith.constant 1.000000e+00 : f32
    %broadcast_in_dim3A_3 = vector.broadcast %broadcast_in_dim3A : f32 to vector<16xf32>
    %swap3A = arith.constant 0 : index
    %swap3A_4 = tpu.vector_load %arg6[%swap3A] {strides = array<i32>} : memref<80xf32, #tpu.memory_space<vmem>>, vector<16xf32>,
    %swap3A_5 = vector.shape_cast %swap3A_4 : vector<16xf32> to vector<16xf32>
    %swap3A_6 = vector.shape_cast %broadcast_in_dim3A_3 : vector<16xf32> to vector<16xf32>
    tpu.vector_store %arg6[%swap3A], %swap3A_6 {strides = array<i32>} : memref<80xf32, #tpu.memory_space<vmem>>, vector<16xf32>,
    %broadcast_in_dim3A_7 = arith.constant 1.000000e+00 : f32
    %broadcast_in_dim3A_8 = vector.broadcast %broadcast_in_dim3A_7 : f32 to vector<16xf32>
    %swap3A_9 = arith.constant 16 : index
    %swap3A_10 = tpu.vector_load %arg6[%swap3A_9] {strides = array<i32>} : memref<80xf32, #tpu.memory_space<vmem>>, vector<16xf32>,
    %swap3A_11 = vector.shape_cast %swap3A_10 : vector<16xf32> to vector<16xf32>
    %swap3A_12 = vector.shape_cast %broadcast_in_dim3A_8 : vector<16xf32> to vector<16xf32>
    tpu.vector_store %arg6[%swap3A_9], %swap3A_12 {strides = array<i32>} : memref<80xf32, #tpu.memory_space<vmem>>, vector<16xf32>,
    %broadcast_in_dim3A_13 = arith.constant 1.000000e+00 : f32
    %broadcast_in_dim3A_14 = vector.broadcast %broadcast_in_dim3A_13 : f32 to vector<16xf32>
    %swap3A_15 = arith.constant 32 : index
    %swap3A_16 = tpu.vector_load %arg6[%swap3A_15] {strides = array<i32>} : memref<80xf32, #tpu.memory_space<vmem>>, vector<16xf32>,
    %swap3A_17 = vector.shape_cast %swap3A_16 : vector<16xf32> to vector<16xf32>
    %swap3A_18 = vector.shape_cast %broadcast_in_dim3A_14 : vector<16xf32> to vector<16xf32>
    tpu.vector_store %arg6[%swap3A_15], %swap3A_18 {strides = array<i32>} : memref<80xf32, #tpu.memory_space<vmem>>, vector<16xf32>,
    %broadcast_in_dim3A_19 = arith.constant 1.000000e+00 : f32
    %broadcast_in_dim3A_20 = vector.broadcast %broadcast_in_dim3A_19 : f32 to vector<16xf32>
    %swap3A_21 = arith.constant 48 : index
    %swap3A_22 = tpu.vector_load %arg6[%swap3A_21] {strides = array<i32>} : memref<80xf32, #tpu.memory_space<vmem>>, vector<16xf32>,
    %swap3A_23 = vector.shape_cast %swap3A_22 : vector<16xf32> to vector<16xf32>
    %swap3A_24 = vector.shape_cast %broadcast_in_dim3A_20 : vector<16xf32> to vector<16xf32>
    tpu.vector_store %arg6[%swap3A_21], %swap3A_24 {strides = array<i32>} : memref<80xf32, #tpu.memory_space<vmem>>, vector<16xf32>,
    %broadcast_in_dim3A_25 = arith.constant 1.000000e+00 : f32
    %broadcast_in_dim3A_26 = vector.broadcast %broadcast_in_dim3A_25 : f32 to vector<16xf32>
    %swap3A_27 = arith.constant 64 : index
    %swap3A_28 = tpu.vector_load %arg6[%swap3A_27] {strides = array<i32>} : memref<80xf32, #tpu.memory_space<vmem>>, vector<16xf32>,
    %swap3A_29 = vector.shape_cast %swap3A_28 : vector<16xf32> to vector<16xf32>
    %swap3A_30 = vector.shape_cast %broadcast_in_dim3A_26 : vector<16xf32> to vector<16xf32>
    tpu.vector_store %arg6[%swap3A_27], %swap3A_30 {strides = array<i32>} : memref<80xf32, #tpu.memory_space<vmem>>, vector<16xf32>,
    %barrier3A = arith.constant 0 : index
    tpu.barrier barrier_id(%barrier3A)
    %scan3A = arith.constant 0 : i32
    %scan3A_31 = arith.constant 0 : i32
    %scan3A_32 = arith.constant 125 : i32
    %scan3A_33 = arith.addi %scan3A_31, %scan3A_32 : i32
    %scan3A_34 = arith.constant 1 : i32
    scf.for %scan3A_39 = %scan3A_31 to %scan3A_33 step %scan3A_34  : i32 {
      "tpu.region"() ({
        %run_scoped3A = tpu.sem_alloc : memref<!tpu.dma_semaphore, #tpu.memory_space<semaphore_mem>>
        %dma_start3A = arith.constant 0 : i32
        %dma_start3A_40 = tpu.memref_slice %arg5[%scan3A_39, %dma_start3A] : memref<125x80xi32, #tpu.memory_space<vmem>> -> memref<1x80xi32, #tpu.memory_space<vmem>>
        %dma_start3A_41 = tpu.memref_squeeze %dma_start3A_40 : memref<1x80xi32, #tpu.memory_space<vmem>> -> memref<80xi32, #tpu.memory_space<vmem>>
        %dma_start3A_42 = arith.constant 0 : i32
        %dma_start3A_43 = tpu.memref_slice %arg7[%dma_start3A_42] : memref<10240xf32, #tpu.memory_space<vmem_shared>> -> memref<10240xf32, #tpu.memory_space<vmem_shared>>
        tpu.enqueue_indirect_dma source(%arg6 : memref<80xf32, #tpu.memory_space<vmem>>) target(%dma_start3A_43 : memref<10240xf32, #tpu.memory_space<vmem_shared>>) offsets(%dma_start3A_41 : memref<80xi32, #tpu.memory_space<vmem>>) semaphore(%run_scoped3A : memref<!tpu.dma_semaphore, #tpu.memory_space<semaphore_mem>>) {add = true}
        %dma_wait3A = arith.constant 0 : i32
        %dma_wait3A_44 = tpu.memref_slice %arg5[%scan3A_39, %dma_wait3A] : memref<125x80xi32, #tpu.memory_space<vmem>> -> memref<1x80xi32, #tpu.memory_space<vmem>>
        %dma_wait3A_45 = tpu.memref_squeeze %dma_wait3A_44 : memref<1x80xi32, #tpu.memory_space<vmem>> -> memref<80xi32, #tpu.memory_space<vmem>>
        %dma_wait3A_46 = arith.constant 0 : i32
        %dma_wait3A_47 = tpu.memref_slice %arg7[%dma_wait3A_46] : memref<10240xf32, #tpu.memory_space<vmem_shared>> -> memref<10240xf32, #tpu.memory_space<vmem_shared>>
        tpu.wait_indirect_dma semaphore(%run_scoped3A : memref<!tpu.dma_semaphore, #tpu.memory_space<semaphore_mem>>) src(%arg6 : memref<80xf32, #tpu.memory_space<vmem>>) dst(%dma_wait3A_47 : memref<10240xf32, #tpu.memory_space<vmem_shared>>)
        tpu.yield
      }) : () -> ()
    }
    %scan3A_35 = arith.constant 125 : i32
    %barrier3A_36 = arith.constant 0 : index
    tpu.barrier barrier_id(%barrier3A_36)
    %mul3A_37 = arith.constant 640 : i32
    %mul3A_38 = arith.muli %arg1, %mul3A_37 : i32
    "tpu.region"() ({
      %run_scoped3A = tpu.sem_alloc : memref<!tpu.dma_semaphore, #tpu.memory_space<semaphore_mem>>
      %dma_start3A = arith.constant 0 : i32
      %dma_start3A_39 = tpu.memref_slice %arg4[%arg0, %arg1, %dma_start3A] : memref<2x16x640xf32, #tpu.memory_space<hbm>> -> memref<1x1x640xf32, #tpu.memory_space<hbm>>
      %dma_start3A_40 = tpu.memref_squeeze %dma_start3A_39 : memref<1x1x640xf32, #tpu.memory_space<hbm>> -> memref<640xf32, #tpu.memory_space<hbm>>
      %dma_start3A_41 = tpu.memref_slice %arg7[%mul3A_38] : memref<10240xf32, #tpu.memory_space<vmem_shared>> -> memref<640xf32, #tpu.memory_space<vmem_shared>>
      tpu.enqueue_dma source(%dma_start3A_41 : memref<640xf32, #tpu.memory_space<vmem_shared>>) target(%dma_start3A_40 : memref<640xf32, #tpu.memory_space<hbm>>) target_semaphore(%run_scoped3A : memref<!tpu.dma_semaphore, #tpu.memory_space<semaphore_mem>>)
      %dma_wait3A = arith.constant 0 : i32
      %dma_wait3A_42 = tpu.memref_slice %arg4[%arg0, %arg1, %dma_wait3A] : memref<2x16x640xf32, #tpu.memory_space<hbm>> -> memref<1x1x640xf32, #tpu.memory_space<hbm>>
      %dma_wait3A_43 = tpu.memref_squeeze %dma_wait3A_42 : memref<1x1x640xf32, #tpu.memory_space<hbm>> -> memref<640xf32, #tpu.memory_space<hbm>>
      %dma_wait3A_44 = tpu.memref_slice %arg7[%mul3A_38] : memref<10240xf32, #tpu.memory_space<vmem_shared>> -> memref<640xf32, #tpu.memory_space<vmem_shared>>
      tpu.wait_dma2 semaphore(%run_scoped3A : memref<!tpu.dma_semaphore, #tpu.memory_space<semaphore_mem>>) src(%dma_wait3A_44 : memref<640xf32, #tpu.memory_space<vmem_shared>>) dst(%dma_wait3A_43 : memref<640xf32, #tpu.memory_space<hbm>>)
      tpu.yield
    }) : () -> ()
    return
  }
}

#map = affine_map<(d0, d1) -> (0, 0)>
module attributes {stable_mosaic.version = 14 : i64} {
  func.func @_sc_dec(%arg0: i32, %arg1: i32, %arg2: memref<32x20000xi32, #tpu.memory_space<hbm>>, %arg3: memref<32x20000xi32, #tpu.memory_space<hbm>>, %arg4: memref<18x10240xf32, #tpu.memory_space<hbm>>, %arg5: memref<18x10240xf32, #tpu.memory_space<hbm>>, %arg6: memref<32x20000xf32, #tpu.memory_space<hbm>>, %arg7: memref<20000xi32, #tpu.memory_space<vmem>>, %arg8: memref<20000xi32, #tpu.memory_space<vmem>>, %arg9: memref<20000xf32, #tpu.memory_space<vmem>>, %arg10: memref<10240xf32, #tpu.memory_space<vmem>>, %arg11: memref<10240xf32, #tpu.memory_space<vmem>>) attributes {dimension_semantics = [#tpu.dimension_semantics<core_parallel>, #tpu.dimension_semantics<subcore_parallel>], iteration_bounds = array<i64: 2, 16>, scalar_prefetch = 0 : i64, scratch_operands = 5 : i64, tpu.core_type = #tpu.core_type<sc_vector_subcore>, window_params = [{transform_indices = #map}, {transform_indices = #map}, {transform_indices = #map}, {transform_indices = #map}, {transform_indices = #map}]} {
    %mul3A = arith.constant 16 : i32
    %mul3A_0 = arith.muli %arg0, %mul3A : i32
    %add3A = arith.addi %mul3A_0, %arg1 : i32
    "tpu.region"() ({
      %run_scoped3A_155 = tpu.sem_alloc : memref<!tpu.dma_semaphore, #tpu.memory_space<semaphore_mem>>
      %dma_start3A = arith.constant 0 : i32
      %dma_start3A_156 = tpu.memref_slice %arg2[%add3A, %dma_start3A] : memref<32x20000xi32, #tpu.memory_space<hbm>> -> memref<1x20000xi32, #tpu.memory_space<hbm>>
      %dma_start3A_157 = tpu.memref_squeeze %dma_start3A_156 : memref<1x20000xi32, #tpu.memory_space<hbm>> -> memref<20000xi32, #tpu.memory_space<hbm>>
      %dma_start3A_158 = arith.constant 0 : i32
      %dma_start3A_159 = tpu.memref_slice %arg2[%add3A, %dma_start3A_158] : memref<32x20000xi32, #tpu.memory_space<hbm>> -> memref<1x20000xi32, #tpu.memory_space<hbm>>
      %dma_start3A_160 = tpu.memref_squeeze %dma_start3A_159 : memref<1x20000xi32, #tpu.memory_space<hbm>> -> memref<20000xi32, #tpu.memory_space<hbm>>
      tpu.enqueue_dma source(%dma_start3A_160 : memref<20000xi32, #tpu.memory_space<hbm>>) target(%arg7 : memref<20000xi32, #tpu.memory_space<vmem>>) target_semaphore(%run_scoped3A_155 : memref<!tpu.dma_semaphore, #tpu.memory_space<semaphore_mem>>)
      %dma_wait3A = arith.constant 0 : i32
      %dma_wait3A_161 = tpu.memref_slice %arg2[%add3A, %dma_wait3A] : memref<32x20000xi32, #tpu.memory_space<hbm>> -> memref<1x20000xi32, #tpu.memory_space<hbm>>
      %dma_wait3A_162 = tpu.memref_squeeze %dma_wait3A_161 : memref<1x20000xi32, #tpu.memory_space<hbm>> -> memref<20000xi32, #tpu.memory_space<hbm>>
      %dma_wait3A_163 = arith.constant 0 : i32
      %dma_wait3A_164 = tpu.memref_slice %arg2[%add3A, %dma_wait3A_163] : memref<32x20000xi32, #tpu.memory_space<hbm>> -> memref<1x20000xi32, #tpu.memory_space<hbm>>
      %dma_wait3A_165 = tpu.memref_squeeze %dma_wait3A_164 : memref<1x20000xi32, #tpu.memory_space<hbm>> -> memref<20000xi32, #tpu.memory_space<hbm>>
      tpu.wait_dma2 semaphore(%run_scoped3A_155 : memref<!tpu.dma_semaphore, #tpu.memory_space<semaphore_mem>>) src(%dma_wait3A_165 : memref<20000xi32, #tpu.memory_space<hbm>>) dst(%arg7 : memref<20000xi32, #tpu.memory_space<vmem>>)
      tpu.yield
    }) : () -> ()
    "tpu.region"() ({
      %run_scoped3A_155 = tpu.sem_alloc : memref<!tpu.dma_semaphore, #tpu.memory_space<semaphore_mem>>
      %dma_start3A = arith.constant 0 : i32
      %dma_start3A_156 = tpu.memref_slice %arg3[%add3A, %dma_start3A] : memref<32x20000xi32, #tpu.memory_space<hbm>> -> memref<1x20000xi32, #tpu.memory_space<hbm>>
      %dma_start3A_157 = tpu.memref_squeeze %dma_start3A_156 : memref<1x20000xi32, #tpu.memory_space<hbm>> -> memref<20000xi32, #tpu.memory_space<hbm>>
      %dma_start3A_158 = arith.constant 0 : i32
      %dma_start3A_159 = tpu.memref_slice %arg3[%add3A, %dma_start3A_158] : memref<32x20000xi32, #tpu.memory_space<hbm>> -> memref<1x20000xi32, #tpu.memory_space<hbm>>
      %dma_start3A_160 = tpu.memref_squeeze %dma_start3A_159 : memref<1x20000xi32, #tpu.memory_space<hbm>> -> memref<20000xi32, #tpu.memory_space<hbm>>
      tpu.enqueue_dma source(%dma_start3A_160 : memref<20000xi32, #tpu.memory_space<hbm>>) target(%arg8 : memref<20000xi32, #tpu.memory_space<vmem>>) target_semaphore(%run_scoped3A_155 : memref<!tpu.dma_semaphore, #tpu.memory_space<semaphore_mem>>)
      %dma_wait3A = arith.constant 0 : i32
      %dma_wait3A_161 = tpu.memref_slice %arg3[%add3A, %dma_wait3A] : memref<32x20000xi32, #tpu.memory_space<hbm>> -> memref<1x20000xi32, #tpu.memory_space<hbm>>
      %dma_wait3A_162 = tpu.memref_squeeze %dma_wait3A_161 : memref<1x20000xi32, #tpu.memory_space<hbm>> -> memref<20000xi32, #tpu.memory_space<hbm>>
      %dma_wait3A_163 = arith.constant 0 : i32
      %dma_wait3A_164 = tpu.memref_slice %arg3[%add3A, %dma_wait3A_163] : memref<32x20000xi32, #tpu.memory_space<hbm>> -> memref<1x20000xi32, #tpu.memory_space<hbm>>
      %dma_wait3A_165 = tpu.memref_squeeze %dma_wait3A_164 : memref<1x20000xi32, #tpu.memory_space<hbm>> -> memref<20000xi32, #tpu.memory_space<hbm>>
      tpu.wait_dma2 semaphore(%run_scoped3A_155 : memref<!tpu.dma_semaphore, #tpu.memory_space<semaphore_mem>>) src(%dma_wait3A_165 : memref<20000xi32, #tpu.memory_space<hbm>>) dst(%arg8 : memref<20000xi32, #tpu.memory_space<vmem>>)
      tpu.yield
    }) : () -> ()
    %scan3A = arith.constant 0 : i32
    %scan3A_1 = arith.constant 0 : i32
    %scan3A_2 = arith.constant 1250 : i32
    %scan3A_3 = arith.addi %scan3A_1, %scan3A_2 : i32
    %scan3A_4 = arith.constant 1 : i32
    scf.for %scan3A_155 = %scan3A_1 to %scan3A_3 step %scan3A_4  : i32 {
      %broadcast_in_dim3A = arith.constant 0.000000e+00 : f32
      %broadcast_in_dim3A_156 = vector.broadcast %broadcast_in_dim3A : f32 to vector<16xf32>
      %mul3A_157 = arith.constant 16 : i32
      %mul3A_158 = arith.muli %scan3A_155, %mul3A_157 : i32
      %swap3A = arith.index_cast %mul3A_158 : i32 to index
      %swap3A_159 = tpu.vector_load %arg9[%swap3A] {strides = array<i32>} : memref<20000xf32, #tpu.memory_space<vmem>>, vector<16xf32>,
      tpu.vector_store %arg9[%swap3A], %broadcast_in_dim3A_156 {strides = array<i32>} : memref<20000xf32, #tpu.memory_space<vmem>>, vector<16xf32>,
    }
    %scan3A_5 = arith.constant 1250 : i32
    %run_scoped3A = arith.constant 0 : i32
    "tpu.region"() ({
      %run_scoped3A_155 = tpu.sem_alloc : memref<!tpu.dma_semaphore, #tpu.memory_space<semaphore_mem>>
      %dma_start3A = arith.constant 0 : i32
      %dma_start3A_156 = tpu.memref_slice %arg4[%run_scoped3A, %dma_start3A] : memref<18x10240xf32, #tpu.memory_space<hbm>> -> memref<1x10240xf32, #tpu.memory_space<hbm>>
      %dma_start3A_157 = tpu.memref_squeeze %dma_start3A_156 : memref<1x10240xf32, #tpu.memory_space<hbm>> -> memref<10240xf32, #tpu.memory_space<hbm>>
      %dma_start3A_158 = arith.constant 0 : i32
      %dma_start3A_159 = tpu.memref_slice %arg4[%run_scoped3A, %dma_start3A_158] : memref<18x10240xf32, #tpu.memory_space<hbm>> -> memref<1x10240xf32, #tpu.memory_space<hbm>>
      %dma_start3A_160 = tpu.memref_squeeze %dma_start3A_159 : memref<1x10240xf32, #tpu.memory_space<hbm>> -> memref<10240xf32, #tpu.memory_space<hbm>>
      tpu.enqueue_dma source(%dma_start3A_160 : memref<10240xf32, #tpu.memory_space<hbm>>) target(%arg10 : memref<10240xf32, #tpu.memory_space<vmem>>) target_semaphore(%run_scoped3A_155 : memref<!tpu.dma_semaphore, #tpu.memory_space<semaphore_mem>>)
      %dma_wait3A = arith.constant 0 : i32
      %dma_wait3A_161 = tpu.memref_slice %arg4[%run_scoped3A, %dma_wait3A] : memref<18x10240xf32, #tpu.memory_space<hbm>> -> memref<1x10240xf32, #tpu.memory_space<hbm>>
      %dma_wait3A_162 = tpu.memref_squeeze %dma_wait3A_161 : memref<1x10240xf32, #tpu.memory_space<hbm>> -> memref<10240xf32, #tpu.memory_space<hbm>>
      %dma_wait3A_163 = arith.constant 0 : i32
      %dma_wait3A_164 = tpu.memref_slice %arg4[%run_scoped3A, %dma_wait3A_163] : memref<18x10240xf32, #tpu.memory_space<hbm>> -> memref<1x10240xf32, #tpu.memory_space<hbm>>
      %dma_wait3A_165 = tpu.memref_squeeze %dma_wait3A_164 : memref<1x10240xf32, #tpu.memory_space<hbm>> -> memref<10240xf32, #tpu.memory_space<hbm>>
      tpu.wait_dma2 semaphore(%run_scoped3A_155 : memref<!tpu.dma_semaphore, #tpu.memory_space<semaphore_mem>>) src(%dma_wait3A_165 : memref<10240xf32, #tpu.memory_space<hbm>>) dst(%arg10 : memref<10240xf32, #tpu.memory_space<vmem>>)
      tpu.yield
    }) : () -> ()
    %run_scoped3A_6 = arith.constant 0 : i32
    "tpu.region"() ({
      %run_scoped3A_155 = tpu.sem_alloc : memref<!tpu.dma_semaphore, #tpu.memory_space<semaphore_mem>>
      %dma_start3A = arith.constant 0 : i32
      %dma_start3A_156 = tpu.memref_slice %arg5[%run_scoped3A_6, %dma_start3A] : memref<18x10240xf32, #tpu.memory_space<hbm>> -> memref<1x10240xf32, #tpu.memory_space<hbm>>
      %dma_start3A_157 = tpu.memref_squeeze %dma_start3A_156 : memref<1x10240xf32, #tpu.memory_space<hbm>> -> memref<10240xf32, #tpu.memory_space<hbm>>
      %dma_start3A_158 = arith.constant 0 : i32
      %dma_start3A_159 = tpu.memref_slice %arg5[%run_scoped3A_6, %dma_start3A_158] : memref<18x10240xf32, #tpu.memory_space<hbm>> -> memref<1x10240xf32, #tpu.memory_space<hbm>>
      %dma_start3A_160 = tpu.memref_squeeze %dma_start3A_159 : memref<1x10240xf32, #tpu.memory_space<hbm>> -> memref<10240xf32, #tpu.memory_space<hbm>>
      tpu.enqueue_dma source(%dma_start3A_160 : memref<10240xf32, #tpu.memory_space<hbm>>) target(%arg11 : memref<10240xf32, #tpu.memory_space<vmem>>) target_semaphore(%run_scoped3A_155 : memref<!tpu.dma_semaphore, #tpu.memory_space<semaphore_mem>>)
      %dma_wait3A = arith.constant 0 : i32
      %dma_wait3A_161 = tpu.memref_slice %arg5[%run_scoped3A_6, %dma_wait3A] : memref<18x10240xf32, #tpu.memory_space<hbm>> -> memref<1x10240xf32, #tpu.memory_space<hbm>>
      %dma_wait3A_162 = tpu.memref_squeeze %dma_wait3A_161 : memref<1x10240xf32, #tpu.memory_space<hbm>> -> memref<10240xf32, #tpu.memory_space<hbm>>
      %dma_wait3A_163 = arith.constant 0 : i32
      %dma_wait3A_164 = tpu.memref_slice %arg5[%run_scoped3A_6, %dma_wait3A_163] : memref<18x10240xf32, #tpu.memory_space<hbm>> -> memref<1x10240xf32, #tpu.memory_space<hbm>>
      %dma_wait3A_165 = tpu.memref_squeeze %dma_wait3A_164 : memref<1x10240xf32, #tpu.memory_space<hbm>> -> memref<10240xf32, #tpu.memory_space<hbm>>
      tpu.wait_dma2 semaphore(%run_scoped3A_155 : memref<!tpu.dma_semaphore, #tpu.memory_space<semaphore_mem>>) src(%dma_wait3A_165 : memref<10240xf32, #tpu.memory_space<hbm>>) dst(%arg11 : memref<10240xf32, #tpu.memory_space<vmem>>)
      tpu.yield
    }) : () -> ()
    %scan3A_7 = arith.constant 0 : i32
    %scan3A_8 = arith.constant 0 : i32
    %scan3A_9 = arith.constant 1250 : i32
    %scan3A_10 = arith.addi %scan3A_8, %scan3A_9 : i32
    %scan3A_11 = arith.constant 1 : i32
    scf.for %scan3A_155 = %scan3A_8 to %scan3A_10 step %scan3A_11  : i32 {
      %mul3A_156 = arith.constant 16 : i32
      %mul3A_157 = arith.muli %scan3A_155, %mul3A_156 : i32
      %get3A = arith.index_cast %mul3A_157 : i32 to index
      %get3A_158 = tpu.vector_load %arg7[%get3A] {strides = array<i32>} : memref<20000xi32, #tpu.memory_space<vmem>>, vector<16xi32>,
      %mul3A_159 = arith.constant 16 : i32
      %mul3A_160 = arith.muli %scan3A_155, %mul3A_159 : i32
      %get3A_161 = arith.index_cast %mul3A_160 : i32 to index
      %get3A_162 = tpu.vector_load %arg8[%get3A_161] {strides = array<i32>} : memref<20000xi32, #tpu.memory_space<vmem>>, vector<16xi32>,
      %gather3A = tpu.vector_load_idx %arg10[%get3A_158] : memref<10240xf32, #tpu.memory_space<vmem>>[vector<16xi32>], vector<16xf32>,
      %gather3A_163 = tpu.vector_load_idx %arg11[%get3A_162] : memref<10240xf32, #tpu.memory_space<vmem>>[vector<16xi32>], vector<16xf32>,
      %mul3A_164 = arith.constant 16 : i32
      %mul3A_165 = arith.muli %scan3A_155, %mul3A_164 : i32
      %get3A_166 = arith.index_cast %mul3A_165 : i32 to index
      %get3A_167 = tpu.vector_load %arg9[%get3A_166] {strides = array<i32>} : memref<20000xf32, #tpu.memory_space<vmem>>, vector<16xf32>,
      %mul3A_168 = arith.mulf %gather3A, %gather3A_163 : vector<16xf32>
      %add3A_169 = arith.addf %get3A_167, %mul3A_168 : vector<16xf32>
      %mul3A_170 = arith.constant 16 : i32
      %mul3A_171 = arith.muli %scan3A_155, %mul3A_170 : i32
      %swap3A = arith.index_cast %mul3A_171 : i32 to index
      %swap3A_172 = tpu.vector_load %arg9[%swap3A] {strides = array<i32>} : memref<20000xf32, #tpu.memory_space<vmem>>, vector<16xf32>,
      tpu.vector_store %arg9[%swap3A], %add3A_169 {strides = array<i32>} : memref<20000xf32, #tpu.memory_space<vmem>>, vector<16xf32>,
    }
    %scan3A_12 = arith.constant 1250 : i32
    %run_scoped3A_13 = arith.constant 1 : i32
    "tpu.region"() ({
      %run_scoped3A_155 = tpu.sem_alloc : memref<!tpu.dma_semaphore, #tpu.memory_space<semaphore_mem>>
      %dma_start3A = arith.constant 0 : i32
      %dma_start3A_156 = tpu.memref_slice %arg4[%run_scoped3A_13, %dma_start3A] : memref<18x10240xf32, #tpu.memory_space<hbm>> -> memref<1x10240xf32, #tpu.memory_space<hbm>>
      %dma_start3A_157 = tpu.memref_squeeze %dma_start3A_156 : memref<1x10240xf32, #tpu.memory_space<hbm>> -> memref<10240xf32, #tpu.memory_space<hbm>>
      %dma_start3A_158 = arith.constant 0 : i32
      %dma_start3A_159 = tpu.memref_slice %arg4[%run_scoped3A_13, %dma_start3A_158] : memref<18x10240xf32, #tpu.memory_space<hbm>> -> memref<1x10240xf32, #tpu.memory_space<hbm>>
      %dma_start3A_160 = tpu.memref_squeeze %dma_start3A_159 : memref<1x10240xf32, #tpu.memory_space<hbm>> -> memref<10240xf32, #tpu.memory_space<hbm>>
      tpu.enqueue_dma source(%dma_start3A_160 : memref<10240xf32, #tpu.memory_space<hbm>>) target(%arg10 : memref<10240xf32, #tpu.memory_space<vmem>>) target_semaphore(%run_scoped3A_155 : memref<!tpu.dma_semaphore, #tpu.memory_space<semaphore_mem>>)
      %dma_wait3A = arith.constant 0 : i32
      %dma_wait3A_161 = tpu.memref_slice %arg4[%run_scoped3A_13, %dma_wait3A] : memref<18x10240xf32, #tpu.memory_space<hbm>> -> memref<1x10240xf32, #tpu.memory_space<hbm>>
      %dma_wait3A_162 = tpu.memref_squeeze %dma_wait3A_161 : memref<1x10240xf32, #tpu.memory_space<hbm>> -> memref<10240xf32, #tpu.memory_space<hbm>>
      %dma_wait3A_163 = arith.constant 0 : i32
      %dma_wait3A_164 = tpu.memref_slice %arg4[%run_scoped3A_13, %dma_wait3A_163] : memref<18x10240xf32, #tpu.memory_space<hbm>> -> memref<1x10240xf32, #tpu.memory_space<hbm>>
      %dma_wait3A_165 = tpu.memref_squeeze %dma_wait3A_164 : memref<1x10240xf32, #tpu.memory_space<hbm>> -> memref<10240xf32, #tpu.memory_space<hbm>>
      tpu.wait_dma2 semaphore(%run_scoped3A_155 : memref<!tpu.dma_semaphore, #tpu.memory_space<semaphore_mem>>) src(%dma_wait3A_165 : memref<10240xf32, #tpu.memory_space<hbm>>) dst(%arg10 : memref<10240xf32, #tpu.memory_space<vmem>>)
      tpu.yield
    }) : () -> ()
    %run_scoped3A_14 = arith.constant 1 : i32
    "tpu.region"() ({
      %run_scoped3A_155 = tpu.sem_alloc : memref<!tpu.dma_semaphore, #tpu.memory_space<semaphore_mem>>
      %dma_start3A = arith.constant 0 : i32
      %dma_start3A_156 = tpu.memref_slice %arg5[%run_scoped3A_14, %dma_start3A] : memref<18x10240xf32, #tpu.memory_space<hbm>> -> memref<1x10240xf32, #tpu.memory_space<hbm>>
      %dma_start3A_157 = tpu.memref_squeeze %dma_start3A_156 : memref<1x10240xf32, #tpu.memory_space<hbm>> -> memref<10240xf32, #tpu.memory_space<hbm>>
      %dma_start3A_158 = arith.constant 0 : i32
      %dma_start3A_159 = tpu.memref_slice %arg5[%run_scoped3A_14, %dma_start3A_158] : memref<18x10240xf32, #tpu.memory_space<hbm>> -> memref<1x10240xf32, #tpu.memory_space<hbm>>
      %dma_start3A_160 = tpu.memref_squeeze %dma_start3A_159 : memref<1x10240xf32, #tpu.memory_space<hbm>> -> memref<10240xf32, #tpu.memory_space<hbm>>
      tpu.enqueue_dma source(%dma_start3A_160 : memref<10240xf32, #tpu.memory_space<hbm>>) target(%arg11 : memref<10240xf32, #tpu.memory_space<vmem>>) target_semaphore(%run_scoped3A_155 : memref<!tpu.dma_semaphore, #tpu.memory_space<semaphore_mem>>)
      %dma_wait3A = arith.constant 0 : i32
      %dma_wait3A_161 = tpu.memref_slice %arg5[%run_scoped3A_14, %dma_wait3A] : memref<18x10240xf32, #tpu.memory_space<hbm>> -> memref<1x10240xf32, #tpu.memory_space<hbm>>
      %dma_wait3A_162 = tpu.memref_squeeze %dma_wait3A_161 : memref<1x10240xf32, #tpu.memory_space<hbm>> -> memref<10240xf32, #tpu.memory_space<hbm>>
      %dma_wait3A_163 = arith.constant 0 : i32
      %dma_wait3A_164 = tpu.memref_slice %arg5[%run_scoped3A_14, %dma_wait3A_163] : memref<18x10240xf32, #tpu.memory_space<hbm>> -> memref<1x10240xf32, #tpu.memory_space<hbm>>
      %dma_wait3A_165 = tpu.memref_squeeze %dma_wait3A_164 : memref<1x10240xf32, #tpu.memory_space<hbm>> -> memref<10240xf32, #tpu.memory_space<hbm>>
      tpu.wait_dma2 semaphore(%run_scoped3A_155 : memref<!tpu.dma_semaphore, #tpu.memory_space<semaphore_mem>>) src(%dma_wait3A_165 : memref<10240xf32, #tpu.memory_space<hbm>>) dst(%arg11 : memref<10240xf32, #tpu.memory_space<vmem>>)
      tpu.yield
    }) : () -> ()
    %scan3A_15 = arith.constant 0 : i32
    %scan3A_16 = arith.constant 0 : i32
    %scan3A_17 = arith.constant 1250 : i32
    %scan3A_18 = arith.addi %scan3A_16, %scan3A_17 : i32
    %scan3A_19 = arith.constant 1 : i32
    scf.for %scan3A_155 = %scan3A_16 to %scan3A_18 step %scan3A_19  : i32 {
      %mul3A_156 = arith.constant 16 : i32
      %mul3A_157 = arith.muli %scan3A_155, %mul3A_156 : i32
      %get3A = arith.index_cast %mul3A_157 : i32 to index
      %get3A_158 = tpu.vector_load %arg7[%get3A] {strides = array<i32>} : memref<20000xi32, #tpu.memory_space<vmem>>, vector<16xi32>,
      %mul3A_159 = arith.constant 16 : i32
      %mul3A_160 = arith.muli %scan3A_155, %mul3A_159 : i32
      %get3A_161 = arith.index_cast %mul3A_160 : i32 to index
      %get3A_162 = tpu.vector_load %arg8[%get3A_161] {strides = array<i32>} : memref<20000xi32, #tpu.memory_space<vmem>>, vector<16xi32>,
      %gather3A = tpu.vector_load_idx %arg10[%get3A_158] : memref<10240xf32, #tpu.memory_space<vmem>>[vector<16xi32>], vector<16xf32>,
      %gather3A_163 = tpu.vector_load_idx %arg11[%get3A_162] : memref<10240xf32, #tpu.memory_space<vmem>>[vector<16xi32>], vector<16xf32>,
      %mul3A_164 = arith.constant 16 : i32
      %mul3A_165 = arith.muli %scan3A_155, %mul3A_164 : i32
      %get3A_166 = arith.index_cast %mul3A_165 : i32 to index
      %get3A_167 = tpu.vector_load %arg9[%get3A_166] {strides = array<i32>} : memref<20000xf32, #tpu.memory_space<vmem>>, vector<16xf32>,
      %mul3A_168 = arith.mulf %gather3A, %gather3A_163 : vector<16xf32>
      %add3A_169 = arith.addf %get3A_167, %mul3A_168 : vector<16xf32>
      %mul3A_170 = arith.constant 16 : i32
      %mul3A_171 = arith.muli %scan3A_155, %mul3A_170 : i32
      %swap3A = arith.index_cast %mul3A_171 : i32 to index
      %swap3A_172 = tpu.vector_load %arg9[%swap3A] {strides = array<i32>} : memref<20000xf32, #tpu.memory_space<vmem>>, vector<16xf32>,
      tpu.vector_store %arg9[%swap3A], %add3A_169 {strides = array<i32>} : memref<20000xf32, #tpu.memory_space<vmem>>, vector<16xf32>,
    }
    %scan3A_20 = arith.constant 1250 : i32
    %run_scoped3A_21 = arith.constant 2 : i32
    "tpu.region"() ({
      %run_scoped3A_155 = tpu.sem_alloc : memref<!tpu.dma_semaphore, #tpu.memory_space<semaphore_mem>>
      %dma_start3A = arith.constant 0 : i32
      %dma_start3A_156 = tpu.memref_slice %arg4[%run_scoped3A_21, %dma_start3A] : memref<18x10240xf32, #tpu.memory_space<hbm>> -> memref<1x10240xf32, #tpu.memory_space<hbm>>
      %dma_start3A_157 = tpu.memref_squeeze %dma_start3A_156 : memref<1x10240xf32, #tpu.memory_space<hbm>> -> memref<10240xf32, #tpu.memory_space<hbm>>
      %dma_start3A_158 = arith.constant 0 : i32
      %dma_start3A_159 = tpu.memref_slice %arg4[%run_scoped3A_21, %dma_start3A_158] : memref<18x10240xf32, #tpu.memory_space<hbm>> -> memref<1x10240xf32, #tpu.memory_space<hbm>>
      %dma_start3A_160 = tpu.memref_squeeze %dma_start3A_159 : memref<1x10240xf32, #tpu.memory_space<hbm>> -> memref<10240xf32, #tpu.memory_space<hbm>>
      tpu.enqueue_dma source(%dma_start3A_160 : memref<10240xf32, #tpu.memory_space<hbm>>) target(%arg10 : memref<10240xf32, #tpu.memory_space<vmem>>) target_semaphore(%run_scoped3A_155 : memref<!tpu.dma_semaphore, #tpu.memory_space<semaphore_mem>>)
      %dma_wait3A = arith.constant 0 : i32
      %dma_wait3A_161 = tpu.memref_slice %arg4[%run_scoped3A_21, %dma_wait3A] : memref<18x10240xf32, #tpu.memory_space<hbm>> -> memref<1x10240xf32, #tpu.memory_space<hbm>>
      %dma_wait3A_162 = tpu.memref_squeeze %dma_wait3A_161 : memref<1x10240xf32, #tpu.memory_space<hbm>> -> memref<10240xf32, #tpu.memory_space<hbm>>
      %dma_wait3A_163 = arith.constant 0 : i32
      %dma_wait3A_164 = tpu.memref_slice %arg4[%run_scoped3A_21, %dma_wait3A_163] : memref<18x10240xf32, #tpu.memory_space<hbm>> -> memref<1x10240xf32, #tpu.memory_space<hbm>>
      %dma_wait3A_165 = tpu.memref_squeeze %dma_wait3A_164 : memref<1x10240xf32, #tpu.memory_space<hbm>> -> memref<10240xf32, #tpu.memory_space<hbm>>
      tpu.wait_dma2 semaphore(%run_scoped3A_155 : memref<!tpu.dma_semaphore, #tpu.memory_space<semaphore_mem>>) src(%dma_wait3A_165 : memref<10240xf32, #tpu.memory_space<hbm>>) dst(%arg10 : memref<10240xf32, #tpu.memory_space<vmem>>)
      tpu.yield
    }) : () -> ()
    %run_scoped3A_22 = arith.constant 2 : i32
    "tpu.region"() ({
      %run_scoped3A_155 = tpu.sem_alloc : memref<!tpu.dma_semaphore, #tpu.memory_space<semaphore_mem>>
      %dma_start3A = arith.constant 0 : i32
      %dma_start3A_156 = tpu.memref_slice %arg5[%run_scoped3A_22, %dma_start3A] : memref<18x10240xf32, #tpu.memory_space<hbm>> -> memref<1x10240xf32, #tpu.memory_space<hbm>>
      %dma_start3A_157 = tpu.memref_squeeze %dma_start3A_156 : memref<1x10240xf32, #tpu.memory_space<hbm>> -> memref<10240xf32, #tpu.memory_space<hbm>>
      %dma_start3A_158 = arith.constant 0 : i32
      %dma_start3A_159 = tpu.memref_slice %arg5[%run_scoped3A_22, %dma_start3A_158] : memref<18x10240xf32, #tpu.memory_space<hbm>> -> memref<1x10240xf32, #tpu.memory_space<hbm>>
      %dma_start3A_160 = tpu.memref_squeeze %dma_start3A_159 : memref<1x10240xf32, #tpu.memory_space<hbm>> -> memref<10240xf32, #tpu.memory_space<hbm>>
      tpu.enqueue_dma source(%dma_start3A_160 : memref<10240xf32, #tpu.memory_space<hbm>>) target(%arg11 : memref<10240xf32, #tpu.memory_space<vmem>>) target_semaphore(%run_scoped3A_155 : memref<!tpu.dma_semaphore, #tpu.memory_space<semaphore_mem>>)
      %dma_wait3A = arith.constant 0 : i32
      %dma_wait3A_161 = tpu.memref_slice %arg5[%run_scoped3A_22, %dma_wait3A] : memref<18x10240xf32, #tpu.memory_space<hbm>> -> memref<1x10240xf32, #tpu.memory_space<hbm>>
      %dma_wait3A_162 = tpu.memref_squeeze %dma_wait3A_161 : memref<1x10240xf32, #tpu.memory_space<hbm>> -> memref<10240xf32, #tpu.memory_space<hbm>>
      %dma_wait3A_163 = arith.constant 0 : i32
      %dma_wait3A_164 = tpu.memref_slice %arg5[%run_scoped3A_22, %dma_wait3A_163] : memref<18x10240xf32, #tpu.memory_space<hbm>> -> memref<1x10240xf32, #tpu.memory_space<hbm>>
      %dma_wait3A_165 = tpu.memref_squeeze %dma_wait3A_164 : memref<1x10240xf32, #tpu.memory_space<hbm>> -> memref<10240xf32, #tpu.memory_space<hbm>>
      tpu.wait_dma2 semaphore(%run_scoped3A_155 : memref<!tpu.dma_semaphore, #tpu.memory_space<semaphore_mem>>) src(%dma_wait3A_165 : memref<10240xf32, #tpu.memory_space<hbm>>) dst(%arg11 : memref<10240xf32, #tpu.memory_space<vmem>>)
      tpu.yield
    }) : () -> ()
    %scan3A_23 = arith.constant 0 : i32
    %scan3A_24 = arith.constant 0 : i32
    %scan3A_25 = arith.constant 1250 : i32
    %scan3A_26 = arith.addi %scan3A_24, %scan3A_25 : i32
    %scan3A_27 = arith.constant 1 : i32
    scf.for %scan3A_155 = %scan3A_24 to %scan3A_26 step %scan3A_27  : i32 {
      %mul3A_156 = arith.constant 16 : i32
      %mul3A_157 = arith.muli %scan3A_155, %mul3A_156 : i32
      %get3A = arith.index_cast %mul3A_157 : i32 to index
      %get3A_158 = tpu.vector_load %arg7[%get3A] {strides = array<i32>} : memref<20000xi32, #tpu.memory_space<vmem>>, vector<16xi32>,
      %mul3A_159 = arith.constant 16 : i32
      %mul3A_160 = arith.muli %scan3A_155, %mul3A_159 : i32
      %get3A_161 = arith.index_cast %mul3A_160 : i32 to index
      %get3A_162 = tpu.vector_load %arg8[%get3A_161] {strides = array<i32>} : memref<20000xi32, #tpu.memory_space<vmem>>, vector<16xi32>,
      %gather3A = tpu.vector_load_idx %arg10[%get3A_158] : memref<10240xf32, #tpu.memory_space<vmem>>[vector<16xi32>], vector<16xf32>,
      %gather3A_163 = tpu.vector_load_idx %arg11[%get3A_162] : memref<10240xf32, #tpu.memory_space<vmem>>[vector<16xi32>], vector<16xf32>,
      %mul3A_164 = arith.constant 16 : i32
      %mul3A_165 = arith.muli %scan3A_155, %mul3A_164 : i32
      %get3A_166 = arith.index_cast %mul3A_165 : i32 to index
      %get3A_167 = tpu.vector_load %arg9[%get3A_166] {strides = array<i32>} : memref<20000xf32, #tpu.memory_space<vmem>>, vector<16xf32>,
      %mul3A_168 = arith.mulf %gather3A, %gather3A_163 : vector<16xf32>
      %add3A_169 = arith.addf %get3A_167, %mul3A_168 : vector<16xf32>
      %mul3A_170 = arith.constant 16 : i32
      %mul3A_171 = arith.muli %scan3A_155, %mul3A_170 : i32
      %swap3A = arith.index_cast %mul3A_171 : i32 to index
      %swap3A_172 = tpu.vector_load %arg9[%swap3A] {strides = array<i32>} : memref<20000xf32, #tpu.memory_space<vmem>>, vector<16xf32>,
      tpu.vector_store %arg9[%swap3A], %add3A_169 {strides = array<i32>} : memref<20000xf32, #tpu.memory_space<vmem>>, vector<16xf32>,
    }
    %scan3A_28 = arith.constant 1250 : i32
    %run_scoped3A_29 = arith.constant 3 : i32
    "tpu.region"() ({
      %run_scoped3A_155 = tpu.sem_alloc : memref<!tpu.dma_semaphore, #tpu.memory_space<semaphore_mem>>
      %dma_start3A = arith.constant 0 : i32
      %dma_start3A_156 = tpu.memref_slice %arg4[%run_scoped3A_29, %dma_start3A] : memref<18x10240xf32, #tpu.memory_space<hbm>> -> memref<1x10240xf32, #tpu.memory_space<hbm>>
      %dma_start3A_157 = tpu.memref_squeeze %dma_start3A_156 : memref<1x10240xf32, #tpu.memory_space<hbm>> -> memref<10240xf32, #tpu.memory_space<hbm>>
      %dma_start3A_158 = arith.constant 0 : i32
      %dma_start3A_159 = tpu.memref_slice %arg4[%run_scoped3A_29, %dma_start3A_158] : memref<18x10240xf32, #tpu.memory_space<hbm>> -> memref<1x10240xf32, #tpu.memory_space<hbm>>
      %dma_start3A_160 = tpu.memref_squeeze %dma_start3A_159 : memref<1x10240xf32, #tpu.memory_space<hbm>> -> memref<10240xf32, #tpu.memory_space<hbm>>
      tpu.enqueue_dma source(%dma_start3A_160 : memref<10240xf32, #tpu.memory_space<hbm>>) target(%arg10 : memref<10240xf32, #tpu.memory_space<vmem>>) target_semaphore(%run_scoped3A_155 : memref<!tpu.dma_semaphore, #tpu.memory_space<semaphore_mem>>)
      %dma_wait3A = arith.constant 0 : i32
      %dma_wait3A_161 = tpu.memref_slice %arg4[%run_scoped3A_29, %dma_wait3A] : memref<18x10240xf32, #tpu.memory_space<hbm>> -> memref<1x10240xf32, #tpu.memory_space<hbm>>
      %dma_wait3A_162 = tpu.memref_squeeze %dma_wait3A_161 : memref<1x10240xf32, #tpu.memory_space<hbm>> -> memref<10240xf32, #tpu.memory_space<hbm>>
      %dma_wait3A_163 = arith.constant 0 : i32
      %dma_wait3A_164 = tpu.memref_slice %arg4[%run_scoped3A_29, %dma_wait3A_163] : memref<18x10240xf32, #tpu.memory_space<hbm>> -> memref<1x10240xf32, #tpu.memory_space<hbm>>
      %dma_wait3A_165 = tpu.memref_squeeze %dma_wait3A_164 : memref<1x10240xf32, #tpu.memory_space<hbm>> -> memref<10240xf32, #tpu.memory_space<hbm>>
      tpu.wait_dma2 semaphore(%run_scoped3A_155 : memref<!tpu.dma_semaphore, #tpu.memory_space<semaphore_mem>>) src(%dma_wait3A_165 : memref<10240xf32, #tpu.memory_space<hbm>>) dst(%arg10 : memref<10240xf32, #tpu.memory_space<vmem>>)
      tpu.yield
    }) : () -> ()
    %run_scoped3A_30 = arith.constant 3 : i32
    "tpu.region"() ({
      %run_scoped3A_155 = tpu.sem_alloc : memref<!tpu.dma_semaphore, #tpu.memory_space<semaphore_mem>>
      %dma_start3A = arith.constant 0 : i32
      %dma_start3A_156 = tpu.memref_slice %arg5[%run_scoped3A_30, %dma_start3A] : memref<18x10240xf32, #tpu.memory_space<hbm>> -> memref<1x10240xf32, #tpu.memory_space<hbm>>
      %dma_start3A_157 = tpu.memref_squeeze %dma_start3A_156 : memref<1x10240xf32, #tpu.memory_space<hbm>> -> memref<10240xf32, #tpu.memory_space<hbm>>
      %dma_start3A_158 = arith.constant 0 : i32
      %dma_start3A_159 = tpu.memref_slice %arg5[%run_scoped3A_30, %dma_start3A_158] : memref<18x10240xf32, #tpu.memory_space<hbm>> -> memref<1x10240xf32, #tpu.memory_space<hbm>>
      %dma_start3A_160 = tpu.memref_squeeze %dma_start3A_159 : memref<1x10240xf32, #tpu.memory_space<hbm>> -> memref<10240xf32, #tpu.memory_space<hbm>>
      tpu.enqueue_dma source(%dma_start3A_160 : memref<10240xf32, #tpu.memory_space<hbm>>) target(%arg11 : memref<10240xf32, #tpu.memory_space<vmem>>) target_semaphore(%run_scoped3A_155 : memref<!tpu.dma_semaphore, #tpu.memory_space<semaphore_mem>>)
      %dma_wait3A = arith.constant 0 : i32
      %dma_wait3A_161 = tpu.memref_slice %arg5[%run_scoped3A_30, %dma_wait3A] : memref<18x10240xf32, #tpu.memory_space<hbm>> -> memref<1x10240xf32, #tpu.memory_space<hbm>>
      %dma_wait3A_162 = tpu.memref_squeeze %dma_wait3A_161 : memref<1x10240xf32, #tpu.memory_space<hbm>> -> memref<10240xf32, #tpu.memory_space<hbm>>
      %dma_wait3A_163 = arith.constant 0 : i32
      %dma_wait3A_164 = tpu.memref_slice %arg5[%run_scoped3A_30, %dma_wait3A_163] : memref<18x10240xf32, #tpu.memory_space<hbm>> -> memref<1x10240xf32, #tpu.memory_space<hbm>>
      %dma_wait3A_165 = tpu.memref_squeeze %dma_wait3A_164 : memref<1x10240xf32, #tpu.memory_space<hbm>> -> memref<10240xf32, #tpu.memory_space<hbm>>
      tpu.wait_dma2 semaphore(%run_scoped3A_155 : memref<!tpu.dma_semaphore, #tpu.memory_space<semaphore_mem>>) src(%dma_wait3A_165 : memref<10240xf32, #tpu.memory_space<hbm>>) dst(%arg11 : memref<10240xf32, #tpu.memory_space<vmem>>)
      tpu.yield
    }) : () -> ()
    %scan3A_31 = arith.constant 0 : i32
    %scan3A_32 = arith.constant 0 : i32
    %scan3A_33 = arith.constant 1250 : i32
    %scan3A_34 = arith.addi %scan3A_32, %scan3A_33 : i32
    %scan3A_35 = arith.constant 1 : i32
    scf.for %scan3A_155 = %scan3A_32 to %scan3A_34 step %scan3A_35  : i32 {
      %mul3A_156 = arith.constant 16 : i32
      %mul3A_157 = arith.muli %scan3A_155, %mul3A_156 : i32
      %get3A = arith.index_cast %mul3A_157 : i32 to index
      %get3A_158 = tpu.vector_load %arg7[%get3A] {strides = array<i32>} : memref<20000xi32, #tpu.memory_space<vmem>>, vector<16xi32>,
      %mul3A_159 = arith.constant 16 : i32
      %mul3A_160 = arith.muli %scan3A_155, %mul3A_159 : i32
      %get3A_161 = arith.index_cast %mul3A_160 : i32 to index
      %get3A_162 = tpu.vector_load %arg8[%get3A_161] {strides = array<i32>} : memref<20000xi32, #tpu.memory_space<vmem>>, vector<16xi32>,
      %gather3A = tpu.vector_load_idx %arg10[%get3A_158] : memref<10240xf32, #tpu.memory_space<vmem>>[vector<16xi32>], vector<16xf32>,
      %gather3A_163 = tpu.vector_load_idx %arg11[%get3A_162] : memref<10240xf32, #tpu.memory_space<vmem>>[vector<16xi32>], vector<16xf32>,
      %mul3A_164 = arith.constant 16 : i32
      %mul3A_165 = arith.muli %scan3A_155, %mul3A_164 : i32
      %get3A_166 = arith.index_cast %mul3A_165 : i32 to index
      %get3A_167 = tpu.vector_load %arg9[%get3A_166] {strides = array<i32>} : memref<20000xf32, #tpu.memory_space<vmem>>, vector<16xf32>,
      %mul3A_168 = arith.mulf %gather3A, %gather3A_163 : vector<16xf32>
      %add3A_169 = arith.addf %get3A_167, %mul3A_168 : vector<16xf32>
      %mul3A_170 = arith.constant 16 : i32
      %mul3A_171 = arith.muli %scan3A_155, %mul3A_170 : i32
      %swap3A = arith.index_cast %mul3A_171 : i32 to index
      %swap3A_172 = tpu.vector_load %arg9[%swap3A] {strides = array<i32>} : memref<20000xf32, #tpu.memory_space<vmem>>, vector<16xf32>,
      tpu.vector_store %arg9[%swap3A], %add3A_169 {strides = array<i32>} : memref<20000xf32, #tpu.memory_space<vmem>>, vector<16xf32>,
    }
    %scan3A_36 = arith.constant 1250 : i32
    %run_scoped3A_37 = arith.constant 4 : i32
    "tpu.region"() ({
      %run_scoped3A_155 = tpu.sem_alloc : memref<!tpu.dma_semaphore, #tpu.memory_space<semaphore_mem>>
      %dma_start3A = arith.constant 0 : i32
      %dma_start3A_156 = tpu.memref_slice %arg4[%run_scoped3A_37, %dma_start3A] : memref<18x10240xf32, #tpu.memory_space<hbm>> -> memref<1x10240xf32, #tpu.memory_space<hbm>>
      %dma_start3A_157 = tpu.memref_squeeze %dma_start3A_156 : memref<1x10240xf32, #tpu.memory_space<hbm>> -> memref<10240xf32, #tpu.memory_space<hbm>>
      %dma_start3A_158 = arith.constant 0 : i32
      %dma_start3A_159 = tpu.memref_slice %arg4[%run_scoped3A_37, %dma_start3A_158] : memref<18x10240xf32, #tpu.memory_space<hbm>> -> memref<1x10240xf32, #tpu.memory_space<hbm>>
      %dma_start3A_160 = tpu.memref_squeeze %dma_start3A_159 : memref<1x10240xf32, #tpu.memory_space<hbm>> -> memref<10240xf32, #tpu.memory_space<hbm>>
      tpu.enqueue_dma source(%dma_start3A_160 : memref<10240xf32, #tpu.memory_space<hbm>>) target(%arg10 : memref<10240xf32, #tpu.memory_space<vmem>>) target_semaphore(%run_scoped3A_155 : memref<!tpu.dma_semaphore, #tpu.memory_space<semaphore_mem>>)
      %dma_wait3A = arith.constant 0 : i32
      %dma_wait3A_161 = tpu.memref_slice %arg4[%run_scoped3A_37, %dma_wait3A] : memref<18x10240xf32, #tpu.memory_space<hbm>> -> memref<1x10240xf32, #tpu.memory_space<hbm>>
      %dma_wait3A_162 = tpu.memref_squeeze %dma_wait3A_161 : memref<1x10240xf32, #tpu.memory_space<hbm>> -> memref<10240xf32, #tpu.memory_space<hbm>>
      %dma_wait3A_163 = arith.constant 0 : i32
      %dma_wait3A_164 = tpu.memref_slice %arg4[%run_scoped3A_37, %dma_wait3A_163] : memref<18x10240xf32, #tpu.memory_space<hbm>> -> memref<1x10240xf32, #tpu.memory_space<hbm>>
      %dma_wait3A_165 = tpu.memref_squeeze %dma_wait3A_164 : memref<1x10240xf32, #tpu.memory_space<hbm>> -> memref<10240xf32, #tpu.memory_space<hbm>>
      tpu.wait_dma2 semaphore(%run_scoped3A_155 : memref<!tpu.dma_semaphore, #tpu.memory_space<semaphore_mem>>) src(%dma_wait3A_165 : memref<10240xf32, #tpu.memory_space<hbm>>) dst(%arg10 : memref<10240xf32, #tpu.memory_space<vmem>>)
      tpu.yield
    }) : () -> ()
    %run_scoped3A_38 = arith.constant 4 : i32
    "tpu.region"() ({
      %run_scoped3A_155 = tpu.sem_alloc : memref<!tpu.dma_semaphore, #tpu.memory_space<semaphore_mem>>
      %dma_start3A = arith.constant 0 : i32
      %dma_start3A_156 = tpu.memref_slice %arg5[%run_scoped3A_38, %dma_start3A] : memref<18x10240xf32, #tpu.memory_space<hbm>> -> memref<1x10240xf32, #tpu.memory_space<hbm>>
      %dma_start3A_157 = tpu.memref_squeeze %dma_start3A_156 : memref<1x10240xf32, #tpu.memory_space<hbm>> -> memref<10240xf32, #tpu.memory_space<hbm>>
      %dma_start3A_158 = arith.constant 0 : i32
      %dma_start3A_159 = tpu.memref_slice %arg5[%run_scoped3A_38, %dma_start3A_158] : memref<18x10240xf32, #tpu.memory_space<hbm>> -> memref<1x10240xf32, #tpu.memory_space<hbm>>
      %dma_start3A_160 = tpu.memref_squeeze %dma_start3A_159 : memref<1x10240xf32, #tpu.memory_space<hbm>> -> memref<10240xf32, #tpu.memory_space<hbm>>
      tpu.enqueue_dma source(%dma_start3A_160 : memref<10240xf32, #tpu.memory_space<hbm>>) target(%arg11 : memref<10240xf32, #tpu.memory_space<vmem>>) target_semaphore(%run_scoped3A_155 : memref<!tpu.dma_semaphore, #tpu.memory_space<semaphore_mem>>)
      %dma_wait3A = arith.constant 0 : i32
      %dma_wait3A_161 = tpu.memref_slice %arg5[%run_scoped3A_38, %dma_wait3A] : memref<18x10240xf32, #tpu.memory_space<hbm>> -> memref<1x10240xf32, #tpu.memory_space<hbm>>
      %dma_wait3A_162 = tpu.memref_squeeze %dma_wait3A_161 : memref<1x10240xf32, #tpu.memory_space<hbm>> -> memref<10240xf32, #tpu.memory_space<hbm>>
      %dma_wait3A_163 = arith.constant 0 : i32
      %dma_wait3A_164 = tpu.memref_slice %arg5[%run_scoped3A_38, %dma_wait3A_163] : memref<18x10240xf32, #tpu.memory_space<hbm>> -> memref<1x10240xf32, #tpu.memory_space<hbm>>
      %dma_wait3A_165 = tpu.memref_squeeze %dma_wait3A_164 : memref<1x10240xf32, #tpu.memory_space<hbm>> -> memref<10240xf32, #tpu.memory_space<hbm>>
      tpu.wait_dma2 semaphore(%run_scoped3A_155 : memref<!tpu.dma_semaphore, #tpu.memory_space<semaphore_mem>>) src(%dma_wait3A_165 : memref<10240xf32, #tpu.memory_space<hbm>>) dst(%arg11 : memref<10240xf32, #tpu.memory_space<vmem>>)
      tpu.yield
    }) : () -> ()
    %scan3A_39 = arith.constant 0 : i32
    %scan3A_40 = arith.constant 0 : i32
    %scan3A_41 = arith.constant 1250 : i32
    %scan3A_42 = arith.addi %scan3A_40, %scan3A_41 : i32
    %scan3A_43 = arith.constant 1 : i32
    scf.for %scan3A_155 = %scan3A_40 to %scan3A_42 step %scan3A_43  : i32 {
      %mul3A_156 = arith.constant 16 : i32
      %mul3A_157 = arith.muli %scan3A_155, %mul3A_156 : i32
      %get3A = arith.index_cast %mul3A_157 : i32 to index
      %get3A_158 = tpu.vector_load %arg7[%get3A] {strides = array<i32>} : memref<20000xi32, #tpu.memory_space<vmem>>, vector<16xi32>,
      %mul3A_159 = arith.constant 16 : i32
      %mul3A_160 = arith.muli %scan3A_155, %mul3A_159 : i32
      %get3A_161 = arith.index_cast %mul3A_160 : i32 to index
      %get3A_162 = tpu.vector_load %arg8[%get3A_161] {strides = array<i32>} : memref<20000xi32, #tpu.memory_space<vmem>>, vector<16xi32>,
      %gather3A = tpu.vector_load_idx %arg10[%get3A_158] : memref<10240xf32, #tpu.memory_space<vmem>>[vector<16xi32>], vector<16xf32>,
      %gather3A_163 = tpu.vector_load_idx %arg11[%get3A_162] : memref<10240xf32, #tpu.memory_space<vmem>>[vector<16xi32>], vector<16xf32>,
      %mul3A_164 = arith.constant 16 : i32
      %mul3A_165 = arith.muli %scan3A_155, %mul3A_164 : i32
      %get3A_166 = arith.index_cast %mul3A_165 : i32 to index
      %get3A_167 = tpu.vector_load %arg9[%get3A_166] {strides = array<i32>} : memref<20000xf32, #tpu.memory_space<vmem>>, vector<16xf32>,
      %mul3A_168 = arith.mulf %gather3A, %gather3A_163 : vector<16xf32>
      %add3A_169 = arith.addf %get3A_167, %mul3A_168 : vector<16xf32>
      %mul3A_170 = arith.constant 16 : i32
      %mul3A_171 = arith.muli %scan3A_155, %mul3A_170 : i32
      %swap3A = arith.index_cast %mul3A_171 : i32 to index
      %swap3A_172 = tpu.vector_load %arg9[%swap3A] {strides = array<i32>} : memref<20000xf32, #tpu.memory_space<vmem>>, vector<16xf32>,
      tpu.vector_store %arg9[%swap3A], %add3A_169 {strides = array<i32>} : memref<20000xf32, #tpu.memory_space<vmem>>, vector<16xf32>,
    }
    %scan3A_44 = arith.constant 1250 : i32
    %run_scoped3A_45 = arith.constant 5 : i32
    "tpu.region"() ({
      %run_scoped3A_155 = tpu.sem_alloc : memref<!tpu.dma_semaphore, #tpu.memory_space<semaphore_mem>>
      %dma_start3A = arith.constant 0 : i32
      %dma_start3A_156 = tpu.memref_slice %arg4[%run_scoped3A_45, %dma_start3A] : memref<18x10240xf32, #tpu.memory_space<hbm>> -> memref<1x10240xf32, #tpu.memory_space<hbm>>
      %dma_start3A_157 = tpu.memref_squeeze %dma_start3A_156 : memref<1x10240xf32, #tpu.memory_space<hbm>> -> memref<10240xf32, #tpu.memory_space<hbm>>
      %dma_start3A_158 = arith.constant 0 : i32
      %dma_start3A_159 = tpu.memref_slice %arg4[%run_scoped3A_45, %dma_start3A_158] : memref<18x10240xf32, #tpu.memory_space<hbm>> -> memref<1x10240xf32, #tpu.memory_space<hbm>>
      %dma_start3A_160 = tpu.memref_squeeze %dma_start3A_159 : memref<1x10240xf32, #tpu.memory_space<hbm>> -> memref<10240xf32, #tpu.memory_space<hbm>>
      tpu.enqueue_dma source(%dma_start3A_160 : memref<10240xf32, #tpu.memory_space<hbm>>) target(%arg10 : memref<10240xf32, #tpu.memory_space<vmem>>) target_semaphore(%run_scoped3A_155 : memref<!tpu.dma_semaphore, #tpu.memory_space<semaphore_mem>>)
      %dma_wait3A = arith.constant 0 : i32
      %dma_wait3A_161 = tpu.memref_slice %arg4[%run_scoped3A_45, %dma_wait3A] : memref<18x10240xf32, #tpu.memory_space<hbm>> -> memref<1x10240xf32, #tpu.memory_space<hbm>>
      %dma_wait3A_162 = tpu.memref_squeeze %dma_wait3A_161 : memref<1x10240xf32, #tpu.memory_space<hbm>> -> memref<10240xf32, #tpu.memory_space<hbm>>
      %dma_wait3A_163 = arith.constant 0 : i32
      %dma_wait3A_164 = tpu.memref_slice %arg4[%run_scoped3A_45, %dma_wait3A_163] : memref<18x10240xf32, #tpu.memory_space<hbm>> -> memref<1x10240xf32, #tpu.memory_space<hbm>>
      %dma_wait3A_165 = tpu.memref_squeeze %dma_wait3A_164 : memref<1x10240xf32, #tpu.memory_space<hbm>> -> memref<10240xf32, #tpu.memory_space<hbm>>
      tpu.wait_dma2 semaphore(%run_scoped3A_155 : memref<!tpu.dma_semaphore, #tpu.memory_space<semaphore_mem>>) src(%dma_wait3A_165 : memref<10240xf32, #tpu.memory_space<hbm>>) dst(%arg10 : memref<10240xf32, #tpu.memory_space<vmem>>)
      tpu.yield
    }) : () -> ()
    %run_scoped3A_46 = arith.constant 5 : i32
    "tpu.region"() ({
      %run_scoped3A_155 = tpu.sem_alloc : memref<!tpu.dma_semaphore, #tpu.memory_space<semaphore_mem>>
      %dma_start3A = arith.constant 0 : i32
      %dma_start3A_156 = tpu.memref_slice %arg5[%run_scoped3A_46, %dma_start3A] : memref<18x10240xf32, #tpu.memory_space<hbm>> -> memref<1x10240xf32, #tpu.memory_space<hbm>>
      %dma_start3A_157 = tpu.memref_squeeze %dma_start3A_156 : memref<1x10240xf32, #tpu.memory_space<hbm>> -> memref<10240xf32, #tpu.memory_space<hbm>>
      %dma_start3A_158 = arith.constant 0 : i32
      %dma_start3A_159 = tpu.memref_slice %arg5[%run_scoped3A_46, %dma_start3A_158] : memref<18x10240xf32, #tpu.memory_space<hbm>> -> memref<1x10240xf32, #tpu.memory_space<hbm>>
      %dma_start3A_160 = tpu.memref_squeeze %dma_start3A_159 : memref<1x10240xf32, #tpu.memory_space<hbm>> -> memref<10240xf32, #tpu.memory_space<hbm>>
      tpu.enqueue_dma source(%dma_start3A_160 : memref<10240xf32, #tpu.memory_space<hbm>>) target(%arg11 : memref<10240xf32, #tpu.memory_space<vmem>>) target_semaphore(%run_scoped3A_155 : memref<!tpu.dma_semaphore, #tpu.memory_space<semaphore_mem>>)
      %dma_wait3A = arith.constant 0 : i32
      %dma_wait3A_161 = tpu.memref_slice %arg5[%run_scoped3A_46, %dma_wait3A] : memref<18x10240xf32, #tpu.memory_space<hbm>> -> memref<1x10240xf32, #tpu.memory_space<hbm>>
      %dma_wait3A_162 = tpu.memref_squeeze %dma_wait3A_161 : memref<1x10240xf32, #tpu.memory_space<hbm>> -> memref<10240xf32, #tpu.memory_space<hbm>>
      %dma_wait3A_163 = arith.constant 0 : i32
      %dma_wait3A_164 = tpu.memref_slice %arg5[%run_scoped3A_46, %dma_wait3A_163] : memref<18x10240xf32, #tpu.memory_space<hbm>> -> memref<1x10240xf32, #tpu.memory_space<hbm>>
      %dma_wait3A_165 = tpu.memref_squeeze %dma_wait3A_164 : memref<1x10240xf32, #tpu.memory_space<hbm>> -> memref<10240xf32, #tpu.memory_space<hbm>>
      tpu.wait_dma2 semaphore(%run_scoped3A_155 : memref<!tpu.dma_semaphore, #tpu.memory_space<semaphore_mem>>) src(%dma_wait3A_165 : memref<10240xf32, #tpu.memory_space<hbm>>) dst(%arg11 : memref<10240xf32, #tpu.memory_space<vmem>>)
      tpu.yield
    }) : () -> ()
    %scan3A_47 = arith.constant 0 : i32
    %scan3A_48 = arith.constant 0 : i32
    %scan3A_49 = arith.constant 1250 : i32
    %scan3A_50 = arith.addi %scan3A_48, %scan3A_49 : i32
    %scan3A_51 = arith.constant 1 : i32
    scf.for %scan3A_155 = %scan3A_48 to %scan3A_50 step %scan3A_51  : i32 {
      %mul3A_156 = arith.constant 16 : i32
      %mul3A_157 = arith.muli %scan3A_155, %mul3A_156 : i32
      %get3A = arith.index_cast %mul3A_157 : i32 to index
      %get3A_158 = tpu.vector_load %arg7[%get3A] {strides = array<i32>} : memref<20000xi32, #tpu.memory_space<vmem>>, vector<16xi32>,
      %mul3A_159 = arith.constant 16 : i32
      %mul3A_160 = arith.muli %scan3A_155, %mul3A_159 : i32
      %get3A_161 = arith.index_cast %mul3A_160 : i32 to index
      %get3A_162 = tpu.vector_load %arg8[%get3A_161] {strides = array<i32>} : memref<20000xi32, #tpu.memory_space<vmem>>, vector<16xi32>,
      %gather3A = tpu.vector_load_idx %arg10[%get3A_158] : memref<10240xf32, #tpu.memory_space<vmem>>[vector<16xi32>], vector<16xf32>,
      %gather3A_163 = tpu.vector_load_idx %arg11[%get3A_162] : memref<10240xf32, #tpu.memory_space<vmem>>[vector<16xi32>], vector<16xf32>,
      %mul3A_164 = arith.constant 16 : i32
      %mul3A_165 = arith.muli %scan3A_155, %mul3A_164 : i32
      %get3A_166 = arith.index_cast %mul3A_165 : i32 to index
      %get3A_167 = tpu.vector_load %arg9[%get3A_166] {strides = array<i32>} : memref<20000xf32, #tpu.memory_space<vmem>>, vector<16xf32>,
      %mul3A_168 = arith.mulf %gather3A, %gather3A_163 : vector<16xf32>
      %add3A_169 = arith.addf %get3A_167, %mul3A_168 : vector<16xf32>
      %mul3A_170 = arith.constant 16 : i32
      %mul3A_171 = arith.muli %scan3A_155, %mul3A_170 : i32
      %swap3A = arith.index_cast %mul3A_171 : i32 to index
      %swap3A_172 = tpu.vector_load %arg9[%swap3A] {strides = array<i32>} : memref<20000xf32, #tpu.memory_space<vmem>>, vector<16xf32>,
      tpu.vector_store %arg9[%swap3A], %add3A_169 {strides = array<i32>} : memref<20000xf32, #tpu.memory_space<vmem>>, vector<16xf32>,
    }
    %scan3A_52 = arith.constant 1250 : i32
    %run_scoped3A_53 = arith.constant 6 : i32
    "tpu.region"() ({
      %run_scoped3A_155 = tpu.sem_alloc : memref<!tpu.dma_semaphore, #tpu.memory_space<semaphore_mem>>
      %dma_start3A = arith.constant 0 : i32
      %dma_start3A_156 = tpu.memref_slice %arg4[%run_scoped3A_53, %dma_start3A] : memref<18x10240xf32, #tpu.memory_space<hbm>> -> memref<1x10240xf32, #tpu.memory_space<hbm>>
      %dma_start3A_157 = tpu.memref_squeeze %dma_start3A_156 : memref<1x10240xf32, #tpu.memory_space<hbm>> -> memref<10240xf32, #tpu.memory_space<hbm>>
      %dma_start3A_158 = arith.constant 0 : i32
      %dma_start3A_159 = tpu.memref_slice %arg4[%run_scoped3A_53, %dma_start3A_158] : memref<18x10240xf32, #tpu.memory_space<hbm>> -> memref<1x10240xf32, #tpu.memory_space<hbm>>
      %dma_start3A_160 = tpu.memref_squeeze %dma_start3A_159 : memref<1x10240xf32, #tpu.memory_space<hbm>> -> memref<10240xf32, #tpu.memory_space<hbm>>
      tpu.enqueue_dma source(%dma_start3A_160 : memref<10240xf32, #tpu.memory_space<hbm>>) target(%arg10 : memref<10240xf32, #tpu.memory_space<vmem>>) target_semaphore(%run_scoped3A_155 : memref<!tpu.dma_semaphore, #tpu.memory_space<semaphore_mem>>)
      %dma_wait3A = arith.constant 0 : i32
      %dma_wait3A_161 = tpu.memref_slice %arg4[%run_scoped3A_53, %dma_wait3A] : memref<18x10240xf32, #tpu.memory_space<hbm>> -> memref<1x10240xf32, #tpu.memory_space<hbm>>
      %dma_wait3A_162 = tpu.memref_squeeze %dma_wait3A_161 : memref<1x10240xf32, #tpu.memory_space<hbm>> -> memref<10240xf32, #tpu.memory_space<hbm>>
      %dma_wait3A_163 = arith.constant 0 : i32
      %dma_wait3A_164 = tpu.memref_slice %arg4[%run_scoped3A_53, %dma_wait3A_163] : memref<18x10240xf32, #tpu.memory_space<hbm>> -> memref<1x10240xf32, #tpu.memory_space<hbm>>
      %dma_wait3A_165 = tpu.memref_squeeze %dma_wait3A_164 : memref<1x10240xf32, #tpu.memory_space<hbm>> -> memref<10240xf32, #tpu.memory_space<hbm>>
      tpu.wait_dma2 semaphore(%run_scoped3A_155 : memref<!tpu.dma_semaphore, #tpu.memory_space<semaphore_mem>>) src(%dma_wait3A_165 : memref<10240xf32, #tpu.memory_space<hbm>>) dst(%arg10 : memref<10240xf32, #tpu.memory_space<vmem>>)
      tpu.yield
    }) : () -> ()
    %run_scoped3A_54 = arith.constant 6 : i32
    "tpu.region"() ({
      %run_scoped3A_155 = tpu.sem_alloc : memref<!tpu.dma_semaphore, #tpu.memory_space<semaphore_mem>>
      %dma_start3A = arith.constant 0 : i32
      %dma_start3A_156 = tpu.memref_slice %arg5[%run_scoped3A_54, %dma_start3A] : memref<18x10240xf32, #tpu.memory_space<hbm>> -> memref<1x10240xf32, #tpu.memory_space<hbm>>
      %dma_start3A_157 = tpu.memref_squeeze %dma_start3A_156 : memref<1x10240xf32, #tpu.memory_space<hbm>> -> memref<10240xf32, #tpu.memory_space<hbm>>
      %dma_start3A_158 = arith.constant 0 : i32
      %dma_start3A_159 = tpu.memref_slice %arg5[%run_scoped3A_54, %dma_start3A_158] : memref<18x10240xf32, #tpu.memory_space<hbm>> -> memref<1x10240xf32, #tpu.memory_space<hbm>>
      %dma_start3A_160 = tpu.memref_squeeze %dma_start3A_159 : memref<1x10240xf32, #tpu.memory_space<hbm>> -> memref<10240xf32, #tpu.memory_space<hbm>>
      tpu.enqueue_dma source(%dma_start3A_160 : memref<10240xf32, #tpu.memory_space<hbm>>) target(%arg11 : memref<10240xf32, #tpu.memory_space<vmem>>) target_semaphore(%run_scoped3A_155 : memref<!tpu.dma_semaphore, #tpu.memory_space<semaphore_mem>>)
      %dma_wait3A = arith.constant 0 : i32
      %dma_wait3A_161 = tpu.memref_slice %arg5[%run_scoped3A_54, %dma_wait3A] : memref<18x10240xf32, #tpu.memory_space<hbm>> -> memref<1x10240xf32, #tpu.memory_space<hbm>>
      %dma_wait3A_162 = tpu.memref_squeeze %dma_wait3A_161 : memref<1x10240xf32, #tpu.memory_space<hbm>> -> memref<10240xf32, #tpu.memory_space<hbm>>
      %dma_wait3A_163 = arith.constant 0 : i32
      %dma_wait3A_164 = tpu.memref_slice %arg5[%run_scoped3A_54, %dma_wait3A_163] : memref<18x10240xf32, #tpu.memory_space<hbm>> -> memref<1x10240xf32, #tpu.memory_space<hbm>>
      %dma_wait3A_165 = tpu.memref_squeeze %dma_wait3A_164 : memref<1x10240xf32, #tpu.memory_space<hbm>> -> memref<10240xf32, #tpu.memory_space<hbm>>
      tpu.wait_dma2 semaphore(%run_scoped3A_155 : memref<!tpu.dma_semaphore, #tpu.memory_space<semaphore_mem>>) src(%dma_wait3A_165 : memref<10240xf32, #tpu.memory_space<hbm>>) dst(%arg11 : memref<10240xf32, #tpu.memory_space<vmem>>)
      tpu.yield
    }) : () -> ()
    %scan3A_55 = arith.constant 0 : i32
    %scan3A_56 = arith.constant 0 : i32
    %scan3A_57 = arith.constant 1250 : i32
    %scan3A_58 = arith.addi %scan3A_56, %scan3A_57 : i32
    %scan3A_59 = arith.constant 1 : i32
    scf.for %scan3A_155 = %scan3A_56 to %scan3A_58 step %scan3A_59  : i32 {
      %mul3A_156 = arith.constant 16 : i32
      %mul3A_157 = arith.muli %scan3A_155, %mul3A_156 : i32
      %get3A = arith.index_cast %mul3A_157 : i32 to index
      %get3A_158 = tpu.vector_load %arg7[%get3A] {strides = array<i32>} : memref<20000xi32, #tpu.memory_space<vmem>>, vector<16xi32>,
      %mul3A_159 = arith.constant 16 : i32
      %mul3A_160 = arith.muli %scan3A_155, %mul3A_159 : i32
      %get3A_161 = arith.index_cast %mul3A_160 : i32 to index
      %get3A_162 = tpu.vector_load %arg8[%get3A_161] {strides = array<i32>} : memref<20000xi32, #tpu.memory_space<vmem>>, vector<16xi32>,
      %gather3A = tpu.vector_load_idx %arg10[%get3A_158] : memref<10240xf32, #tpu.memory_space<vmem>>[vector<16xi32>], vector<16xf32>,
      %gather3A_163 = tpu.vector_load_idx %arg11[%get3A_162] : memref<10240xf32, #tpu.memory_space<vmem>>[vector<16xi32>], vector<16xf32>,
      %mul3A_164 = arith.constant 16 : i32
      %mul3A_165 = arith.muli %scan3A_155, %mul3A_164 : i32
      %get3A_166 = arith.index_cast %mul3A_165 : i32 to index
      %get3A_167 = tpu.vector_load %arg9[%get3A_166] {strides = array<i32>} : memref<20000xf32, #tpu.memory_space<vmem>>, vector<16xf32>,
      %mul3A_168 = arith.mulf %gather3A, %gather3A_163 : vector<16xf32>
      %add3A_169 = arith.addf %get3A_167, %mul3A_168 : vector<16xf32>
      %mul3A_170 = arith.constant 16 : i32
      %mul3A_171 = arith.muli %scan3A_155, %mul3A_170 : i32
      %swap3A = arith.index_cast %mul3A_171 : i32 to index
      %swap3A_172 = tpu.vector_load %arg9[%swap3A] {strides = array<i32>} : memref<20000xf32, #tpu.memory_space<vmem>>, vector<16xf32>,
      tpu.vector_store %arg9[%swap3A], %add3A_169 {strides = array<i32>} : memref<20000xf32, #tpu.memory_space<vmem>>, vector<16xf32>,
    }
    %scan3A_60 = arith.constant 1250 : i32
    %run_scoped3A_61 = arith.constant 7 : i32
    "tpu.region"() ({
      %run_scoped3A_155 = tpu.sem_alloc : memref<!tpu.dma_semaphore, #tpu.memory_space<semaphore_mem>>
      %dma_start3A = arith.constant 0 : i32
      %dma_start3A_156 = tpu.memref_slice %arg4[%run_scoped3A_61, %dma_start3A] : memref<18x10240xf32, #tpu.memory_space<hbm>> -> memref<1x10240xf32, #tpu.memory_space<hbm>>
      %dma_start3A_157 = tpu.memref_squeeze %dma_start3A_156 : memref<1x10240xf32, #tpu.memory_space<hbm>> -> memref<10240xf32, #tpu.memory_space<hbm>>
      %dma_start3A_158 = arith.constant 0 : i32
      %dma_start3A_159 = tpu.memref_slice %arg4[%run_scoped3A_61, %dma_start3A_158] : memref<18x10240xf32, #tpu.memory_space<hbm>> -> memref<1x10240xf32, #tpu.memory_space<hbm>>
      %dma_start3A_160 = tpu.memref_squeeze %dma_start3A_159 : memref<1x10240xf32, #tpu.memory_space<hbm>> -> memref<10240xf32, #tpu.memory_space<hbm>>
      tpu.enqueue_dma source(%dma_start3A_160 : memref<10240xf32, #tpu.memory_space<hbm>>) target(%arg10 : memref<10240xf32, #tpu.memory_space<vmem>>) target_semaphore(%run_scoped3A_155 : memref<!tpu.dma_semaphore, #tpu.memory_space<semaphore_mem>>)
      %dma_wait3A = arith.constant 0 : i32
      %dma_wait3A_161 = tpu.memref_slice %arg4[%run_scoped3A_61, %dma_wait3A] : memref<18x10240xf32, #tpu.memory_space<hbm>> -> memref<1x10240xf32, #tpu.memory_space<hbm>>
      %dma_wait3A_162 = tpu.memref_squeeze %dma_wait3A_161 : memref<1x10240xf32, #tpu.memory_space<hbm>> -> memref<10240xf32, #tpu.memory_space<hbm>>
      %dma_wait3A_163 = arith.constant 0 : i32
      %dma_wait3A_164 = tpu.memref_slice %arg4[%run_scoped3A_61, %dma_wait3A_163] : memref<18x10240xf32, #tpu.memory_space<hbm>> -> memref<1x10240xf32, #tpu.memory_space<hbm>>
      %dma_wait3A_165 = tpu.memref_squeeze %dma_wait3A_164 : memref<1x10240xf32, #tpu.memory_space<hbm>> -> memref<10240xf32, #tpu.memory_space<hbm>>
      tpu.wait_dma2 semaphore(%run_scoped3A_155 : memref<!tpu.dma_semaphore, #tpu.memory_space<semaphore_mem>>) src(%dma_wait3A_165 : memref<10240xf32, #tpu.memory_space<hbm>>) dst(%arg10 : memref<10240xf32, #tpu.memory_space<vmem>>)
      tpu.yield
    }) : () -> ()
    %run_scoped3A_62 = arith.constant 7 : i32
    "tpu.region"() ({
      %run_scoped3A_155 = tpu.sem_alloc : memref<!tpu.dma_semaphore, #tpu.memory_space<semaphore_mem>>
      %dma_start3A = arith.constant 0 : i32
      %dma_start3A_156 = tpu.memref_slice %arg5[%run_scoped3A_62, %dma_start3A] : memref<18x10240xf32, #tpu.memory_space<hbm>> -> memref<1x10240xf32, #tpu.memory_space<hbm>>
      %dma_start3A_157 = tpu.memref_squeeze %dma_start3A_156 : memref<1x10240xf32, #tpu.memory_space<hbm>> -> memref<10240xf32, #tpu.memory_space<hbm>>
      %dma_start3A_158 = arith.constant 0 : i32
      %dma_start3A_159 = tpu.memref_slice %arg5[%run_scoped3A_62, %dma_start3A_158] : memref<18x10240xf32, #tpu.memory_space<hbm>> -> memref<1x10240xf32, #tpu.memory_space<hbm>>
      %dma_start3A_160 = tpu.memref_squeeze %dma_start3A_159 : memref<1x10240xf32, #tpu.memory_space<hbm>> -> memref<10240xf32, #tpu.memory_space<hbm>>
      tpu.enqueue_dma source(%dma_start3A_160 : memref<10240xf32, #tpu.memory_space<hbm>>) target(%arg11 : memref<10240xf32, #tpu.memory_space<vmem>>) target_semaphore(%run_scoped3A_155 : memref<!tpu.dma_semaphore, #tpu.memory_space<semaphore_mem>>)
      %dma_wait3A = arith.constant 0 : i32
      %dma_wait3A_161 = tpu.memref_slice %arg5[%run_scoped3A_62, %dma_wait3A] : memref<18x10240xf32, #tpu.memory_space<hbm>> -> memref<1x10240xf32, #tpu.memory_space<hbm>>
      %dma_wait3A_162 = tpu.memref_squeeze %dma_wait3A_161 : memref<1x10240xf32, #tpu.memory_space<hbm>> -> memref<10240xf32, #tpu.memory_space<hbm>>
      %dma_wait3A_163 = arith.constant 0 : i32
      %dma_wait3A_164 = tpu.memref_slice %arg5[%run_scoped3A_62, %dma_wait3A_163] : memref<18x10240xf32, #tpu.memory_space<hbm>> -> memref<1x10240xf32, #tpu.memory_space<hbm>>
      %dma_wait3A_165 = tpu.memref_squeeze %dma_wait3A_164 : memref<1x10240xf32, #tpu.memory_space<hbm>> -> memref<10240xf32, #tpu.memory_space<hbm>>
      tpu.wait_dma2 semaphore(%run_scoped3A_155 : memref<!tpu.dma_semaphore, #tpu.memory_space<semaphore_mem>>) src(%dma_wait3A_165 : memref<10240xf32, #tpu.memory_space<hbm>>) dst(%arg11 : memref<10240xf32, #tpu.memory_space<vmem>>)
      tpu.yield
    }) : () -> ()
    %scan3A_63 = arith.constant 0 : i32
    %scan3A_64 = arith.constant 0 : i32
    %scan3A_65 = arith.constant 1250 : i32
    %scan3A_66 = arith.addi %scan3A_64, %scan3A_65 : i32
    %scan3A_67 = arith.constant 1 : i32
    scf.for %scan3A_155 = %scan3A_64 to %scan3A_66 step %scan3A_67  : i32 {
      %mul3A_156 = arith.constant 16 : i32
      %mul3A_157 = arith.muli %scan3A_155, %mul3A_156 : i32
      %get3A = arith.index_cast %mul3A_157 : i32 to index
      %get3A_158 = tpu.vector_load %arg7[%get3A] {strides = array<i32>} : memref<20000xi32, #tpu.memory_space<vmem>>, vector<16xi32>,
      %mul3A_159 = arith.constant 16 : i32
      %mul3A_160 = arith.muli %scan3A_155, %mul3A_159 : i32
      %get3A_161 = arith.index_cast %mul3A_160 : i32 to index
      %get3A_162 = tpu.vector_load %arg8[%get3A_161] {strides = array<i32>} : memref<20000xi32, #tpu.memory_space<vmem>>, vector<16xi32>,
      %gather3A = tpu.vector_load_idx %arg10[%get3A_158] : memref<10240xf32, #tpu.memory_space<vmem>>[vector<16xi32>], vector<16xf32>,
      %gather3A_163 = tpu.vector_load_idx %arg11[%get3A_162] : memref<10240xf32, #tpu.memory_space<vmem>>[vector<16xi32>], vector<16xf32>,
      %mul3A_164 = arith.constant 16 : i32
      %mul3A_165 = arith.muli %scan3A_155, %mul3A_164 : i32
      %get3A_166 = arith.index_cast %mul3A_165 : i32 to index
      %get3A_167 = tpu.vector_load %arg9[%get3A_166] {strides = array<i32>} : memref<20000xf32, #tpu.memory_space<vmem>>, vector<16xf32>,
      %mul3A_168 = arith.mulf %gather3A, %gather3A_163 : vector<16xf32>
      %add3A_169 = arith.addf %get3A_167, %mul3A_168 : vector<16xf32>
      %mul3A_170 = arith.constant 16 : i32
      %mul3A_171 = arith.muli %scan3A_155, %mul3A_170 : i32
      %swap3A = arith.index_cast %mul3A_171 : i32 to index
      %swap3A_172 = tpu.vector_load %arg9[%swap3A] {strides = array<i32>} : memref<20000xf32, #tpu.memory_space<vmem>>, vector<16xf32>,
      tpu.vector_store %arg9[%swap3A], %add3A_169 {strides = array<i32>} : memref<20000xf32, #tpu.memory_space<vmem>>, vector<16xf32>,
    }
    %scan3A_68 = arith.constant 1250 : i32
    %run_scoped3A_69 = arith.constant 8 : i32
    "tpu.region"() ({
      %run_scoped3A_155 = tpu.sem_alloc : memref<!tpu.dma_semaphore, #tpu.memory_space<semaphore_mem>>
      %dma_start3A = arith.constant 0 : i32
      %dma_start3A_156 = tpu.memref_slice %arg4[%run_scoped3A_69, %dma_start3A] : memref<18x10240xf32, #tpu.memory_space<hbm>> -> memref<1x10240xf32, #tpu.memory_space<hbm>>
      %dma_start3A_157 = tpu.memref_squeeze %dma_start3A_156 : memref<1x10240xf32, #tpu.memory_space<hbm>> -> memref<10240xf32, #tpu.memory_space<hbm>>
      %dma_start3A_158 = arith.constant 0 : i32
      %dma_start3A_159 = tpu.memref_slice %arg4[%run_scoped3A_69, %dma_start3A_158] : memref<18x10240xf32, #tpu.memory_space<hbm>> -> memref<1x10240xf32, #tpu.memory_space<hbm>>
      %dma_start3A_160 = tpu.memref_squeeze %dma_start3A_159 : memref<1x10240xf32, #tpu.memory_space<hbm>> -> memref<10240xf32, #tpu.memory_space<hbm>>
      tpu.enqueue_dma source(%dma_start3A_160 : memref<10240xf32, #tpu.memory_space<hbm>>) target(%arg10 : memref<10240xf32, #tpu.memory_space<vmem>>) target_semaphore(%run_scoped3A_155 : memref<!tpu.dma_semaphore, #tpu.memory_space<semaphore_mem>>)
      %dma_wait3A = arith.constant 0 : i32
      %dma_wait3A_161 = tpu.memref_slice %arg4[%run_scoped3A_69, %dma_wait3A] : memref<18x10240xf32, #tpu.memory_space<hbm>> -> memref<1x10240xf32, #tpu.memory_space<hbm>>
      %dma_wait3A_162 = tpu.memref_squeeze %dma_wait3A_161 : memref<1x10240xf32, #tpu.memory_space<hbm>> -> memref<10240xf32, #tpu.memory_space<hbm>>
      %dma_wait3A_163 = arith.constant 0 : i32
      %dma_wait3A_164 = tpu.memref_slice %arg4[%run_scoped3A_69, %dma_wait3A_163] : memref<18x10240xf32, #tpu.memory_space<hbm>> -> memref<1x10240xf32, #tpu.memory_space<hbm>>
      %dma_wait3A_165 = tpu.memref_squeeze %dma_wait3A_164 : memref<1x10240xf32, #tpu.memory_space<hbm>> -> memref<10240xf32, #tpu.memory_space<hbm>>
      tpu.wait_dma2 semaphore(%run_scoped3A_155 : memref<!tpu.dma_semaphore, #tpu.memory_space<semaphore_mem>>) src(%dma_wait3A_165 : memref<10240xf32, #tpu.memory_space<hbm>>) dst(%arg10 : memref<10240xf32, #tpu.memory_space<vmem>>)
      tpu.yield
    }) : () -> ()
    %run_scoped3A_70 = arith.constant 8 : i32
    "tpu.region"() ({
      %run_scoped3A_155 = tpu.sem_alloc : memref<!tpu.dma_semaphore, #tpu.memory_space<semaphore_mem>>
      %dma_start3A = arith.constant 0 : i32
      %dma_start3A_156 = tpu.memref_slice %arg5[%run_scoped3A_70, %dma_start3A] : memref<18x10240xf32, #tpu.memory_space<hbm>> -> memref<1x10240xf32, #tpu.memory_space<hbm>>
      %dma_start3A_157 = tpu.memref_squeeze %dma_start3A_156 : memref<1x10240xf32, #tpu.memory_space<hbm>> -> memref<10240xf32, #tpu.memory_space<hbm>>
      %dma_start3A_158 = arith.constant 0 : i32
      %dma_start3A_159 = tpu.memref_slice %arg5[%run_scoped3A_70, %dma_start3A_158] : memref<18x10240xf32, #tpu.memory_space<hbm>> -> memref<1x10240xf32, #tpu.memory_space<hbm>>
      %dma_start3A_160 = tpu.memref_squeeze %dma_start3A_159 : memref<1x10240xf32, #tpu.memory_space<hbm>> -> memref<10240xf32, #tpu.memory_space<hbm>>
      tpu.enqueue_dma source(%dma_start3A_160 : memref<10240xf32, #tpu.memory_space<hbm>>) target(%arg11 : memref<10240xf32, #tpu.memory_space<vmem>>) target_semaphore(%run_scoped3A_155 : memref<!tpu.dma_semaphore, #tpu.memory_space<semaphore_mem>>)
      %dma_wait3A = arith.constant 0 : i32
      %dma_wait3A_161 = tpu.memref_slice %arg5[%run_scoped3A_70, %dma_wait3A] : memref<18x10240xf32, #tpu.memory_space<hbm>> -> memref<1x10240xf32, #tpu.memory_space<hbm>>
      %dma_wait3A_162 = tpu.memref_squeeze %dma_wait3A_161 : memref<1x10240xf32, #tpu.memory_space<hbm>> -> memref<10240xf32, #tpu.memory_space<hbm>>
      %dma_wait3A_163 = arith.constant 0 : i32
      %dma_wait3A_164 = tpu.memref_slice %arg5[%run_scoped3A_70, %dma_wait3A_163] : memref<18x10240xf32, #tpu.memory_space<hbm>> -> memref<1x10240xf32, #tpu.memory_space<hbm>>
      %dma_wait3A_165 = tpu.memref_squeeze %dma_wait3A_164 : memref<1x10240xf32, #tpu.memory_space<hbm>> -> memref<10240xf32, #tpu.memory_space<hbm>>
      tpu.wait_dma2 semaphore(%run_scoped3A_155 : memref<!tpu.dma_semaphore, #tpu.memory_space<semaphore_mem>>) src(%dma_wait3A_165 : memref<10240xf32, #tpu.memory_space<hbm>>) dst(%arg11 : memref<10240xf32, #tpu.memory_space<vmem>>)
      tpu.yield
    }) : () -> ()
    %scan3A_71 = arith.constant 0 : i32
    %scan3A_72 = arith.constant 0 : i32
    %scan3A_73 = arith.constant 1250 : i32
    %scan3A_74 = arith.addi %scan3A_72, %scan3A_73 : i32
    %scan3A_75 = arith.constant 1 : i32
    scf.for %scan3A_155 = %scan3A_72 to %scan3A_74 step %scan3A_75  : i32 {
      %mul3A_156 = arith.constant 16 : i32
      %mul3A_157 = arith.muli %scan3A_155, %mul3A_156 : i32
      %get3A = arith.index_cast %mul3A_157 : i32 to index
      %get3A_158 = tpu.vector_load %arg7[%get3A] {strides = array<i32>} : memref<20000xi32, #tpu.memory_space<vmem>>, vector<16xi32>,
      %mul3A_159 = arith.constant 16 : i32
      %mul3A_160 = arith.muli %scan3A_155, %mul3A_159 : i32
      %get3A_161 = arith.index_cast %mul3A_160 : i32 to index
      %get3A_162 = tpu.vector_load %arg8[%get3A_161] {strides = array<i32>} : memref<20000xi32, #tpu.memory_space<vmem>>, vector<16xi32>,
      %gather3A = tpu.vector_load_idx %arg10[%get3A_158] : memref<10240xf32, #tpu.memory_space<vmem>>[vector<16xi32>], vector<16xf32>,
      %gather3A_163 = tpu.vector_load_idx %arg11[%get3A_162] : memref<10240xf32, #tpu.memory_space<vmem>>[vector<16xi32>], vector<16xf32>,
      %mul3A_164 = arith.constant 16 : i32
      %mul3A_165 = arith.muli %scan3A_155, %mul3A_164 : i32
      %get3A_166 = arith.index_cast %mul3A_165 : i32 to index
      %get3A_167 = tpu.vector_load %arg9[%get3A_166] {strides = array<i32>} : memref<20000xf32, #tpu.memory_space<vmem>>, vector<16xf32>,
      %mul3A_168 = arith.mulf %gather3A, %gather3A_163 : vector<16xf32>
      %add3A_169 = arith.addf %get3A_167, %mul3A_168 : vector<16xf32>
      %mul3A_170 = arith.constant 16 : i32
      %mul3A_171 = arith.muli %scan3A_155, %mul3A_170 : i32
      %swap3A = arith.index_cast %mul3A_171 : i32 to index
      %swap3A_172 = tpu.vector_load %arg9[%swap3A] {strides = array<i32>} : memref<20000xf32, #tpu.memory_space<vmem>>, vector<16xf32>,
      tpu.vector_store %arg9[%swap3A], %add3A_169 {strides = array<i32>} : memref<20000xf32, #tpu.memory_space<vmem>>, vector<16xf32>,
    }
    %scan3A_76 = arith.constant 1250 : i32
    %run_scoped3A_77 = arith.constant 9 : i32
    "tpu.region"() ({
      %run_scoped3A_155 = tpu.sem_alloc : memref<!tpu.dma_semaphore, #tpu.memory_space<semaphore_mem>>
      %dma_start3A = arith.constant 0 : i32
      %dma_start3A_156 = tpu.memref_slice %arg4[%run_scoped3A_77, %dma_start3A] : memref<18x10240xf32, #tpu.memory_space<hbm>> -> memref<1x10240xf32, #tpu.memory_space<hbm>>
      %dma_start3A_157 = tpu.memref_squeeze %dma_start3A_156 : memref<1x10240xf32, #tpu.memory_space<hbm>> -> memref<10240xf32, #tpu.memory_space<hbm>>
      %dma_start3A_158 = arith.constant 0 : i32
      %dma_start3A_159 = tpu.memref_slice %arg4[%run_scoped3A_77, %dma_start3A_158] : memref<18x10240xf32, #tpu.memory_space<hbm>> -> memref<1x10240xf32, #tpu.memory_space<hbm>>
      %dma_start3A_160 = tpu.memref_squeeze %dma_start3A_159 : memref<1x10240xf32, #tpu.memory_space<hbm>> -> memref<10240xf32, #tpu.memory_space<hbm>>
      tpu.enqueue_dma source(%dma_start3A_160 : memref<10240xf32, #tpu.memory_space<hbm>>) target(%arg10 : memref<10240xf32, #tpu.memory_space<vmem>>) target_semaphore(%run_scoped3A_155 : memref<!tpu.dma_semaphore, #tpu.memory_space<semaphore_mem>>)
      %dma_wait3A = arith.constant 0 : i32
      %dma_wait3A_161 = tpu.memref_slice %arg4[%run_scoped3A_77, %dma_wait3A] : memref<18x10240xf32, #tpu.memory_space<hbm>> -> memref<1x10240xf32, #tpu.memory_space<hbm>>
      %dma_wait3A_162 = tpu.memref_squeeze %dma_wait3A_161 : memref<1x10240xf32, #tpu.memory_space<hbm>> -> memref<10240xf32, #tpu.memory_space<hbm>>
      %dma_wait3A_163 = arith.constant 0 : i32
      %dma_wait3A_164 = tpu.memref_slice %arg4[%run_scoped3A_77, %dma_wait3A_163] : memref<18x10240xf32, #tpu.memory_space<hbm>> -> memref<1x10240xf32, #tpu.memory_space<hbm>>
      %dma_wait3A_165 = tpu.memref_squeeze %dma_wait3A_164 : memref<1x10240xf32, #tpu.memory_space<hbm>> -> memref<10240xf32, #tpu.memory_space<hbm>>
      tpu.wait_dma2 semaphore(%run_scoped3A_155 : memref<!tpu.dma_semaphore, #tpu.memory_space<semaphore_mem>>) src(%dma_wait3A_165 : memref<10240xf32, #tpu.memory_space<hbm>>) dst(%arg10 : memref<10240xf32, #tpu.memory_space<vmem>>)
      tpu.yield
    }) : () -> ()
    %run_scoped3A_78 = arith.constant 9 : i32
    "tpu.region"() ({
      %run_scoped3A_155 = tpu.sem_alloc : memref<!tpu.dma_semaphore, #tpu.memory_space<semaphore_mem>>
      %dma_start3A = arith.constant 0 : i32
      %dma_start3A_156 = tpu.memref_slice %arg5[%run_scoped3A_78, %dma_start3A] : memref<18x10240xf32, #tpu.memory_space<hbm>> -> memref<1x10240xf32, #tpu.memory_space<hbm>>
      %dma_start3A_157 = tpu.memref_squeeze %dma_start3A_156 : memref<1x10240xf32, #tpu.memory_space<hbm>> -> memref<10240xf32, #tpu.memory_space<hbm>>
      %dma_start3A_158 = arith.constant 0 : i32
      %dma_start3A_159 = tpu.memref_slice %arg5[%run_scoped3A_78, %dma_start3A_158] : memref<18x10240xf32, #tpu.memory_space<hbm>> -> memref<1x10240xf32, #tpu.memory_space<hbm>>
      %dma_start3A_160 = tpu.memref_squeeze %dma_start3A_159 : memref<1x10240xf32, #tpu.memory_space<hbm>> -> memref<10240xf32, #tpu.memory_space<hbm>>
      tpu.enqueue_dma source(%dma_start3A_160 : memref<10240xf32, #tpu.memory_space<hbm>>) target(%arg11 : memref<10240xf32, #tpu.memory_space<vmem>>) target_semaphore(%run_scoped3A_155 : memref<!tpu.dma_semaphore, #tpu.memory_space<semaphore_mem>>)
      %dma_wait3A = arith.constant 0 : i32
      %dma_wait3A_161 = tpu.memref_slice %arg5[%run_scoped3A_78, %dma_wait3A] : memref<18x10240xf32, #tpu.memory_space<hbm>> -> memref<1x10240xf32, #tpu.memory_space<hbm>>
      %dma_wait3A_162 = tpu.memref_squeeze %dma_wait3A_161 : memref<1x10240xf32, #tpu.memory_space<hbm>> -> memref<10240xf32, #tpu.memory_space<hbm>>
      %dma_wait3A_163 = arith.constant 0 : i32
      %dma_wait3A_164 = tpu.memref_slice %arg5[%run_scoped3A_78, %dma_wait3A_163] : memref<18x10240xf32, #tpu.memory_space<hbm>> -> memref<1x10240xf32, #tpu.memory_space<hbm>>
      %dma_wait3A_165 = tpu.memref_squeeze %dma_wait3A_164 : memref<1x10240xf32, #tpu.memory_space<hbm>> -> memref<10240xf32, #tpu.memory_space<hbm>>
      tpu.wait_dma2 semaphore(%run_scoped3A_155 : memref<!tpu.dma_semaphore, #tpu.memory_space<semaphore_mem>>) src(%dma_wait3A_165 : memref<10240xf32, #tpu.memory_space<hbm>>) dst(%arg11 : memref<10240xf32, #tpu.memory_space<vmem>>)
      tpu.yield
    }) : () -> ()
    %scan3A_79 = arith.constant 0 : i32
    %scan3A_80 = arith.constant 0 : i32
    %scan3A_81 = arith.constant 1250 : i32
    %scan3A_82 = arith.addi %scan3A_80, %scan3A_81 : i32
    %scan3A_83 = arith.constant 1 : i32
    scf.for %scan3A_155 = %scan3A_80 to %scan3A_82 step %scan3A_83  : i32 {
      %mul3A_156 = arith.constant 16 : i32
      %mul3A_157 = arith.muli %scan3A_155, %mul3A_156 : i32
      %get3A = arith.index_cast %mul3A_157 : i32 to index
      %get3A_158 = tpu.vector_load %arg7[%get3A] {strides = array<i32>} : memref<20000xi32, #tpu.memory_space<vmem>>, vector<16xi32>,
      %mul3A_159 = arith.constant 16 : i32
      %mul3A_160 = arith.muli %scan3A_155, %mul3A_159 : i32
      %get3A_161 = arith.index_cast %mul3A_160 : i32 to index
      %get3A_162 = tpu.vector_load %arg8[%get3A_161] {strides = array<i32>} : memref<20000xi32, #tpu.memory_space<vmem>>, vector<16xi32>,
      %gather3A = tpu.vector_load_idx %arg10[%get3A_158] : memref<10240xf32, #tpu.memory_space<vmem>>[vector<16xi32>], vector<16xf32>,
      %gather3A_163 = tpu.vector_load_idx %arg11[%get3A_162] : memref<10240xf32, #tpu.memory_space<vmem>>[vector<16xi32>], vector<16xf32>,
      %mul3A_164 = arith.constant 16 : i32
      %mul3A_165 = arith.muli %scan3A_155, %mul3A_164 : i32
      %get3A_166 = arith.index_cast %mul3A_165 : i32 to index
      %get3A_167 = tpu.vector_load %arg9[%get3A_166] {strides = array<i32>} : memref<20000xf32, #tpu.memory_space<vmem>>, vector<16xf32>,
      %mul3A_168 = arith.mulf %gather3A, %gather3A_163 : vector<16xf32>
      %add3A_169 = arith.addf %get3A_167, %mul3A_168 : vector<16xf32>
      %mul3A_170 = arith.constant 16 : i32
      %mul3A_171 = arith.muli %scan3A_155, %mul3A_170 : i32
      %swap3A = arith.index_cast %mul3A_171 : i32 to index
      %swap3A_172 = tpu.vector_load %arg9[%swap3A] {strides = array<i32>} : memref<20000xf32, #tpu.memory_space<vmem>>, vector<16xf32>,
      tpu.vector_store %arg9[%swap3A], %add3A_169 {strides = array<i32>} : memref<20000xf32, #tpu.memory_space<vmem>>, vector<16xf32>,
    }
    %scan3A_84 = arith.constant 1250 : i32
    %run_scoped3A_85 = arith.constant 10 : i32
    "tpu.region"() ({
      %run_scoped3A_155 = tpu.sem_alloc : memref<!tpu.dma_semaphore, #tpu.memory_space<semaphore_mem>>
      %dma_start3A = arith.constant 0 : i32
      %dma_start3A_156 = tpu.memref_slice %arg4[%run_scoped3A_85, %dma_start3A] : memref<18x10240xf32, #tpu.memory_space<hbm>> -> memref<1x10240xf32, #tpu.memory_space<hbm>>
      %dma_start3A_157 = tpu.memref_squeeze %dma_start3A_156 : memref<1x10240xf32, #tpu.memory_space<hbm>> -> memref<10240xf32, #tpu.memory_space<hbm>>
      %dma_start3A_158 = arith.constant 0 : i32
      %dma_start3A_159 = tpu.memref_slice %arg4[%run_scoped3A_85, %dma_start3A_158] : memref<18x10240xf32, #tpu.memory_space<hbm>> -> memref<1x10240xf32, #tpu.memory_space<hbm>>
      %dma_start3A_160 = tpu.memref_squeeze %dma_start3A_159 : memref<1x10240xf32, #tpu.memory_space<hbm>> -> memref<10240xf32, #tpu.memory_space<hbm>>
      tpu.enqueue_dma source(%dma_start3A_160 : memref<10240xf32, #tpu.memory_space<hbm>>) target(%arg10 : memref<10240xf32, #tpu.memory_space<vmem>>) target_semaphore(%run_scoped3A_155 : memref<!tpu.dma_semaphore, #tpu.memory_space<semaphore_mem>>)
      %dma_wait3A = arith.constant 0 : i32
      %dma_wait3A_161 = tpu.memref_slice %arg4[%run_scoped3A_85, %dma_wait3A] : memref<18x10240xf32, #tpu.memory_space<hbm>> -> memref<1x10240xf32, #tpu.memory_space<hbm>>
      %dma_wait3A_162 = tpu.memref_squeeze %dma_wait3A_161 : memref<1x10240xf32, #tpu.memory_space<hbm>> -> memref<10240xf32, #tpu.memory_space<hbm>>
      %dma_wait3A_163 = arith.constant 0 : i32
      %dma_wait3A_164 = tpu.memref_slice %arg4[%run_scoped3A_85, %dma_wait3A_163] : memref<18x10240xf32, #tpu.memory_space<hbm>> -> memref<1x10240xf32, #tpu.memory_space<hbm>>
      %dma_wait3A_165 = tpu.memref_squeeze %dma_wait3A_164 : memref<1x10240xf32, #tpu.memory_space<hbm>> -> memref<10240xf32, #tpu.memory_space<hbm>>
      tpu.wait_dma2 semaphore(%run_scoped3A_155 : memref<!tpu.dma_semaphore, #tpu.memory_space<semaphore_mem>>) src(%dma_wait3A_165 : memref<10240xf32, #tpu.memory_space<hbm>>) dst(%arg10 : memref<10240xf32, #tpu.memory_space<vmem>>)
      tpu.yield
    }) : () -> ()
    %run_scoped3A_86 = arith.constant 10 : i32
    "tpu.region"() ({
      %run_scoped3A_155 = tpu.sem_alloc : memref<!tpu.dma_semaphore, #tpu.memory_space<semaphore_mem>>
      %dma_start3A = arith.constant 0 : i32
      %dma_start3A_156 = tpu.memref_slice %arg5[%run_scoped3A_86, %dma_start3A] : memref<18x10240xf32, #tpu.memory_space<hbm>> -> memref<1x10240xf32, #tpu.memory_space<hbm>>
      %dma_start3A_157 = tpu.memref_squeeze %dma_start3A_156 : memref<1x10240xf32, #tpu.memory_space<hbm>> -> memref<10240xf32, #tpu.memory_space<hbm>>
      %dma_start3A_158 = arith.constant 0 : i32
      %dma_start3A_159 = tpu.memref_slice %arg5[%run_scoped3A_86, %dma_start3A_158] : memref<18x10240xf32, #tpu.memory_space<hbm>> -> memref<1x10240xf32, #tpu.memory_space<hbm>>
      %dma_start3A_160 = tpu.memref_squeeze %dma_start3A_159 : memref<1x10240xf32, #tpu.memory_space<hbm>> -> memref<10240xf32, #tpu.memory_space<hbm>>
      tpu.enqueue_dma source(%dma_start3A_160 : memref<10240xf32, #tpu.memory_space<hbm>>) target(%arg11 : memref<10240xf32, #tpu.memory_space<vmem>>) target_semaphore(%run_scoped3A_155 : memref<!tpu.dma_semaphore, #tpu.memory_space<semaphore_mem>>)
      %dma_wait3A = arith.constant 0 : i32
      %dma_wait3A_161 = tpu.memref_slice %arg5[%run_scoped3A_86, %dma_wait3A] : memref<18x10240xf32, #tpu.memory_space<hbm>> -> memref<1x10240xf32, #tpu.memory_space<hbm>>
      %dma_wait3A_162 = tpu.memref_squeeze %dma_wait3A_161 : memref<1x10240xf32, #tpu.memory_space<hbm>> -> memref<10240xf32, #tpu.memory_space<hbm>>
      %dma_wait3A_163 = arith.constant 0 : i32
      %dma_wait3A_164 = tpu.memref_slice %arg5[%run_scoped3A_86, %dma_wait3A_163] : memref<18x10240xf32, #tpu.memory_space<hbm>> -> memref<1x10240xf32, #tpu.memory_space<hbm>>
      %dma_wait3A_165 = tpu.memref_squeeze %dma_wait3A_164 : memref<1x10240xf32, #tpu.memory_space<hbm>> -> memref<10240xf32, #tpu.memory_space<hbm>>
      tpu.wait_dma2 semaphore(%run_scoped3A_155 : memref<!tpu.dma_semaphore, #tpu.memory_space<semaphore_mem>>) src(%dma_wait3A_165 : memref<10240xf32, #tpu.memory_space<hbm>>) dst(%arg11 : memref<10240xf32, #tpu.memory_space<vmem>>)
      tpu.yield
    }) : () -> ()
    %scan3A_87 = arith.constant 0 : i32
    %scan3A_88 = arith.constant 0 : i32
    %scan3A_89 = arith.constant 1250 : i32
    %scan3A_90 = arith.addi %scan3A_88, %scan3A_89 : i32
    %scan3A_91 = arith.constant 1 : i32
    scf.for %scan3A_155 = %scan3A_88 to %scan3A_90 step %scan3A_91  : i32 {
      %mul3A_156 = arith.constant 16 : i32
      %mul3A_157 = arith.muli %scan3A_155, %mul3A_156 : i32
      %get3A = arith.index_cast %mul3A_157 : i32 to index
      %get3A_158 = tpu.vector_load %arg7[%get3A] {strides = array<i32>} : memref<20000xi32, #tpu.memory_space<vmem>>, vector<16xi32>,
      %mul3A_159 = arith.constant 16 : i32
      %mul3A_160 = arith.muli %scan3A_155, %mul3A_159 : i32
      %get3A_161 = arith.index_cast %mul3A_160 : i32 to index
      %get3A_162 = tpu.vector_load %arg8[%get3A_161] {strides = array<i32>} : memref<20000xi32, #tpu.memory_space<vmem>>, vector<16xi32>,
      %gather3A = tpu.vector_load_idx %arg10[%get3A_158] : memref<10240xf32, #tpu.memory_space<vmem>>[vector<16xi32>], vector<16xf32>,
      %gather3A_163 = tpu.vector_load_idx %arg11[%get3A_162] : memref<10240xf32, #tpu.memory_space<vmem>>[vector<16xi32>], vector<16xf32>,
      %mul3A_164 = arith.constant 16 : i32
      %mul3A_165 = arith.muli %scan3A_155, %mul3A_164 : i32
      %get3A_166 = arith.index_cast %mul3A_165 : i32 to index
      %get3A_167 = tpu.vector_load %arg9[%get3A_166] {strides = array<i32>} : memref<20000xf32, #tpu.memory_space<vmem>>, vector<16xf32>,
      %mul3A_168 = arith.mulf %gather3A, %gather3A_163 : vector<16xf32>
      %add3A_169 = arith.addf %get3A_167, %mul3A_168 : vector<16xf32>
      %mul3A_170 = arith.constant 16 : i32
      %mul3A_171 = arith.muli %scan3A_155, %mul3A_170 : i32
      %swap3A = arith.index_cast %mul3A_171 : i32 to index
      %swap3A_172 = tpu.vector_load %arg9[%swap3A] {strides = array<i32>} : memref<20000xf32, #tpu.memory_space<vmem>>, vector<16xf32>,
      tpu.vector_store %arg9[%swap3A], %add3A_169 {strides = array<i32>} : memref<20000xf32, #tpu.memory_space<vmem>>, vector<16xf32>,
    }
    %scan3A_92 = arith.constant 1250 : i32
    %run_scoped3A_93 = arith.constant 11 : i32
    "tpu.region"() ({
      %run_scoped3A_155 = tpu.sem_alloc : memref<!tpu.dma_semaphore, #tpu.memory_space<semaphore_mem>>
      %dma_start3A = arith.constant 0 : i32
      %dma_start3A_156 = tpu.memref_slice %arg4[%run_scoped3A_93, %dma_start3A] : memref<18x10240xf32, #tpu.memory_space<hbm>> -> memref<1x10240xf32, #tpu.memory_space<hbm>>
      %dma_start3A_157 = tpu.memref_squeeze %dma_start3A_156 : memref<1x10240xf32, #tpu.memory_space<hbm>> -> memref<10240xf32, #tpu.memory_space<hbm>>
      %dma_start3A_158 = arith.constant 0 : i32
      %dma_start3A_159 = tpu.memref_slice %arg4[%run_scoped3A_93, %dma_start3A_158] : memref<18x10240xf32, #tpu.memory_space<hbm>> -> memref<1x10240xf32, #tpu.memory_space<hbm>>
      %dma_start3A_160 = tpu.memref_squeeze %dma_start3A_159 : memref<1x10240xf32, #tpu.memory_space<hbm>> -> memref<10240xf32, #tpu.memory_space<hbm>>
      tpu.enqueue_dma source(%dma_start3A_160 : memref<10240xf32, #tpu.memory_space<hbm>>) target(%arg10 : memref<10240xf32, #tpu.memory_space<vmem>>) target_semaphore(%run_scoped3A_155 : memref<!tpu.dma_semaphore, #tpu.memory_space<semaphore_mem>>)
      %dma_wait3A = arith.constant 0 : i32
      %dma_wait3A_161 = tpu.memref_slice %arg4[%run_scoped3A_93, %dma_wait3A] : memref<18x10240xf32, #tpu.memory_space<hbm>> -> memref<1x10240xf32, #tpu.memory_space<hbm>>
      %dma_wait3A_162 = tpu.memref_squeeze %dma_wait3A_161 : memref<1x10240xf32, #tpu.memory_space<hbm>> -> memref<10240xf32, #tpu.memory_space<hbm>>
      %dma_wait3A_163 = arith.constant 0 : i32
      %dma_wait3A_164 = tpu.memref_slice %arg4[%run_scoped3A_93, %dma_wait3A_163] : memref<18x10240xf32, #tpu.memory_space<hbm>> -> memref<1x10240xf32, #tpu.memory_space<hbm>>
      %dma_wait3A_165 = tpu.memref_squeeze %dma_wait3A_164 : memref<1x10240xf32, #tpu.memory_space<hbm>> -> memref<10240xf32, #tpu.memory_space<hbm>>
      tpu.wait_dma2 semaphore(%run_scoped3A_155 : memref<!tpu.dma_semaphore, #tpu.memory_space<semaphore_mem>>) src(%dma_wait3A_165 : memref<10240xf32, #tpu.memory_space<hbm>>) dst(%arg10 : memref<10240xf32, #tpu.memory_space<vmem>>)
      tpu.yield
    }) : () -> ()
    %run_scoped3A_94 = arith.constant 11 : i32
    "tpu.region"() ({
      %run_scoped3A_155 = tpu.sem_alloc : memref<!tpu.dma_semaphore, #tpu.memory_space<semaphore_mem>>
      %dma_start3A = arith.constant 0 : i32
      %dma_start3A_156 = tpu.memref_slice %arg5[%run_scoped3A_94, %dma_start3A] : memref<18x10240xf32, #tpu.memory_space<hbm>> -> memref<1x10240xf32, #tpu.memory_space<hbm>>
      %dma_start3A_157 = tpu.memref_squeeze %dma_start3A_156 : memref<1x10240xf32, #tpu.memory_space<hbm>> -> memref<10240xf32, #tpu.memory_space<hbm>>
      %dma_start3A_158 = arith.constant 0 : i32
      %dma_start3A_159 = tpu.memref_slice %arg5[%run_scoped3A_94, %dma_start3A_158] : memref<18x10240xf32, #tpu.memory_space<hbm>> -> memref<1x10240xf32, #tpu.memory_space<hbm>>
      %dma_start3A_160 = tpu.memref_squeeze %dma_start3A_159 : memref<1x10240xf32, #tpu.memory_space<hbm>> -> memref<10240xf32, #tpu.memory_space<hbm>>
      tpu.enqueue_dma source(%dma_start3A_160 : memref<10240xf32, #tpu.memory_space<hbm>>) target(%arg11 : memref<10240xf32, #tpu.memory_space<vmem>>) target_semaphore(%run_scoped3A_155 : memref<!tpu.dma_semaphore, #tpu.memory_space<semaphore_mem>>)
      %dma_wait3A = arith.constant 0 : i32
      %dma_wait3A_161 = tpu.memref_slice %arg5[%run_scoped3A_94, %dma_wait3A] : memref<18x10240xf32, #tpu.memory_space<hbm>> -> memref<1x10240xf32, #tpu.memory_space<hbm>>
      %dma_wait3A_162 = tpu.memref_squeeze %dma_wait3A_161 : memref<1x10240xf32, #tpu.memory_space<hbm>> -> memref<10240xf32, #tpu.memory_space<hbm>>
      %dma_wait3A_163 = arith.constant 0 : i32
      %dma_wait3A_164 = tpu.memref_slice %arg5[%run_scoped3A_94, %dma_wait3A_163] : memref<18x10240xf32, #tpu.memory_space<hbm>> -> memref<1x10240xf32, #tpu.memory_space<hbm>>
      %dma_wait3A_165 = tpu.memref_squeeze %dma_wait3A_164 : memref<1x10240xf32, #tpu.memory_space<hbm>> -> memref<10240xf32, #tpu.memory_space<hbm>>
      tpu.wait_dma2 semaphore(%run_scoped3A_155 : memref<!tpu.dma_semaphore, #tpu.memory_space<semaphore_mem>>) src(%dma_wait3A_165 : memref<10240xf32, #tpu.memory_space<hbm>>) dst(%arg11 : memref<10240xf32, #tpu.memory_space<vmem>>)
      tpu.yield
    }) : () -> ()
    %scan3A_95 = arith.constant 0 : i32
    %scan3A_96 = arith.constant 0 : i32
    %scan3A_97 = arith.constant 1250 : i32
    %scan3A_98 = arith.addi %scan3A_96, %scan3A_97 : i32
    %scan3A_99 = arith.constant 1 : i32
    scf.for %scan3A_155 = %scan3A_96 to %scan3A_98 step %scan3A_99  : i32 {
      %mul3A_156 = arith.constant 16 : i32
      %mul3A_157 = arith.muli %scan3A_155, %mul3A_156 : i32
      %get3A = arith.index_cast %mul3A_157 : i32 to index
      %get3A_158 = tpu.vector_load %arg7[%get3A] {strides = array<i32>} : memref<20000xi32, #tpu.memory_space<vmem>>, vector<16xi32>,
      %mul3A_159 = arith.constant 16 : i32
      %mul3A_160 = arith.muli %scan3A_155, %mul3A_159 : i32
      %get3A_161 = arith.index_cast %mul3A_160 : i32 to index
      %get3A_162 = tpu.vector_load %arg8[%get3A_161] {strides = array<i32>} : memref<20000xi32, #tpu.memory_space<vmem>>, vector<16xi32>,
      %gather3A = tpu.vector_load_idx %arg10[%get3A_158] : memref<10240xf32, #tpu.memory_space<vmem>>[vector<16xi32>], vector<16xf32>,
      %gather3A_163 = tpu.vector_load_idx %arg11[%get3A_162] : memref<10240xf32, #tpu.memory_space<vmem>>[vector<16xi32>], vector<16xf32>,
      %mul3A_164 = arith.constant 16 : i32
      %mul3A_165 = arith.muli %scan3A_155, %mul3A_164 : i32
      %get3A_166 = arith.index_cast %mul3A_165 : i32 to index
      %get3A_167 = tpu.vector_load %arg9[%get3A_166] {strides = array<i32>} : memref<20000xf32, #tpu.memory_space<vmem>>, vector<16xf32>,
      %mul3A_168 = arith.mulf %gather3A, %gather3A_163 : vector<16xf32>
      %add3A_169 = arith.addf %get3A_167, %mul3A_168 : vector<16xf32>
      %mul3A_170 = arith.constant 16 : i32
      %mul3A_171 = arith.muli %scan3A_155, %mul3A_170 : i32
      %swap3A = arith.index_cast %mul3A_171 : i32 to index
      %swap3A_172 = tpu.vector_load %arg9[%swap3A] {strides = array<i32>} : memref<20000xf32, #tpu.memory_space<vmem>>, vector<16xf32>,
      tpu.vector_store %arg9[%swap3A], %add3A_169 {strides = array<i32>} : memref<20000xf32, #tpu.memory_space<vmem>>, vector<16xf32>,
    }
    %scan3A_100 = arith.constant 1250 : i32
    %run_scoped3A_101 = arith.constant 12 : i32
    "tpu.region"() ({
      %run_scoped3A_155 = tpu.sem_alloc : memref<!tpu.dma_semaphore, #tpu.memory_space<semaphore_mem>>
      %dma_start3A = arith.constant 0 : i32
      %dma_start3A_156 = tpu.memref_slice %arg4[%run_scoped3A_101, %dma_start3A] : memref<18x10240xf32, #tpu.memory_space<hbm>> -> memref<1x10240xf32, #tpu.memory_space<hbm>>
      %dma_start3A_157 = tpu.memref_squeeze %dma_start3A_156 : memref<1x10240xf32, #tpu.memory_space<hbm>> -> memref<10240xf32, #tpu.memory_space<hbm>>
      %dma_start3A_158 = arith.constant 0 : i32
      %dma_start3A_159 = tpu.memref_slice %arg4[%run_scoped3A_101, %dma_start3A_158] : memref<18x10240xf32, #tpu.memory_space<hbm>> -> memref<1x10240xf32, #tpu.memory_space<hbm>>
      %dma_start3A_160 = tpu.memref_squeeze %dma_start3A_159 : memref<1x10240xf32, #tpu.memory_space<hbm>> -> memref<10240xf32, #tpu.memory_space<hbm>>
      tpu.enqueue_dma source(%dma_start3A_160 : memref<10240xf32, #tpu.memory_space<hbm>>) target(%arg10 : memref<10240xf32, #tpu.memory_space<vmem>>) target_semaphore(%run_scoped3A_155 : memref<!tpu.dma_semaphore, #tpu.memory_space<semaphore_mem>>)
      %dma_wait3A = arith.constant 0 : i32
      %dma_wait3A_161 = tpu.memref_slice %arg4[%run_scoped3A_101, %dma_wait3A] : memref<18x10240xf32, #tpu.memory_space<hbm>> -> memref<1x10240xf32, #tpu.memory_space<hbm>>
      %dma_wait3A_162 = tpu.memref_squeeze %dma_wait3A_161 : memref<1x10240xf32, #tpu.memory_space<hbm>> -> memref<10240xf32, #tpu.memory_space<hbm>>
      %dma_wait3A_163 = arith.constant 0 : i32
      %dma_wait3A_164 = tpu.memref_slice %arg4[%run_scoped3A_101, %dma_wait3A_163] : memref<18x10240xf32, #tpu.memory_space<hbm>> -> memref<1x10240xf32, #tpu.memory_space<hbm>>
      %dma_wait3A_165 = tpu.memref_squeeze %dma_wait3A_164 : memref<1x10240xf32, #tpu.memory_space<hbm>> -> memref<10240xf32, #tpu.memory_space<hbm>>
      tpu.wait_dma2 semaphore(%run_scoped3A_155 : memref<!tpu.dma_semaphore, #tpu.memory_space<semaphore_mem>>) src(%dma_wait3A_165 : memref<10240xf32, #tpu.memory_space<hbm>>) dst(%arg10 : memref<10240xf32, #tpu.memory_space<vmem>>)
      tpu.yield
    }) : () -> ()
    %run_scoped3A_102 = arith.constant 12 : i32
    "tpu.region"() ({
      %run_scoped3A_155 = tpu.sem_alloc : memref<!tpu.dma_semaphore, #tpu.memory_space<semaphore_mem>>
      %dma_start3A = arith.constant 0 : i32
      %dma_start3A_156 = tpu.memref_slice %arg5[%run_scoped3A_102, %dma_start3A] : memref<18x10240xf32, #tpu.memory_space<hbm>> -> memref<1x10240xf32, #tpu.memory_space<hbm>>
      %dma_start3A_157 = tpu.memref_squeeze %dma_start3A_156 : memref<1x10240xf32, #tpu.memory_space<hbm>> -> memref<10240xf32, #tpu.memory_space<hbm>>
      %dma_start3A_158 = arith.constant 0 : i32
      %dma_start3A_159 = tpu.memref_slice %arg5[%run_scoped3A_102, %dma_start3A_158] : memref<18x10240xf32, #tpu.memory_space<hbm>> -> memref<1x10240xf32, #tpu.memory_space<hbm>>
      %dma_start3A_160 = tpu.memref_squeeze %dma_start3A_159 : memref<1x10240xf32, #tpu.memory_space<hbm>> -> memref<10240xf32, #tpu.memory_space<hbm>>
      tpu.enqueue_dma source(%dma_start3A_160 : memref<10240xf32, #tpu.memory_space<hbm>>) target(%arg11 : memref<10240xf32, #tpu.memory_space<vmem>>) target_semaphore(%run_scoped3A_155 : memref<!tpu.dma_semaphore, #tpu.memory_space<semaphore_mem>>)
      %dma_wait3A = arith.constant 0 : i32
      %dma_wait3A_161 = tpu.memref_slice %arg5[%run_scoped3A_102, %dma_wait3A] : memref<18x10240xf32, #tpu.memory_space<hbm>> -> memref<1x10240xf32, #tpu.memory_space<hbm>>
      %dma_wait3A_162 = tpu.memref_squeeze %dma_wait3A_161 : memref<1x10240xf32, #tpu.memory_space<hbm>> -> memref<10240xf32, #tpu.memory_space<hbm>>
      %dma_wait3A_163 = arith.constant 0 : i32
      %dma_wait3A_164 = tpu.memref_slice %arg5[%run_scoped3A_102, %dma_wait3A_163] : memref<18x10240xf32, #tpu.memory_space<hbm>> -> memref<1x10240xf32, #tpu.memory_space<hbm>>
      %dma_wait3A_165 = tpu.memref_squeeze %dma_wait3A_164 : memref<1x10240xf32, #tpu.memory_space<hbm>> -> memref<10240xf32, #tpu.memory_space<hbm>>
      tpu.wait_dma2 semaphore(%run_scoped3A_155 : memref<!tpu.dma_semaphore, #tpu.memory_space<semaphore_mem>>) src(%dma_wait3A_165 : memref<10240xf32, #tpu.memory_space<hbm>>) dst(%arg11 : memref<10240xf32, #tpu.memory_space<vmem>>)
      tpu.yield
    }) : () -> ()
    %scan3A_103 = arith.constant 0 : i32
    %scan3A_104 = arith.constant 0 : i32
    %scan3A_105 = arith.constant 1250 : i32
    %scan3A_106 = arith.addi %scan3A_104, %scan3A_105 : i32
    %scan3A_107 = arith.constant 1 : i32
    scf.for %scan3A_155 = %scan3A_104 to %scan3A_106 step %scan3A_107  : i32 {
      %mul3A_156 = arith.constant 16 : i32
      %mul3A_157 = arith.muli %scan3A_155, %mul3A_156 : i32
      %get3A = arith.index_cast %mul3A_157 : i32 to index
      %get3A_158 = tpu.vector_load %arg7[%get3A] {strides = array<i32>} : memref<20000xi32, #tpu.memory_space<vmem>>, vector<16xi32>,
      %mul3A_159 = arith.constant 16 : i32
      %mul3A_160 = arith.muli %scan3A_155, %mul3A_159 : i32
      %get3A_161 = arith.index_cast %mul3A_160 : i32 to index
      %get3A_162 = tpu.vector_load %arg8[%get3A_161] {strides = array<i32>} : memref<20000xi32, #tpu.memory_space<vmem>>, vector<16xi32>,
      %gather3A = tpu.vector_load_idx %arg10[%get3A_158] : memref<10240xf32, #tpu.memory_space<vmem>>[vector<16xi32>], vector<16xf32>,
      %gather3A_163 = tpu.vector_load_idx %arg11[%get3A_162] : memref<10240xf32, #tpu.memory_space<vmem>>[vector<16xi32>], vector<16xf32>,
      %mul3A_164 = arith.constant 16 : i32
      %mul3A_165 = arith.muli %scan3A_155, %mul3A_164 : i32
      %get3A_166 = arith.index_cast %mul3A_165 : i32 to index
      %get3A_167 = tpu.vector_load %arg9[%get3A_166] {strides = array<i32>} : memref<20000xf32, #tpu.memory_space<vmem>>, vector<16xf32>,
      %mul3A_168 = arith.mulf %gather3A, %gather3A_163 : vector<16xf32>
      %add3A_169 = arith.addf %get3A_167, %mul3A_168 : vector<16xf32>
      %mul3A_170 = arith.constant 16 : i32
      %mul3A_171 = arith.muli %scan3A_155, %mul3A_170 : i32
      %swap3A = arith.index_cast %mul3A_171 : i32 to index
      %swap3A_172 = tpu.vector_load %arg9[%swap3A] {strides = array<i32>} : memref<20000xf32, #tpu.memory_space<vmem>>, vector<16xf32>,
      tpu.vector_store %arg9[%swap3A], %add3A_169 {strides = array<i32>} : memref<20000xf32, #tpu.memory_space<vmem>>, vector<16xf32>,
    }
    %scan3A_108 = arith.constant 1250 : i32
    %run_scoped3A_109 = arith.constant 13 : i32
    "tpu.region"() ({
      %run_scoped3A_155 = tpu.sem_alloc : memref<!tpu.dma_semaphore, #tpu.memory_space<semaphore_mem>>
      %dma_start3A = arith.constant 0 : i32
      %dma_start3A_156 = tpu.memref_slice %arg4[%run_scoped3A_109, %dma_start3A] : memref<18x10240xf32, #tpu.memory_space<hbm>> -> memref<1x10240xf32, #tpu.memory_space<hbm>>
      %dma_start3A_157 = tpu.memref_squeeze %dma_start3A_156 : memref<1x10240xf32, #tpu.memory_space<hbm>> -> memref<10240xf32, #tpu.memory_space<hbm>>
      %dma_start3A_158 = arith.constant 0 : i32
      %dma_start3A_159 = tpu.memref_slice %arg4[%run_scoped3A_109, %dma_start3A_158] : memref<18x10240xf32, #tpu.memory_space<hbm>> -> memref<1x10240xf32, #tpu.memory_space<hbm>>
      %dma_start3A_160 = tpu.memref_squeeze %dma_start3A_159 : memref<1x10240xf32, #tpu.memory_space<hbm>> -> memref<10240xf32, #tpu.memory_space<hbm>>
      tpu.enqueue_dma source(%dma_start3A_160 : memref<10240xf32, #tpu.memory_space<hbm>>) target(%arg10 : memref<10240xf32, #tpu.memory_space<vmem>>) target_semaphore(%run_scoped3A_155 : memref<!tpu.dma_semaphore, #tpu.memory_space<semaphore_mem>>)
      %dma_wait3A = arith.constant 0 : i32
      %dma_wait3A_161 = tpu.memref_slice %arg4[%run_scoped3A_109, %dma_wait3A] : memref<18x10240xf32, #tpu.memory_space<hbm>> -> memref<1x10240xf32, #tpu.memory_space<hbm>>
      %dma_wait3A_162 = tpu.memref_squeeze %dma_wait3A_161 : memref<1x10240xf32, #tpu.memory_space<hbm>> -> memref<10240xf32, #tpu.memory_space<hbm>>
      %dma_wait3A_163 = arith.constant 0 : i32
      %dma_wait3A_164 = tpu.memref_slice %arg4[%run_scoped3A_109, %dma_wait3A_163] : memref<18x10240xf32, #tpu.memory_space<hbm>> -> memref<1x10240xf32, #tpu.memory_space<hbm>>
      %dma_wait3A_165 = tpu.memref_squeeze %dma_wait3A_164 : memref<1x10240xf32, #tpu.memory_space<hbm>> -> memref<10240xf32, #tpu.memory_space<hbm>>
      tpu.wait_dma2 semaphore(%run_scoped3A_155 : memref<!tpu.dma_semaphore, #tpu.memory_space<semaphore_mem>>) src(%dma_wait3A_165 : memref<10240xf32, #tpu.memory_space<hbm>>) dst(%arg10 : memref<10240xf32, #tpu.memory_space<vmem>>)
      tpu.yield
    }) : () -> ()
    %run_scoped3A_110 = arith.constant 13 : i32
    "tpu.region"() ({
      %run_scoped3A_155 = tpu.sem_alloc : memref<!tpu.dma_semaphore, #tpu.memory_space<semaphore_mem>>
      %dma_start3A = arith.constant 0 : i32
      %dma_start3A_156 = tpu.memref_slice %arg5[%run_scoped3A_110, %dma_start3A] : memref<18x10240xf32, #tpu.memory_space<hbm>> -> memref<1x10240xf32, #tpu.memory_space<hbm>>
      %dma_start3A_157 = tpu.memref_squeeze %dma_start3A_156 : memref<1x10240xf32, #tpu.memory_space<hbm>> -> memref<10240xf32, #tpu.memory_space<hbm>>
      %dma_start3A_158 = arith.constant 0 : i32
      %dma_start3A_159 = tpu.memref_slice %arg5[%run_scoped3A_110, %dma_start3A_158] : memref<18x10240xf32, #tpu.memory_space<hbm>> -> memref<1x10240xf32, #tpu.memory_space<hbm>>
      %dma_start3A_160 = tpu.memref_squeeze %dma_start3A_159 : memref<1x10240xf32, #tpu.memory_space<hbm>> -> memref<10240xf32, #tpu.memory_space<hbm>>
      tpu.enqueue_dma source(%dma_start3A_160 : memref<10240xf32, #tpu.memory_space<hbm>>) target(%arg11 : memref<10240xf32, #tpu.memory_space<vmem>>) target_semaphore(%run_scoped3A_155 : memref<!tpu.dma_semaphore, #tpu.memory_space<semaphore_mem>>)
      %dma_wait3A = arith.constant 0 : i32
      %dma_wait3A_161 = tpu.memref_slice %arg5[%run_scoped3A_110, %dma_wait3A] : memref<18x10240xf32, #tpu.memory_space<hbm>> -> memref<1x10240xf32, #tpu.memory_space<hbm>>
      %dma_wait3A_162 = tpu.memref_squeeze %dma_wait3A_161 : memref<1x10240xf32, #tpu.memory_space<hbm>> -> memref<10240xf32, #tpu.memory_space<hbm>>
      %dma_wait3A_163 = arith.constant 0 : i32
      %dma_wait3A_164 = tpu.memref_slice %arg5[%run_scoped3A_110, %dma_wait3A_163] : memref<18x10240xf32, #tpu.memory_space<hbm>> -> memref<1x10240xf32, #tpu.memory_space<hbm>>
      %dma_wait3A_165 = tpu.memref_squeeze %dma_wait3A_164 : memref<1x10240xf32, #tpu.memory_space<hbm>> -> memref<10240xf32, #tpu.memory_space<hbm>>
      tpu.wait_dma2 semaphore(%run_scoped3A_155 : memref<!tpu.dma_semaphore, #tpu.memory_space<semaphore_mem>>) src(%dma_wait3A_165 : memref<10240xf32, #tpu.memory_space<hbm>>) dst(%arg11 : memref<10240xf32, #tpu.memory_space<vmem>>)
      tpu.yield
    }) : () -> ()
    %scan3A_111 = arith.constant 0 : i32
    %scan3A_112 = arith.constant 0 : i32
    %scan3A_113 = arith.constant 1250 : i32
    %scan3A_114 = arith.addi %scan3A_112, %scan3A_113 : i32
    %scan3A_115 = arith.constant 1 : i32
    scf.for %scan3A_155 = %scan3A_112 to %scan3A_114 step %scan3A_115  : i32 {
      %mul3A_156 = arith.constant 16 : i32
      %mul3A_157 = arith.muli %scan3A_155, %mul3A_156 : i32
      %get3A = arith.index_cast %mul3A_157 : i32 to index
      %get3A_158 = tpu.vector_load %arg7[%get3A] {strides = array<i32>} : memref<20000xi32, #tpu.memory_space<vmem>>, vector<16xi32>,
      %mul3A_159 = arith.constant 16 : i32
      %mul3A_160 = arith.muli %scan3A_155, %mul3A_159 : i32
      %get3A_161 = arith.index_cast %mul3A_160 : i32 to index
      %get3A_162 = tpu.vector_load %arg8[%get3A_161] {strides = array<i32>} : memref<20000xi32, #tpu.memory_space<vmem>>, vector<16xi32>,
      %gather3A = tpu.vector_load_idx %arg10[%get3A_158] : memref<10240xf32, #tpu.memory_space<vmem>>[vector<16xi32>], vector<16xf32>,
      %gather3A_163 = tpu.vector_load_idx %arg11[%get3A_162] : memref<10240xf32, #tpu.memory_space<vmem>>[vector<16xi32>], vector<16xf32>,
      %mul3A_164 = arith.constant 16 : i32
      %mul3A_165 = arith.muli %scan3A_155, %mul3A_164 : i32
      %get3A_166 = arith.index_cast %mul3A_165 : i32 to index
      %get3A_167 = tpu.vector_load %arg9[%get3A_166] {strides = array<i32>} : memref<20000xf32, #tpu.memory_space<vmem>>, vector<16xf32>,
      %mul3A_168 = arith.mulf %gather3A, %gather3A_163 : vector<16xf32>
      %add3A_169 = arith.addf %get3A_167, %mul3A_168 : vector<16xf32>
      %mul3A_170 = arith.constant 16 : i32
      %mul3A_171 = arith.muli %scan3A_155, %mul3A_170 : i32
      %swap3A = arith.index_cast %mul3A_171 : i32 to index
      %swap3A_172 = tpu.vector_load %arg9[%swap3A] {strides = array<i32>} : memref<20000xf32, #tpu.memory_space<vmem>>, vector<16xf32>,
      tpu.vector_store %arg9[%swap3A], %add3A_169 {strides = array<i32>} : memref<20000xf32, #tpu.memory_space<vmem>>, vector<16xf32>,
    }
    %scan3A_116 = arith.constant 1250 : i32
    %run_scoped3A_117 = arith.constant 14 : i32
    "tpu.region"() ({
      %run_scoped3A_155 = tpu.sem_alloc : memref<!tpu.dma_semaphore, #tpu.memory_space<semaphore_mem>>
      %dma_start3A = arith.constant 0 : i32
      %dma_start3A_156 = tpu.memref_slice %arg4[%run_scoped3A_117, %dma_start3A] : memref<18x10240xf32, #tpu.memory_space<hbm>> -> memref<1x10240xf32, #tpu.memory_space<hbm>>
      %dma_start3A_157 = tpu.memref_squeeze %dma_start3A_156 : memref<1x10240xf32, #tpu.memory_space<hbm>> -> memref<10240xf32, #tpu.memory_space<hbm>>
      %dma_start3A_158 = arith.constant 0 : i32
      %dma_start3A_159 = tpu.memref_slice %arg4[%run_scoped3A_117, %dma_start3A_158] : memref<18x10240xf32, #tpu.memory_space<hbm>> -> memref<1x10240xf32, #tpu.memory_space<hbm>>
      %dma_start3A_160 = tpu.memref_squeeze %dma_start3A_159 : memref<1x10240xf32, #tpu.memory_space<hbm>> -> memref<10240xf32, #tpu.memory_space<hbm>>
      tpu.enqueue_dma source(%dma_start3A_160 : memref<10240xf32, #tpu.memory_space<hbm>>) target(%arg10 : memref<10240xf32, #tpu.memory_space<vmem>>) target_semaphore(%run_scoped3A_155 : memref<!tpu.dma_semaphore, #tpu.memory_space<semaphore_mem>>)
      %dma_wait3A = arith.constant 0 : i32
      %dma_wait3A_161 = tpu.memref_slice %arg4[%run_scoped3A_117, %dma_wait3A] : memref<18x10240xf32, #tpu.memory_space<hbm>> -> memref<1x10240xf32, #tpu.memory_space<hbm>>
      %dma_wait3A_162 = tpu.memref_squeeze %dma_wait3A_161 : memref<1x10240xf32, #tpu.memory_space<hbm>> -> memref<10240xf32, #tpu.memory_space<hbm>>
      %dma_wait3A_163 = arith.constant 0 : i32
      %dma_wait3A_164 = tpu.memref_slice %arg4[%run_scoped3A_117, %dma_wait3A_163] : memref<18x10240xf32, #tpu.memory_space<hbm>> -> memref<1x10240xf32, #tpu.memory_space<hbm>>
      %dma_wait3A_165 = tpu.memref_squeeze %dma_wait3A_164 : memref<1x10240xf32, #tpu.memory_space<hbm>> -> memref<10240xf32, #tpu.memory_space<hbm>>
      tpu.wait_dma2 semaphore(%run_scoped3A_155 : memref<!tpu.dma_semaphore, #tpu.memory_space<semaphore_mem>>) src(%dma_wait3A_165 : memref<10240xf32, #tpu.memory_space<hbm>>) dst(%arg10 : memref<10240xf32, #tpu.memory_space<vmem>>)
      tpu.yield
    }) : () -> ()
    %run_scoped3A_118 = arith.constant 14 : i32
    "tpu.region"() ({
      %run_scoped3A_155 = tpu.sem_alloc : memref<!tpu.dma_semaphore, #tpu.memory_space<semaphore_mem>>
      %dma_start3A = arith.constant 0 : i32
      %dma_start3A_156 = tpu.memref_slice %arg5[%run_scoped3A_118, %dma_start3A] : memref<18x10240xf32, #tpu.memory_space<hbm>> -> memref<1x10240xf32, #tpu.memory_space<hbm>>
      %dma_start3A_157 = tpu.memref_squeeze %dma_start3A_156 : memref<1x10240xf32, #tpu.memory_space<hbm>> -> memref<10240xf32, #tpu.memory_space<hbm>>
      %dma_start3A_158 = arith.constant 0 : i32
      %dma_start3A_159 = tpu.memref_slice %arg5[%run_scoped3A_118, %dma_start3A_158] : memref<18x10240xf32, #tpu.memory_space<hbm>> -> memref<1x10240xf32, #tpu.memory_space<hbm>>
      %dma_start3A_160 = tpu.memref_squeeze %dma_start3A_159 : memref<1x10240xf32, #tpu.memory_space<hbm>> -> memref<10240xf32, #tpu.memory_space<hbm>>
      tpu.enqueue_dma source(%dma_start3A_160 : memref<10240xf32, #tpu.memory_space<hbm>>) target(%arg11 : memref<10240xf32, #tpu.memory_space<vmem>>) target_semaphore(%run_scoped3A_155 : memref<!tpu.dma_semaphore, #tpu.memory_space<semaphore_mem>>)
      %dma_wait3A = arith.constant 0 : i32
      %dma_wait3A_161 = tpu.memref_slice %arg5[%run_scoped3A_118, %dma_wait3A] : memref<18x10240xf32, #tpu.memory_space<hbm>> -> memref<1x10240xf32, #tpu.memory_space<hbm>>
      %dma_wait3A_162 = tpu.memref_squeeze %dma_wait3A_161 : memref<1x10240xf32, #tpu.memory_space<hbm>> -> memref<10240xf32, #tpu.memory_space<hbm>>
      %dma_wait3A_163 = arith.constant 0 : i32
      %dma_wait3A_164 = tpu.memref_slice %arg5[%run_scoped3A_118, %dma_wait3A_163] : memref<18x10240xf32, #tpu.memory_space<hbm>> -> memref<1x10240xf32, #tpu.memory_space<hbm>>
      %dma_wait3A_165 = tpu.memref_squeeze %dma_wait3A_164 : memref<1x10240xf32, #tpu.memory_space<hbm>> -> memref<10240xf32, #tpu.memory_space<hbm>>
      tpu.wait_dma2 semaphore(%run_scoped3A_155 : memref<!tpu.dma_semaphore, #tpu.memory_space<semaphore_mem>>) src(%dma_wait3A_165 : memref<10240xf32, #tpu.memory_space<hbm>>) dst(%arg11 : memref<10240xf32, #tpu.memory_space<vmem>>)
      tpu.yield
    }) : () -> ()
    %scan3A_119 = arith.constant 0 : i32
    %scan3A_120 = arith.constant 0 : i32
    %scan3A_121 = arith.constant 1250 : i32
    %scan3A_122 = arith.addi %scan3A_120, %scan3A_121 : i32
    %scan3A_123 = arith.constant 1 : i32
    scf.for %scan3A_155 = %scan3A_120 to %scan3A_122 step %scan3A_123  : i32 {
      %mul3A_156 = arith.constant 16 : i32
      %mul3A_157 = arith.muli %scan3A_155, %mul3A_156 : i32
      %get3A = arith.index_cast %mul3A_157 : i32 to index
      %get3A_158 = tpu.vector_load %arg7[%get3A] {strides = array<i32>} : memref<20000xi32, #tpu.memory_space<vmem>>, vector<16xi32>,
      %mul3A_159 = arith.constant 16 : i32
      %mul3A_160 = arith.muli %scan3A_155, %mul3A_159 : i32
      %get3A_161 = arith.index_cast %mul3A_160 : i32 to index
      %get3A_162 = tpu.vector_load %arg8[%get3A_161] {strides = array<i32>} : memref<20000xi32, #tpu.memory_space<vmem>>, vector<16xi32>,
      %gather3A = tpu.vector_load_idx %arg10[%get3A_158] : memref<10240xf32, #tpu.memory_space<vmem>>[vector<16xi32>], vector<16xf32>,
      %gather3A_163 = tpu.vector_load_idx %arg11[%get3A_162] : memref<10240xf32, #tpu.memory_space<vmem>>[vector<16xi32>], vector<16xf32>,
      %mul3A_164 = arith.constant 16 : i32
      %mul3A_165 = arith.muli %scan3A_155, %mul3A_164 : i32
      %get3A_166 = arith.index_cast %mul3A_165 : i32 to index
      %get3A_167 = tpu.vector_load %arg9[%get3A_166] {strides = array<i32>} : memref<20000xf32, #tpu.memory_space<vmem>>, vector<16xf32>,
      %mul3A_168 = arith.mulf %gather3A, %gather3A_163 : vector<16xf32>
      %add3A_169 = arith.addf %get3A_167, %mul3A_168 : vector<16xf32>
      %mul3A_170 = arith.constant 16 : i32
      %mul3A_171 = arith.muli %scan3A_155, %mul3A_170 : i32
      %swap3A = arith.index_cast %mul3A_171 : i32 to index
      %swap3A_172 = tpu.vector_load %arg9[%swap3A] {strides = array<i32>} : memref<20000xf32, #tpu.memory_space<vmem>>, vector<16xf32>,
      tpu.vector_store %arg9[%swap3A], %add3A_169 {strides = array<i32>} : memref<20000xf32, #tpu.memory_space<vmem>>, vector<16xf32>,
    }
    %scan3A_124 = arith.constant 1250 : i32
    %run_scoped3A_125 = arith.constant 15 : i32
    "tpu.region"() ({
      %run_scoped3A_155 = tpu.sem_alloc : memref<!tpu.dma_semaphore, #tpu.memory_space<semaphore_mem>>
      %dma_start3A = arith.constant 0 : i32
      %dma_start3A_156 = tpu.memref_slice %arg4[%run_scoped3A_125, %dma_start3A] : memref<18x10240xf32, #tpu.memory_space<hbm>> -> memref<1x10240xf32, #tpu.memory_space<hbm>>
      %dma_start3A_157 = tpu.memref_squeeze %dma_start3A_156 : memref<1x10240xf32, #tpu.memory_space<hbm>> -> memref<10240xf32, #tpu.memory_space<hbm>>
      %dma_start3A_158 = arith.constant 0 : i32
      %dma_start3A_159 = tpu.memref_slice %arg4[%run_scoped3A_125, %dma_start3A_158] : memref<18x10240xf32, #tpu.memory_space<hbm>> -> memref<1x10240xf32, #tpu.memory_space<hbm>>
      %dma_start3A_160 = tpu.memref_squeeze %dma_start3A_159 : memref<1x10240xf32, #tpu.memory_space<hbm>> -> memref<10240xf32, #tpu.memory_space<hbm>>
      tpu.enqueue_dma source(%dma_start3A_160 : memref<10240xf32, #tpu.memory_space<hbm>>) target(%arg10 : memref<10240xf32, #tpu.memory_space<vmem>>) target_semaphore(%run_scoped3A_155 : memref<!tpu.dma_semaphore, #tpu.memory_space<semaphore_mem>>)
      %dma_wait3A = arith.constant 0 : i32
      %dma_wait3A_161 = tpu.memref_slice %arg4[%run_scoped3A_125, %dma_wait3A] : memref<18x10240xf32, #tpu.memory_space<hbm>> -> memref<1x10240xf32, #tpu.memory_space<hbm>>
      %dma_wait3A_162 = tpu.memref_squeeze %dma_wait3A_161 : memref<1x10240xf32, #tpu.memory_space<hbm>> -> memref<10240xf32, #tpu.memory_space<hbm>>
      %dma_wait3A_163 = arith.constant 0 : i32
      %dma_wait3A_164 = tpu.memref_slice %arg4[%run_scoped3A_125, %dma_wait3A_163] : memref<18x10240xf32, #tpu.memory_space<hbm>> -> memref<1x10240xf32, #tpu.memory_space<hbm>>
      %dma_wait3A_165 = tpu.memref_squeeze %dma_wait3A_164 : memref<1x10240xf32, #tpu.memory_space<hbm>> -> memref<10240xf32, #tpu.memory_space<hbm>>
      tpu.wait_dma2 semaphore(%run_scoped3A_155 : memref<!tpu.dma_semaphore, #tpu.memory_space<semaphore_mem>>) src(%dma_wait3A_165 : memref<10240xf32, #tpu.memory_space<hbm>>) dst(%arg10 : memref<10240xf32, #tpu.memory_space<vmem>>)
      tpu.yield
    }) : () -> ()
    %run_scoped3A_126 = arith.constant 15 : i32
    "tpu.region"() ({
      %run_scoped3A_155 = tpu.sem_alloc : memref<!tpu.dma_semaphore, #tpu.memory_space<semaphore_mem>>
      %dma_start3A = arith.constant 0 : i32
      %dma_start3A_156 = tpu.memref_slice %arg5[%run_scoped3A_126, %dma_start3A] : memref<18x10240xf32, #tpu.memory_space<hbm>> -> memref<1x10240xf32, #tpu.memory_space<hbm>>
      %dma_start3A_157 = tpu.memref_squeeze %dma_start3A_156 : memref<1x10240xf32, #tpu.memory_space<hbm>> -> memref<10240xf32, #tpu.memory_space<hbm>>
      %dma_start3A_158 = arith.constant 0 : i32
      %dma_start3A_159 = tpu.memref_slice %arg5[%run_scoped3A_126, %dma_start3A_158] : memref<18x10240xf32, #tpu.memory_space<hbm>> -> memref<1x10240xf32, #tpu.memory_space<hbm>>
      %dma_start3A_160 = tpu.memref_squeeze %dma_start3A_159 : memref<1x10240xf32, #tpu.memory_space<hbm>> -> memref<10240xf32, #tpu.memory_space<hbm>>
      tpu.enqueue_dma source(%dma_start3A_160 : memref<10240xf32, #tpu.memory_space<hbm>>) target(%arg11 : memref<10240xf32, #tpu.memory_space<vmem>>) target_semaphore(%run_scoped3A_155 : memref<!tpu.dma_semaphore, #tpu.memory_space<semaphore_mem>>)
      %dma_wait3A = arith.constant 0 : i32
      %dma_wait3A_161 = tpu.memref_slice %arg5[%run_scoped3A_126, %dma_wait3A] : memref<18x10240xf32, #tpu.memory_space<hbm>> -> memref<1x10240xf32, #tpu.memory_space<hbm>>
      %dma_wait3A_162 = tpu.memref_squeeze %dma_wait3A_161 : memref<1x10240xf32, #tpu.memory_space<hbm>> -> memref<10240xf32, #tpu.memory_space<hbm>>
      %dma_wait3A_163 = arith.constant 0 : i32
      %dma_wait3A_164 = tpu.memref_slice %arg5[%run_scoped3A_126, %dma_wait3A_163] : memref<18x10240xf32, #tpu.memory_space<hbm>> -> memref<1x10240xf32, #tpu.memory_space<hbm>>
      %dma_wait3A_165 = tpu.memref_squeeze %dma_wait3A_164 : memref<1x10240xf32, #tpu.memory_space<hbm>> -> memref<10240xf32, #tpu.memory_space<hbm>>
      tpu.wait_dma2 semaphore(%run_scoped3A_155 : memref<!tpu.dma_semaphore, #tpu.memory_space<semaphore_mem>>) src(%dma_wait3A_165 : memref<10240xf32, #tpu.memory_space<hbm>>) dst(%arg11 : memref<10240xf32, #tpu.memory_space<vmem>>)
      tpu.yield
    }) : () -> ()
    %scan3A_127 = arith.constant 0 : i32
    %scan3A_128 = arith.constant 0 : i32
    %scan3A_129 = arith.constant 1250 : i32
    %scan3A_130 = arith.addi %scan3A_128, %scan3A_129 : i32
    %scan3A_131 = arith.constant 1 : i32
    scf.for %scan3A_155 = %scan3A_128 to %scan3A_130 step %scan3A_131  : i32 {
      %mul3A_156 = arith.constant 16 : i32
      %mul3A_157 = arith.muli %scan3A_155, %mul3A_156 : i32
      %get3A = arith.index_cast %mul3A_157 : i32 to index
      %get3A_158 = tpu.vector_load %arg7[%get3A] {strides = array<i32>} : memref<20000xi32, #tpu.memory_space<vmem>>, vector<16xi32>,
      %mul3A_159 = arith.constant 16 : i32
      %mul3A_160 = arith.muli %scan3A_155, %mul3A_159 : i32
      %get3A_161 = arith.index_cast %mul3A_160 : i32 to index
      %get3A_162 = tpu.vector_load %arg8[%get3A_161] {strides = array<i32>} : memref<20000xi32, #tpu.memory_space<vmem>>, vector<16xi32>,
      %gather3A = tpu.vector_load_idx %arg10[%get3A_158] : memref<10240xf32, #tpu.memory_space<vmem>>[vector<16xi32>], vector<16xf32>,
      %gather3A_163 = tpu.vector_load_idx %arg11[%get3A_162] : memref<10240xf32, #tpu.memory_space<vmem>>[vector<16xi32>], vector<16xf32>,
      %mul3A_164 = arith.constant 16 : i32
      %mul3A_165 = arith.muli %scan3A_155, %mul3A_164 : i32
      %get3A_166 = arith.index_cast %mul3A_165 : i32 to index
      %get3A_167 = tpu.vector_load %arg9[%get3A_166] {strides = array<i32>} : memref<20000xf32, #tpu.memory_space<vmem>>, vector<16xf32>,
      %mul3A_168 = arith.mulf %gather3A, %gather3A_163 : vector<16xf32>
      %add3A_169 = arith.addf %get3A_167, %mul3A_168 : vector<16xf32>
      %mul3A_170 = arith.constant 16 : i32
      %mul3A_171 = arith.muli %scan3A_155, %mul3A_170 : i32
      %swap3A = arith.index_cast %mul3A_171 : i32 to index
      %swap3A_172 = tpu.vector_load %arg9[%swap3A] {strides = array<i32>} : memref<20000xf32, #tpu.memory_space<vmem>>, vector<16xf32>,
      tpu.vector_store %arg9[%swap3A], %add3A_169 {strides = array<i32>} : memref<20000xf32, #tpu.memory_space<vmem>>, vector<16xf32>,
    }
    %scan3A_132 = arith.constant 1250 : i32
    %run_scoped3A_133 = arith.constant 16 : i32
    "tpu.region"() ({
      %run_scoped3A_155 = tpu.sem_alloc : memref<!tpu.dma_semaphore, #tpu.memory_space<semaphore_mem>>
      %dma_start3A = arith.constant 0 : i32
      %dma_start3A_156 = tpu.memref_slice %arg4[%run_scoped3A_133, %dma_start3A] : memref<18x10240xf32, #tpu.memory_space<hbm>> -> memref<1x10240xf32, #tpu.memory_space<hbm>>
      %dma_start3A_157 = tpu.memref_squeeze %dma_start3A_156 : memref<1x10240xf32, #tpu.memory_space<hbm>> -> memref<10240xf32, #tpu.memory_space<hbm>>
      %dma_start3A_158 = arith.constant 0 : i32
      %dma_start3A_159 = tpu.memref_slice %arg4[%run_scoped3A_133, %dma_start3A_158] : memref<18x10240xf32, #tpu.memory_space<hbm>> -> memref<1x10240xf32, #tpu.memory_space<hbm>>
      %dma_start3A_160 = tpu.memref_squeeze %dma_start3A_159 : memref<1x10240xf32, #tpu.memory_space<hbm>> -> memref<10240xf32, #tpu.memory_space<hbm>>
      tpu.enqueue_dma source(%dma_start3A_160 : memref<10240xf32, #tpu.memory_space<hbm>>) target(%arg10 : memref<10240xf32, #tpu.memory_space<vmem>>) target_semaphore(%run_scoped3A_155 : memref<!tpu.dma_semaphore, #tpu.memory_space<semaphore_mem>>)
      %dma_wait3A = arith.constant 0 : i32
      %dma_wait3A_161 = tpu.memref_slice %arg4[%run_scoped3A_133, %dma_wait3A] : memref<18x10240xf32, #tpu.memory_space<hbm>> -> memref<1x10240xf32, #tpu.memory_space<hbm>>
      %dma_wait3A_162 = tpu.memref_squeeze %dma_wait3A_161 : memref<1x10240xf32, #tpu.memory_space<hbm>> -> memref<10240xf32, #tpu.memory_space<hbm>>
      %dma_wait3A_163 = arith.constant 0 : i32
      %dma_wait3A_164 = tpu.memref_slice %arg4[%run_scoped3A_133, %dma_wait3A_163] : memref<18x10240xf32, #tpu.memory_space<hbm>> -> memref<1x10240xf32, #tpu.memory_space<hbm>>
      %dma_wait3A_165 = tpu.memref_squeeze %dma_wait3A_164 : memref<1x10240xf32, #tpu.memory_space<hbm>> -> memref<10240xf32, #tpu.memory_space<hbm>>
      tpu.wait_dma2 semaphore(%run_scoped3A_155 : memref<!tpu.dma_semaphore, #tpu.memory_space<semaphore_mem>>) src(%dma_wait3A_165 : memref<10240xf32, #tpu.memory_space<hbm>>) dst(%arg10 : memref<10240xf32, #tpu.memory_space<vmem>>)
      tpu.yield
    }) : () -> ()
    %run_scoped3A_134 = arith.constant 16 : i32
    "tpu.region"() ({
      %run_scoped3A_155 = tpu.sem_alloc : memref<!tpu.dma_semaphore, #tpu.memory_space<semaphore_mem>>
      %dma_start3A = arith.constant 0 : i32
      %dma_start3A_156 = tpu.memref_slice %arg5[%run_scoped3A_134, %dma_start3A] : memref<18x10240xf32, #tpu.memory_space<hbm>> -> memref<1x10240xf32, #tpu.memory_space<hbm>>
      %dma_start3A_157 = tpu.memref_squeeze %dma_start3A_156 : memref<1x10240xf32, #tpu.memory_space<hbm>> -> memref<10240xf32, #tpu.memory_space<hbm>>
      %dma_start3A_158 = arith.constant 0 : i32
      %dma_start3A_159 = tpu.memref_slice %arg5[%run_scoped3A_134, %dma_start3A_158] : memref<18x10240xf32, #tpu.memory_space<hbm>> -> memref<1x10240xf32, #tpu.memory_space<hbm>>
      %dma_start3A_160 = tpu.memref_squeeze %dma_start3A_159 : memref<1x10240xf32, #tpu.memory_space<hbm>> -> memref<10240xf32, #tpu.memory_space<hbm>>
      tpu.enqueue_dma source(%dma_start3A_160 : memref<10240xf32, #tpu.memory_space<hbm>>) target(%arg11 : memref<10240xf32, #tpu.memory_space<vmem>>) target_semaphore(%run_scoped3A_155 : memref<!tpu.dma_semaphore, #tpu.memory_space<semaphore_mem>>)
      %dma_wait3A = arith.constant 0 : i32
      %dma_wait3A_161 = tpu.memref_slice %arg5[%run_scoped3A_134, %dma_wait3A] : memref<18x10240xf32, #tpu.memory_space<hbm>> -> memref<1x10240xf32, #tpu.memory_space<hbm>>
      %dma_wait3A_162 = tpu.memref_squeeze %dma_wait3A_161 : memref<1x10240xf32, #tpu.memory_space<hbm>> -> memref<10240xf32, #tpu.memory_space<hbm>>
      %dma_wait3A_163 = arith.constant 0 : i32
      %dma_wait3A_164 = tpu.memref_slice %arg5[%run_scoped3A_134, %dma_wait3A_163] : memref<18x10240xf32, #tpu.memory_space<hbm>> -> memref<1x10240xf32, #tpu.memory_space<hbm>>
      %dma_wait3A_165 = tpu.memref_squeeze %dma_wait3A_164 : memref<1x10240xf32, #tpu.memory_space<hbm>> -> memref<10240xf32, #tpu.memory_space<hbm>>
      tpu.wait_dma2 semaphore(%run_scoped3A_155 : memref<!tpu.dma_semaphore, #tpu.memory_space<semaphore_mem>>) src(%dma_wait3A_165 : memref<10240xf32, #tpu.memory_space<hbm>>) dst(%arg11 : memref<10240xf32, #tpu.memory_space<vmem>>)
      tpu.yield
    }) : () -> ()
    %scan3A_135 = arith.constant 0 : i32
    %scan3A_136 = arith.constant 0 : i32
    %scan3A_137 = arith.constant 1250 : i32
    %scan3A_138 = arith.addi %scan3A_136, %scan3A_137 : i32
    %scan3A_139 = arith.constant 1 : i32
    scf.for %scan3A_155 = %scan3A_136 to %scan3A_138 step %scan3A_139  : i32 {
      %mul3A_156 = arith.constant 16 : i32
      %mul3A_157 = arith.muli %scan3A_155, %mul3A_156 : i32
      %get3A = arith.index_cast %mul3A_157 : i32 to index
      %get3A_158 = tpu.vector_load %arg7[%get3A] {strides = array<i32>} : memref<20000xi32, #tpu.memory_space<vmem>>, vector<16xi32>,
      %mul3A_159 = arith.constant 16 : i32
      %mul3A_160 = arith.muli %scan3A_155, %mul3A_159 : i32
      %get3A_161 = arith.index_cast %mul3A_160 : i32 to index
      %get3A_162 = tpu.vector_load %arg8[%get3A_161] {strides = array<i32>} : memref<20000xi32, #tpu.memory_space<vmem>>, vector<16xi32>,
      %gather3A = tpu.vector_load_idx %arg10[%get3A_158] : memref<10240xf32, #tpu.memory_space<vmem>>[vector<16xi32>], vector<16xf32>,
      %gather3A_163 = tpu.vector_load_idx %arg11[%get3A_162] : memref<10240xf32, #tpu.memory_space<vmem>>[vector<16xi32>], vector<16xf32>,
      %mul3A_164 = arith.constant 16 : i32
      %mul3A_165 = arith.muli %scan3A_155, %mul3A_164 : i32
      %get3A_166 = arith.index_cast %mul3A_165 : i32 to index
      %get3A_167 = tpu.vector_load %arg9[%get3A_166] {strides = array<i32>} : memref<20000xf32, #tpu.memory_space<vmem>>, vector<16xf32>,
      %mul3A_168 = arith.mulf %gather3A, %gather3A_163 : vector<16xf32>
      %add3A_169 = arith.addf %get3A_167, %mul3A_168 : vector<16xf32>
      %mul3A_170 = arith.constant 16 : i32
      %mul3A_171 = arith.muli %scan3A_155, %mul3A_170 : i32
      %swap3A = arith.index_cast %mul3A_171 : i32 to index
      %swap3A_172 = tpu.vector_load %arg9[%swap3A] {strides = array<i32>} : memref<20000xf32, #tpu.memory_space<vmem>>, vector<16xf32>,
      tpu.vector_store %arg9[%swap3A], %add3A_169 {strides = array<i32>} : memref<20000xf32, #tpu.memory_space<vmem>>, vector<16xf32>,
    }
    %scan3A_140 = arith.constant 1250 : i32
    %run_scoped3A_141 = arith.constant 17 : i32
    "tpu.region"() ({
      %run_scoped3A_155 = tpu.sem_alloc : memref<!tpu.dma_semaphore, #tpu.memory_space<semaphore_mem>>
      %dma_start3A = arith.constant 0 : i32
      %dma_start3A_156 = tpu.memref_slice %arg4[%run_scoped3A_141, %dma_start3A] : memref<18x10240xf32, #tpu.memory_space<hbm>> -> memref<1x10240xf32, #tpu.memory_space<hbm>>
      %dma_start3A_157 = tpu.memref_squeeze %dma_start3A_156 : memref<1x10240xf32, #tpu.memory_space<hbm>> -> memref<10240xf32, #tpu.memory_space<hbm>>
      %dma_start3A_158 = arith.constant 0 : i32
      %dma_start3A_159 = tpu.memref_slice %arg4[%run_scoped3A_141, %dma_start3A_158] : memref<18x10240xf32, #tpu.memory_space<hbm>> -> memref<1x10240xf32, #tpu.memory_space<hbm>>
      %dma_start3A_160 = tpu.memref_squeeze %dma_start3A_159 : memref<1x10240xf32, #tpu.memory_space<hbm>> -> memref<10240xf32, #tpu.memory_space<hbm>>
      tpu.enqueue_dma source(%dma_start3A_160 : memref<10240xf32, #tpu.memory_space<hbm>>) target(%arg10 : memref<10240xf32, #tpu.memory_space<vmem>>) target_semaphore(%run_scoped3A_155 : memref<!tpu.dma_semaphore, #tpu.memory_space<semaphore_mem>>)
      %dma_wait3A = arith.constant 0 : i32
      %dma_wait3A_161 = tpu.memref_slice %arg4[%run_scoped3A_141, %dma_wait3A] : memref<18x10240xf32, #tpu.memory_space<hbm>> -> memref<1x10240xf32, #tpu.memory_space<hbm>>
      %dma_wait3A_162 = tpu.memref_squeeze %dma_wait3A_161 : memref<1x10240xf32, #tpu.memory_space<hbm>> -> memref<10240xf32, #tpu.memory_space<hbm>>
      %dma_wait3A_163 = arith.constant 0 : i32
      %dma_wait3A_164 = tpu.memref_slice %arg4[%run_scoped3A_141, %dma_wait3A_163] : memref<18x10240xf32, #tpu.memory_space<hbm>> -> memref<1x10240xf32, #tpu.memory_space<hbm>>
      %dma_wait3A_165 = tpu.memref_squeeze %dma_wait3A_164 : memref<1x10240xf32, #tpu.memory_space<hbm>> -> memref<10240xf32, #tpu.memory_space<hbm>>
      tpu.wait_dma2 semaphore(%run_scoped3A_155 : memref<!tpu.dma_semaphore, #tpu.memory_space<semaphore_mem>>) src(%dma_wait3A_165 : memref<10240xf32, #tpu.memory_space<hbm>>) dst(%arg10 : memref<10240xf32, #tpu.memory_space<vmem>>)
      tpu.yield
    }) : () -> ()
    %run_scoped3A_142 = arith.constant 17 : i32
    "tpu.region"() ({
      %run_scoped3A_155 = tpu.sem_alloc : memref<!tpu.dma_semaphore, #tpu.memory_space<semaphore_mem>>
      %dma_start3A = arith.constant 0 : i32
      %dma_start3A_156 = tpu.memref_slice %arg5[%run_scoped3A_142, %dma_start3A] : memref<18x10240xf32, #tpu.memory_space<hbm>> -> memref<1x10240xf32, #tpu.memory_space<hbm>>
      %dma_start3A_157 = tpu.memref_squeeze %dma_start3A_156 : memref<1x10240xf32, #tpu.memory_space<hbm>> -> memref<10240xf32, #tpu.memory_space<hbm>>
      %dma_start3A_158 = arith.constant 0 : i32
      %dma_start3A_159 = tpu.memref_slice %arg5[%run_scoped3A_142, %dma_start3A_158] : memref<18x10240xf32, #tpu.memory_space<hbm>> -> memref<1x10240xf32, #tpu.memory_space<hbm>>
      %dma_start3A_160 = tpu.memref_squeeze %dma_start3A_159 : memref<1x10240xf32, #tpu.memory_space<hbm>> -> memref<10240xf32, #tpu.memory_space<hbm>>
      tpu.enqueue_dma source(%dma_start3A_160 : memref<10240xf32, #tpu.memory_space<hbm>>) target(%arg11 : memref<10240xf32, #tpu.memory_space<vmem>>) target_semaphore(%run_scoped3A_155 : memref<!tpu.dma_semaphore, #tpu.memory_space<semaphore_mem>>)
      %dma_wait3A = arith.constant 0 : i32
      %dma_wait3A_161 = tpu.memref_slice %arg5[%run_scoped3A_142, %dma_wait3A] : memref<18x10240xf32, #tpu.memory_space<hbm>> -> memref<1x10240xf32, #tpu.memory_space<hbm>>
      %dma_wait3A_162 = tpu.memref_squeeze %dma_wait3A_161 : memref<1x10240xf32, #tpu.memory_space<hbm>> -> memref<10240xf32, #tpu.memory_space<hbm>>
      %dma_wait3A_163 = arith.constant 0 : i32
      %dma_wait3A_164 = tpu.memref_slice %arg5[%run_scoped3A_142, %dma_wait3A_163] : memref<18x10240xf32, #tpu.memory_space<hbm>> -> memref<1x10240xf32, #tpu.memory_space<hbm>>
      %dma_wait3A_165 = tpu.memref_squeeze %dma_wait3A_164 : memref<1x10240xf32, #tpu.memory_space<hbm>> -> memref<10240xf32, #tpu.memory_space<hbm>>
      tpu.wait_dma2 semaphore(%run_scoped3A_155 : memref<!tpu.dma_semaphore, #tpu.memory_space<semaphore_mem>>) src(%dma_wait3A_165 : memref<10240xf32, #tpu.memory_space<hbm>>) dst(%arg11 : memref<10240xf32, #tpu.memory_space<vmem>>)
      tpu.yield
    }) : () -> ()
    %scan3A_143 = arith.constant 0 : i32
    %scan3A_144 = arith.constant 0 : i32
    %scan3A_145 = arith.constant 1250 : i32
    %scan3A_146 = arith.addi %scan3A_144, %scan3A_145 : i32
    %scan3A_147 = arith.constant 1 : i32
    scf.for %scan3A_155 = %scan3A_144 to %scan3A_146 step %scan3A_147  : i32 {
      %mul3A_156 = arith.constant 16 : i32
      %mul3A_157 = arith.muli %scan3A_155, %mul3A_156 : i32
      %get3A = arith.index_cast %mul3A_157 : i32 to index
      %get3A_158 = tpu.vector_load %arg7[%get3A] {strides = array<i32>} : memref<20000xi32, #tpu.memory_space<vmem>>, vector<16xi32>,
      %mul3A_159 = arith.constant 16 : i32
      %mul3A_160 = arith.muli %scan3A_155, %mul3A_159 : i32
      %get3A_161 = arith.index_cast %mul3A_160 : i32 to index
      %get3A_162 = tpu.vector_load %arg8[%get3A_161] {strides = array<i32>} : memref<20000xi32, #tpu.memory_space<vmem>>, vector<16xi32>,
      %gather3A = tpu.vector_load_idx %arg10[%get3A_158] : memref<10240xf32, #tpu.memory_space<vmem>>[vector<16xi32>], vector<16xf32>,
      %gather3A_163 = tpu.vector_load_idx %arg11[%get3A_162] : memref<10240xf32, #tpu.memory_space<vmem>>[vector<16xi32>], vector<16xf32>,
      %mul3A_164 = arith.constant 16 : i32
      %mul3A_165 = arith.muli %scan3A_155, %mul3A_164 : i32
      %get3A_166 = arith.index_cast %mul3A_165 : i32 to index
      %get3A_167 = tpu.vector_load %arg9[%get3A_166] {strides = array<i32>} : memref<20000xf32, #tpu.memory_space<vmem>>, vector<16xf32>,
      %mul3A_168 = arith.mulf %gather3A, %gather3A_163 : vector<16xf32>
      %add3A_169 = arith.addf %get3A_167, %mul3A_168 : vector<16xf32>
      %mul3A_170 = arith.constant 16 : i32
      %mul3A_171 = arith.muli %scan3A_155, %mul3A_170 : i32
      %swap3A = arith.index_cast %mul3A_171 : i32 to index
      %swap3A_172 = tpu.vector_load %arg9[%swap3A] {strides = array<i32>} : memref<20000xf32, #tpu.memory_space<vmem>>, vector<16xf32>,
      tpu.vector_store %arg9[%swap3A], %add3A_169 {strides = array<i32>} : memref<20000xf32, #tpu.memory_space<vmem>>, vector<16xf32>,
    }
    %scan3A_148 = arith.constant 1250 : i32
    %scan3A_149 = arith.constant 0 : i32
    %scan3A_150 = arith.constant 0 : i32
    %scan3A_151 = arith.constant 1250 : i32
    %scan3A_152 = arith.addi %scan3A_150, %scan3A_151 : i32
    %scan3A_153 = arith.constant 1 : i32
    scf.for %scan3A_155 = %scan3A_150 to %scan3A_152 step %scan3A_153  : i32 {
      %mul3A_156 = arith.constant 16 : i32
      %mul3A_157 = arith.muli %scan3A_155, %mul3A_156 : i32
      %get3A = arith.index_cast %mul3A_157 : i32 to index
      %get3A_158 = tpu.vector_load %arg9[%get3A] {strides = array<i32>} : memref<20000xf32, #tpu.memory_space<vmem>>, vector<16xf32>,
      %neg3A = arith.constant 0.000000e+00 : f32
      %neg3A_159 = vector.broadcast %neg3A : f32 to vector<16xf32>
      %neg3A_160 = arith.subf %neg3A_159, %get3A_158 : vector<16xf32>
      %exp3A = math.exp %neg3A_160 : vector<16xf32>
      %add3A_161 = arith.constant 1.000000e+00 : f32
      %add3A_162 = vector.broadcast %add3A_161 : f32 to vector<16xf32>
      %add3A_163 = arith.addf %add3A_162, %exp3A : vector<16xf32>
      %div3A = arith.constant 1.000000e+00 : f32
      %div3A_164 = vector.broadcast %div3A : f32 to vector<16xf32>
      %div3A_165 = arith.divf %div3A_164, %add3A_163 : vector<16xf32>
      %mul3A_166 = arith.constant 16 : i32
      %mul3A_167 = arith.muli %scan3A_155, %mul3A_166 : i32
      %swap3A = arith.index_cast %mul3A_167 : i32 to index
      %swap3A_168 = tpu.vector_load %arg9[%swap3A] {strides = array<i32>} : memref<20000xf32, #tpu.memory_space<vmem>>, vector<16xf32>,
      tpu.vector_store %arg9[%swap3A], %div3A_165 {strides = array<i32>} : memref<20000xf32, #tpu.memory_space<vmem>>, vector<16xf32>,
    }
    %scan3A_154 = arith.constant 1250 : i32
    "tpu.region"() ({
      %run_scoped3A_155 = tpu.sem_alloc : memref<!tpu.dma_semaphore, #tpu.memory_space<semaphore_mem>>
      %dma_start3A = arith.constant 0 : i32
      %dma_start3A_156 = tpu.memref_slice %arg6[%add3A, %dma_start3A] : memref<32x20000xf32, #tpu.memory_space<hbm>> -> memref<1x20000xf32, #tpu.memory_space<hbm>>
      %dma_start3A_157 = tpu.memref_squeeze %dma_start3A_156 : memref<1x20000xf32, #tpu.memory_space<hbm>> -> memref<20000xf32, #tpu.memory_space<hbm>>
      %dma_start3A_158 = arith.constant 0 : i32
      %dma_start3A_159 = tpu.memref_slice %arg6[%add3A, %dma_start3A_158] : memref<32x20000xf32, #tpu.memory_space<hbm>> -> memref<1x20000xf32, #tpu.memory_space<hbm>>
      %dma_start3A_160 = tpu.memref_squeeze %dma_start3A_159 : memref<1x20000xf32, #tpu.memory_space<hbm>> -> memref<20000xf32, #tpu.memory_space<hbm>>
      tpu.enqueue_dma source(%arg9 : memref<20000xf32, #tpu.memory_space<vmem>>) target(%dma_start3A_160 : memref<20000xf32, #tpu.memory_space<hbm>>) target_semaphore(%run_scoped3A_155 : memref<!tpu.dma_semaphore, #tpu.memory_space<semaphore_mem>>)
      %dma_wait3A = arith.constant 0 : i32
      %dma_wait3A_161 = tpu.memref_slice %arg6[%add3A, %dma_wait3A] : memref<32x20000xf32, #tpu.memory_space<hbm>> -> memref<1x20000xf32, #tpu.memory_space<hbm>>
      %dma_wait3A_162 = tpu.memref_squeeze %dma_wait3A_161 : memref<1x20000xf32, #tpu.memory_space<hbm>> -> memref<20000xf32, #tpu.memory_space<hbm>>
      %dma_wait3A_163 = arith.constant 0 : i32
      %dma_wait3A_164 = tpu.memref_slice %arg6[%add3A, %dma_wait3A_163] : memref<32x20000xf32, #tpu.memory_space<hbm>> -> memref<1x20000xf32, #tpu.memory_space<hbm>>
      %dma_wait3A_165 = tpu.memref_squeeze %dma_wait3A_164 : memref<1x20000xf32, #tpu.memory_space<hbm>> -> memref<20000xf32, #tpu.memory_space<hbm>>
      tpu.wait_dma2 semaphore(%run_scoped3A_155 : memref<!tpu.dma_semaphore, #tpu.memory_space<semaphore_mem>>) src(%arg9 : memref<20000xf32, #tpu.memory_space<vmem>>) dst(%dma_wait3A_165 : memref<20000xf32, #tpu.memory_space<hbm>>)
      tpu.yield
    }) : () -> ()
    return
  }
}

#map = affine_map<(d0, d1) -> (0, 0, 0)>
#map1 = affine_map<(d0, d1) -> (0, 0)>
#map2 = affine_map<(d0, d1) -> (0, 0, 0, 0)>
module attributes {stable_mosaic.version = 14 : i64} {
  func.func @_sc_conv(%arg0: i32, %arg1: i32, %arg2: memref<32x125x80xi32, #tpu.memory_space<hbm>>, %arg3: memref<32x125x80xi32, #tpu.memory_space<hbm>>, %arg4: memref<10240x16xf32, #tpu.memory_space<hbm>>, %arg5: memref<640x16xf32, #tpu.memory_space<hbm>>, %arg6: memref<2x16x640x16xf32, #tpu.memory_space<hbm>>, %arg7: memref<125x80xi32, #tpu.memory_space<vmem>>, %arg8: memref<125x80xi32, #tpu.memory_space<vmem>>, %arg9: memref<80x16xf32, #tpu.memory_space<vmem>>, %arg10: memref<10240x16xf32, #tpu.memory_space<vmem_shared>>, %arg11: memref<!tpu.dma_semaphore, #tpu.memory_space<semaphore_mem>>) attributes {dimension_semantics = [#tpu.dimension_semantics<core_parallel>, #tpu.dimension_semantics<subcore_parallel>], iteration_bounds = array<i64: 2, 16>, scalar_prefetch = 0 : i64, scratch_operands = 5 : i64, tpu.core_type = #tpu.core_type<sc_vector_subcore>, window_params = [{transform_indices = #map}, {transform_indices = #map}, {transform_indices = #map1}, {transform_indices = #map1}, {transform_indices = #map2}]} {
    %mul3A = arith.constant 16 : i32
    %mul3A_0 = arith.muli %arg0, %mul3A : i32
    %add3A = arith.addi %mul3A_0, %arg1 : i32
    %mul3A_1 = arith.constant 640 : i32
    %mul3A_2 = arith.muli %arg1, %mul3A_1 : i32
    "tpu.region"() ({
      %run_scoped3A = tpu.sem_alloc : memref<!tpu.dma_semaphore, #tpu.memory_space<semaphore_mem>>
      %dma_start3A = arith.constant 0 : i32
      %dma_start3A_11 = tpu.memref_slice %arg10[%mul3A_2, %dma_start3A] : memref<10240x16xf32, #tpu.memory_space<vmem_shared>> -> memref<640x16xf32, #tpu.memory_space<vmem_shared>>
      tpu.enqueue_dma source(%arg5 : memref<640x16xf32, #tpu.memory_space<hbm>>) target(%dma_start3A_11 : memref<640x16xf32, #tpu.memory_space<vmem_shared>>) target_semaphore(%run_scoped3A : memref<!tpu.dma_semaphore, #tpu.memory_space<semaphore_mem>>)
      %dma_wait3A = arith.constant 0 : i32
      %dma_wait3A_12 = tpu.memref_slice %arg10[%mul3A_2, %dma_wait3A] : memref<10240x16xf32, #tpu.memory_space<vmem_shared>> -> memref<640x16xf32, #tpu.memory_space<vmem_shared>>
      tpu.wait_dma2 semaphore(%run_scoped3A : memref<!tpu.dma_semaphore, #tpu.memory_space<semaphore_mem>>) src(%arg5 : memref<640x16xf32, #tpu.memory_space<hbm>>) dst(%dma_wait3A_12 : memref<640x16xf32, #tpu.memory_space<vmem_shared>>)
      tpu.yield
    }) : () -> ()
    "tpu.region"() ({
      %run_scoped3A = tpu.sem_alloc : memref<!tpu.dma_semaphore, #tpu.memory_space<semaphore_mem>>
      %dma_start3A = arith.constant 0 : i32
      %dma_start3A_11 = arith.constant 0 : i32
      %dma_start3A_12 = tpu.memref_slice %arg2[%add3A, %dma_start3A, %dma_start3A_11] : memref<32x125x80xi32, #tpu.memory_space<hbm>> -> memref<1x125x80xi32, #tpu.memory_space<hbm>>
      %dma_start3A_13 = tpu.memref_squeeze %dma_start3A_12 : memref<1x125x80xi32, #tpu.memory_space<hbm>> -> memref<125x80xi32, #tpu.memory_space<hbm>>
      %dma_start3A_14 = arith.constant 0 : i32
      %dma_start3A_15 = arith.constant 0 : i32
      %dma_start3A_16 = tpu.memref_slice %arg2[%add3A, %dma_start3A_14, %dma_start3A_15] : memref<32x125x80xi32, #tpu.memory_space<hbm>> -> memref<1x125x80xi32, #tpu.memory_space<hbm>>
      %dma_start3A_17 = tpu.memref_squeeze %dma_start3A_16 : memref<1x125x80xi32, #tpu.memory_space<hbm>> -> memref<125x80xi32, #tpu.memory_space<hbm>>
      tpu.enqueue_dma source(%dma_start3A_17 : memref<125x80xi32, #tpu.memory_space<hbm>>) target(%arg7 : memref<125x80xi32, #tpu.memory_space<vmem>>) target_semaphore(%run_scoped3A : memref<!tpu.dma_semaphore, #tpu.memory_space<semaphore_mem>>)
      %dma_wait3A = arith.constant 0 : i32
      %dma_wait3A_18 = arith.constant 0 : i32
      %dma_wait3A_19 = tpu.memref_slice %arg2[%add3A, %dma_wait3A, %dma_wait3A_18] : memref<32x125x80xi32, #tpu.memory_space<hbm>> -> memref<1x125x80xi32, #tpu.memory_space<hbm>>
      %dma_wait3A_20 = tpu.memref_squeeze %dma_wait3A_19 : memref<1x125x80xi32, #tpu.memory_space<hbm>> -> memref<125x80xi32, #tpu.memory_space<hbm>>
      %dma_wait3A_21 = arith.constant 0 : i32
      %dma_wait3A_22 = arith.constant 0 : i32
      %dma_wait3A_23 = tpu.memref_slice %arg2[%add3A, %dma_wait3A_21, %dma_wait3A_22] : memref<32x125x80xi32, #tpu.memory_space<hbm>> -> memref<1x125x80xi32, #tpu.memory_space<hbm>>
      %dma_wait3A_24 = tpu.memref_squeeze %dma_wait3A_23 : memref<1x125x80xi32, #tpu.memory_space<hbm>> -> memref<125x80xi32, #tpu.memory_space<hbm>>
      tpu.wait_dma2 semaphore(%run_scoped3A : memref<!tpu.dma_semaphore, #tpu.memory_space<semaphore_mem>>) src(%dma_wait3A_24 : memref<125x80xi32, #tpu.memory_space<hbm>>) dst(%arg7 : memref<125x80xi32, #tpu.memory_space<vmem>>)
      tpu.yield
    }) : () -> ()
    "tpu.region"() ({
      %run_scoped3A = tpu.sem_alloc : memref<!tpu.dma_semaphore, #tpu.memory_space<semaphore_mem>>
      %dma_start3A = arith.constant 0 : i32
      %dma_start3A_11 = arith.constant 0 : i32
      %dma_start3A_12 = tpu.memref_slice %arg3[%add3A, %dma_start3A, %dma_start3A_11] : memref<32x125x80xi32, #tpu.memory_space<hbm>> -> memref<1x125x80xi32, #tpu.memory_space<hbm>>
      %dma_start3A_13 = tpu.memref_squeeze %dma_start3A_12 : memref<1x125x80xi32, #tpu.memory_space<hbm>> -> memref<125x80xi32, #tpu.memory_space<hbm>>
      %dma_start3A_14 = arith.constant 0 : i32
      %dma_start3A_15 = arith.constant 0 : i32
      %dma_start3A_16 = tpu.memref_slice %arg3[%add3A, %dma_start3A_14, %dma_start3A_15] : memref<32x125x80xi32, #tpu.memory_space<hbm>> -> memref<1x125x80xi32, #tpu.memory_space<hbm>>
      %dma_start3A_17 = tpu.memref_squeeze %dma_start3A_16 : memref<1x125x80xi32, #tpu.memory_space<hbm>> -> memref<125x80xi32, #tpu.memory_space<hbm>>
      tpu.enqueue_dma source(%dma_start3A_17 : memref<125x80xi32, #tpu.memory_space<hbm>>) target(%arg8 : memref<125x80xi32, #tpu.memory_space<vmem>>) target_semaphore(%run_scoped3A : memref<!tpu.dma_semaphore, #tpu.memory_space<semaphore_mem>>)
      %dma_wait3A = arith.constant 0 : i32
      %dma_wait3A_18 = arith.constant 0 : i32
      %dma_wait3A_19 = tpu.memref_slice %arg3[%add3A, %dma_wait3A, %dma_wait3A_18] : memref<32x125x80xi32, #tpu.memory_space<hbm>> -> memref<1x125x80xi32, #tpu.memory_space<hbm>>
      %dma_wait3A_20 = tpu.memref_squeeze %dma_wait3A_19 : memref<1x125x80xi32, #tpu.memory_space<hbm>> -> memref<125x80xi32, #tpu.memory_space<hbm>>
      %dma_wait3A_21 = arith.constant 0 : i32
      %dma_wait3A_22 = arith.constant 0 : i32
      %dma_wait3A_23 = tpu.memref_slice %arg3[%add3A, %dma_wait3A_21, %dma_wait3A_22] : memref<32x125x80xi32, #tpu.memory_space<hbm>> -> memref<1x125x80xi32, #tpu.memory_space<hbm>>
      %dma_wait3A_24 = tpu.memref_squeeze %dma_wait3A_23 : memref<1x125x80xi32, #tpu.memory_space<hbm>> -> memref<125x80xi32, #tpu.memory_space<hbm>>
      tpu.wait_dma2 semaphore(%run_scoped3A : memref<!tpu.dma_semaphore, #tpu.memory_space<semaphore_mem>>) src(%dma_wait3A_24 : memref<125x80xi32, #tpu.memory_space<hbm>>) dst(%arg8 : memref<125x80xi32, #tpu.memory_space<vmem>>)
      tpu.yield
    }) : () -> ()
    %barrier3A = arith.constant 0 : index
    tpu.barrier barrier_id(%barrier3A)
    %scan3A = arith.constant 0 : i32
    %scan3A_3 = arith.constant 0 : i32
    %scan3A_4 = arith.constant 125 : i32
    %scan3A_5 = arith.addi %scan3A_3, %scan3A_4 : i32
    %scan3A_6 = arith.constant 1 : i32
    scf.for %scan3A_11 = %scan3A_3 to %scan3A_5 step %scan3A_6  : i32 {
      %dma_start3A = arith.constant 0 : i32
      %dma_start3A_12 = tpu.memref_slice %arg7[%scan3A_11, %dma_start3A] : memref<125x80xi32, #tpu.memory_space<vmem>> -> memref<1x80xi32, #tpu.memory_space<vmem>>
      %dma_start3A_13 = tpu.memref_squeeze %dma_start3A_12 : memref<1x80xi32, #tpu.memory_space<vmem>> -> memref<80xi32, #tpu.memory_space<vmem>>
      %dma_start3A_14 = arith.constant 0 : i32
      %dma_start3A_15 = arith.constant 0 : i32
      %dma_start3A_16 = tpu.memref_slice %arg4[%dma_start3A_14, %dma_start3A_15] : memref<10240x16xf32, #tpu.memory_space<hbm>> -> memref<10240x16xf32, #tpu.memory_space<hbm>>
      tpu.enqueue_indirect_dma source(%dma_start3A_16 : memref<10240x16xf32, #tpu.memory_space<hbm>>) target(%arg9 : memref<80x16xf32, #tpu.memory_space<vmem>>) offsets(%dma_start3A_13 : memref<80xi32, #tpu.memory_space<vmem>>) semaphore(%arg11 : memref<!tpu.dma_semaphore, #tpu.memory_space<semaphore_mem>>)
      %dma_wait3A = arith.constant 0 : i32
      %dma_wait3A_17 = tpu.memref_slice %arg7[%scan3A_11, %dma_wait3A] : memref<125x80xi32, #tpu.memory_space<vmem>> -> memref<1x80xi32, #tpu.memory_space<vmem>>
      %dma_wait3A_18 = tpu.memref_squeeze %dma_wait3A_17 : memref<1x80xi32, #tpu.memory_space<vmem>> -> memref<80xi32, #tpu.memory_space<vmem>>
      %dma_wait3A_19 = arith.constant 0 : i32
      %dma_wait3A_20 = arith.constant 0 : i32
      %dma_wait3A_21 = tpu.memref_slice %arg4[%dma_wait3A_19, %dma_wait3A_20] : memref<10240x16xf32, #tpu.memory_space<hbm>> -> memref<10240x16xf32, #tpu.memory_space<hbm>>
      tpu.wait_indirect_dma semaphore(%arg11 : memref<!tpu.dma_semaphore, #tpu.memory_space<semaphore_mem>>) src(%dma_wait3A_21 : memref<10240x16xf32, #tpu.memory_space<hbm>>) dst(%arg9 : memref<80x16xf32, #tpu.memory_space<vmem>>)
      "tpu.region"() ({
        %run_scoped3A = tpu.sem_alloc : memref<!tpu.dma_semaphore, #tpu.memory_space<semaphore_mem>>
        %dma_start3A_22 = arith.constant 0 : i32
        %dma_start3A_23 = tpu.memref_slice %arg8[%scan3A_11, %dma_start3A_22] : memref<125x80xi32, #tpu.memory_space<vmem>> -> memref<1x80xi32, #tpu.memory_space<vmem>>
        %dma_start3A_24 = tpu.memref_squeeze %dma_start3A_23 : memref<1x80xi32, #tpu.memory_space<vmem>> -> memref<80xi32, #tpu.memory_space<vmem>>
        %dma_start3A_25 = arith.constant 0 : i32
        %dma_start3A_26 = arith.constant 0 : i32
        %dma_start3A_27 = tpu.memref_slice %arg10[%dma_start3A_25, %dma_start3A_26] : memref<10240x16xf32, #tpu.memory_space<vmem_shared>> -> memref<10240x16xf32, #tpu.memory_space<vmem_shared>>
        tpu.enqueue_indirect_dma source(%arg9 : memref<80x16xf32, #tpu.memory_space<vmem>>) target(%dma_start3A_27 : memref<10240x16xf32, #tpu.memory_space<vmem_shared>>) offsets(%dma_start3A_24 : memref<80xi32, #tpu.memory_space<vmem>>) semaphore(%run_scoped3A : memref<!tpu.dma_semaphore, #tpu.memory_space<semaphore_mem>>) {add = true}
        %dma_wait3A_28 = arith.constant 0 : i32
        %dma_wait3A_29 = tpu.memref_slice %arg8[%scan3A_11, %dma_wait3A_28] : memref<125x80xi32, #tpu.memory_space<vmem>> -> memref<1x80xi32, #tpu.memory_space<vmem>>
        %dma_wait3A_30 = tpu.memref_squeeze %dma_wait3A_29 : memref<1x80xi32, #tpu.memory_space<vmem>> -> memref<80xi32, #tpu.memory_space<vmem>>
        %dma_wait3A_31 = arith.constant 0 : i32
        %dma_wait3A_32 = arith.constant 0 : i32
        %dma_wait3A_33 = tpu.memref_slice %arg10[%dma_wait3A_31, %dma_wait3A_32] : memref<10240x16xf32, #tpu.memory_space<vmem_shared>> -> memref<10240x16xf32, #tpu.memory_space<vmem_shared>>
        tpu.wait_indirect_dma semaphore(%run_scoped3A : memref<!tpu.dma_semaphore, #tpu.memory_space<semaphore_mem>>) src(%arg9 : memref<80x16xf32, #tpu.memory_space<vmem>>) dst(%dma_wait3A_33 : memref<10240x16xf32, #tpu.memory_space<vmem_shared>>)
        tpu.yield
      }) : () -> ()
    }
    %scan3A_7 = arith.constant 125 : i32
    %barrier3A_8 = arith.constant 0 : index
    tpu.barrier barrier_id(%barrier3A_8)
    %mul3A_9 = arith.constant 640 : i32
    %mul3A_10 = arith.muli %arg1, %mul3A_9 : i32
    "tpu.region"() ({
      %run_scoped3A = tpu.sem_alloc : memref<!tpu.dma_semaphore, #tpu.memory_space<semaphore_mem>>
      %dma_start3A = arith.constant 0 : i32
      %dma_start3A_11 = arith.constant 0 : i32
      %dma_start3A_12 = tpu.memref_slice %arg6[%arg0, %arg1, %dma_start3A, %dma_start3A_11] : memref<2x16x640x16xf32, #tpu.memory_space<hbm>> -> memref<1x1x640x16xf32, #tpu.memory_space<hbm>>
      %dma_start3A_13 = tpu.memref_squeeze %dma_start3A_12 : memref<1x1x640x16xf32, #tpu.memory_space<hbm>> -> memref<640x16xf32, #tpu.memory_space<hbm>>
      %dma_start3A_14 = arith.constant 0 : i32
      %dma_start3A_15 = tpu.memref_slice %arg10[%mul3A_10, %dma_start3A_14] : memref<10240x16xf32, #tpu.memory_space<vmem_shared>> -> memref<640x16xf32, #tpu.memory_space<vmem_shared>>
      tpu.enqueue_dma source(%dma_start3A_15 : memref<640x16xf32, #tpu.memory_space<vmem_shared>>) target(%dma_start3A_13 : memref<640x16xf32, #tpu.memory_space<hbm>>) target_semaphore(%run_scoped3A : memref<!tpu.dma_semaphore, #tpu.memory_space<semaphore_mem>>)
      %dma_wait3A = arith.constant 0 : i32
      %dma_wait3A_16 = arith.constant 0 : i32
      %dma_wait3A_17 = tpu.memref_slice %arg6[%arg0, %arg1, %dma_wait3A, %dma_wait3A_16] : memref<2x16x640x16xf32, #tpu.memory_space<hbm>> -> memref<1x1x640x16xf32, #tpu.memory_space<hbm>>
      %dma_wait3A_18 = tpu.memref_squeeze %dma_wait3A_17 : memref<1x1x640x16xf32, #tpu.memory_space<hbm>> -> memref<640x16xf32, #tpu.memory_space<hbm>>
      %dma_wait3A_19 = arith.constant 0 : i32
      %dma_wait3A_20 = tpu.memref_slice %arg10[%mul3A_10, %dma_wait3A_19] : memref<10240x16xf32, #tpu.memory_space<vmem_shared>> -> memref<640x16xf32, #tpu.memory_space<vmem_shared>>
      tpu.wait_dma2 semaphore(%run_scoped3A : memref<!tpu.dma_semaphore, #tpu.memory_space<semaphore_mem>>) src(%dma_wait3A_20 : memref<640x16xf32, #tpu.memory_space<vmem_shared>>) dst(%dma_wait3A_18 : memref<640x16xf32, #tpu.memory_space<hbm>>)
      tpu.yield
    }) : () -> ()
    return
  }
}

module attributes {stable_mosaic.version = 14 : i64} {
  func.func @_tc1_body(%arg0: memref<10000x128xf32, #tpu.memory_space<vmem>>, %arg1: memref<128x16xf32, #tpu.memory_space<vmem>>, %arg2: memref<2x10000xf32, #tpu.memory_space<vmem>>, %arg3: memref<16x10000xf32, #tpu.memory_space<vmem>>, %arg4: memref<1x10000xf32, #tpu.memory_space<vmem>>) attributes {dimension_semantics = [], scalar_prefetch = 0 : i64, scratch_operands = 0 : i64, tpu.core_type = #tpu.core_type<tc>} {
    %get3A = arith.constant 0 : index
    %get3A_0 = arith.constant 0 : index
    %get3A_1 = vector.load %arg1[%get3A, %get3A_0] : memref<128x16xf32, #tpu.memory_space<vmem>>, vector<128x16xf32>
    %get3A_2 = arith.constant 0 : index
    %get3A_3 = arith.constant 0 : index
    %get3A_4 = vector.load %arg0[%get3A_2, %get3A_3] : memref<10000x128xf32, #tpu.memory_space<vmem>>, vector<10000x128xf32>
    %dot_general3A = arith.constant dense<0.000000e+00> : vector<16x10000xf32>
    %dot_general3A_5 = tpu.matmul %get3A_1, %get3A_4, %dot_general3A {dimension_numbers = #tpu.dot_dimension_numbers<[0], [1], [1], [0], [0, 1, 1, 0], [], []>, transpose_lhs_hint = false} : vector<128x16xf32>, vector<10000x128xf32>, vector<16x10000xf32> -> vector<16x10000xf32>
    %get3A_6 = arith.constant 0 : index
    %get3A_7 = arith.constant 0 : index
    %get3A_8 = vector.load %arg2[%get3A_6, %get3A_7] : memref<2x10000xf32, #tpu.memory_space<vmem>>, vector<1x10000xf32>
    %get3A_9 = arith.constant 1 : index
    %get3A_10 = arith.constant 0 : index
    %get3A_11 = vector.load %arg2[%get3A_9, %get3A_10] : memref<2x10000xf32, #tpu.memory_space<vmem>>, vector<1x10000xf32>
    %add3A = arith.addf %get3A_8, %get3A_11 : vector<1x10000xf32>
    %add3A_12 = arith.constant 1.000000e+00 : f32
    %add3A_13 = vector.broadcast %add3A_12 : f32 to vector<1x10000xf32>
    %add3A_14 = arith.addf %add3A, %add3A_13 : vector<1x10000xf32>
    %rsqrt3A = math.rsqrt %add3A_14 : vector<1x10000xf32>
    %mul3A = vector.broadcast %rsqrt3A : vector<1x10000xf32> to vector<16x10000xf32>
    %mul3A_15 = arith.mulf %dot_general3A_5, %mul3A : vector<16x10000xf32>
    %swap3A = arith.constant 0 : index
    %swap3A_16 = arith.constant 0 : index
    %swap3A_17 = vector.load %arg3[%swap3A, %swap3A_16] : memref<16x10000xf32, #tpu.memory_space<vmem>>, vector<16x10000xf32>
    tpu.vector_store %arg3[%swap3A, %swap3A_16], %mul3A_15 {strides = array<i32>} : memref<16x10000xf32, #tpu.memory_space<vmem>>, vector<16x10000xf32>,
    %swap3A_18 = arith.constant 0 : index
    %swap3A_19 = arith.constant 0 : index
    %swap3A_20 = vector.load %arg4[%swap3A_18, %swap3A_19] : memref<1x10000xf32, #tpu.memory_space<vmem>>, vector<1x10000xf32>
    tpu.vector_store %arg4[%swap3A_18, %swap3A_19], %rsqrt3A {strides = array<i32>} : memref<1x10000xf32, #tpu.memory_space<vmem>>, vector<1x10000xf32>,
    return
  }
}

module attributes {stable_mosaic.version = 14 : i64} {
  func.func @_tc2_body(%arg0: memref<2x16x10000xf32, #tpu.memory_space<vmem>>, %arg1: memref<16x10000xf32, #tpu.memory_space<vmem>>, %arg2: memref<1x10000xf32, #tpu.memory_space<vmem>>, %arg3: memref<16x1xf32, #tpu.memory_space<vmem>>, %arg4: memref<16x10000xf32, #tpu.memory_space<vmem>>) attributes {dimension_semantics = [], scalar_prefetch = 0 : i64, scratch_operands = 0 : i64, tpu.core_type = #tpu.core_type<tc>} {
    %get3A = arith.constant 0 : index
    %get3A_0 = arith.constant 0 : index
    %get3A_1 = arith.constant 0 : index
    %get3A_2 = vector.load %arg0[%get3A, %get3A_0, %get3A_1] : memref<2x16x10000xf32, #tpu.memory_space<vmem>>, vector<1x16x10000xf32>
    %get3A_3 = vector.shape_cast %get3A_2 : vector<1x16x10000xf32> to vector<16x10000xf32>
    %get3A_4 = arith.constant 1 : index
    %get3A_5 = arith.constant 0 : index
    %get3A_6 = arith.constant 0 : index
    %get3A_7 = vector.load %arg0[%get3A_4, %get3A_5, %get3A_6] : memref<2x16x10000xf32, #tpu.memory_space<vmem>>, vector<1x16x10000xf32>
    %get3A_8 = vector.shape_cast %get3A_7 : vector<1x16x10000xf32> to vector<16x10000xf32>
    %add3A = arith.addf %get3A_3, %get3A_8 : vector<16x10000xf32>
    %get3A_9 = arith.constant 0 : index
    %get3A_10 = arith.constant 0 : index
    %get3A_11 = vector.load %arg1[%get3A_9, %get3A_10] : memref<16x10000xf32, #tpu.memory_space<vmem>>, vector<16x10000xf32>
    %add3A_12 = arith.addf %add3A, %get3A_11 : vector<16x10000xf32>
    %get3A_13 = arith.constant 0 : index
    %get3A_14 = arith.constant 0 : index
    %get3A_15 = vector.load %arg2[%get3A_13, %get3A_14] : memref<1x10000xf32, #tpu.memory_space<vmem>>, vector<1x10000xf32>
    %mul3A = vector.broadcast %get3A_15 : vector<1x10000xf32> to vector<16x10000xf32>
    %mul3A_16 = arith.mulf %mul3A, %add3A_12 : vector<16x10000xf32>
    %get3A_17 = arith.constant 0 : index
    %get3A_18 = arith.constant 0 : index
    %get3A_19 = vector.load %arg3[%get3A_17, %get3A_18] : memref<16x1xf32, #tpu.memory_space<vmem>>, vector<16x1xf32>
    %add3A_20 = vector.broadcast %get3A_19 : vector<16x1xf32> to vector<16x10000xf32>
    %add3A_21 = arith.addf %mul3A_16, %add3A_20 : vector<16x10000xf32>
    %max3A = arith.constant 0.000000e+00 : f32
    %max3A_22 = vector.broadcast %max3A : f32 to vector<16x10000xf32>
    %max3A_23 = arith.maximumf %add3A_21, %max3A_22 : vector<16x10000xf32>
    %get3A_24 = arith.constant 0 : index
    %get3A_25 = arith.constant 0 : index
    %get3A_26 = vector.load %arg2[%get3A_24, %get3A_25] : memref<1x10000xf32, #tpu.memory_space<vmem>>, vector<1x10000xf32>
    %mul3A_27 = vector.broadcast %get3A_26 : vector<1x10000xf32> to vector<16x10000xf32>
    %mul3A_28 = arith.mulf %max3A_23, %mul3A_27 : vector<16x10000xf32>
    %swap3A = arith.constant 0 : index
    %swap3A_29 = arith.constant 0 : index
    %swap3A_30 = vector.load %arg4[%swap3A, %swap3A_29] : memref<16x10000xf32, #tpu.memory_space<vmem>>, vector<16x10000xf32>
    tpu.vector_store %arg4[%swap3A, %swap3A_29], %mul3A_28 {strides = array<i32>} : memref<16x10000xf32, #tpu.memory_space<vmem>>, vector<16x10000xf32>,
    return
  }
}

module attributes {stable_mosaic.version = 14 : i64} {
  func.func @_tc3_body(%arg0: memref<2x16x10000xf32, #tpu.memory_space<vmem>>, %arg1: memref<16x10000xf32, #tpu.memory_space<vmem>>, %arg2: memref<1x10000xf32, #tpu.memory_space<vmem>>, %arg3: memref<16x128xf32, #tpu.memory_space<vmem>>, %arg4: memref<1x128xf32, #tpu.memory_space<vmem>>, %arg5: memref<18x10000xf32, #tpu.memory_space<vmem>>, %arg6: memref<18x10000xf32, #tpu.memory_space<vmem>>) attributes {dimension_semantics = [], scalar_prefetch = 0 : i64, scratch_operands = 0 : i64, tpu.core_type = #tpu.core_type<tc>} {
    %get3A = arith.constant 0 : index
    %get3A_0 = arith.constant 0 : index
    %get3A_1 = vector.load %arg2[%get3A, %get3A_0] : memref<1x10000xf32, #tpu.memory_space<vmem>>, vector<1x10000xf32>
    %get3A_2 = arith.constant 0 : index
    %get3A_3 = arith.constant 0 : index
    %get3A_4 = arith.constant 0 : index
    %get3A_5 = vector.load %arg0[%get3A_2, %get3A_3, %get3A_4] : memref<2x16x10000xf32, #tpu.memory_space<vmem>>, vector<1x16x10000xf32>
    %get3A_6 = vector.shape_cast %get3A_5 : vector<1x16x10000xf32> to vector<16x10000xf32>
    %get3A_7 = arith.constant 1 : index
    %get3A_8 = arith.constant 0 : index
    %get3A_9 = arith.constant 0 : index
    %get3A_10 = vector.load %arg0[%get3A_7, %get3A_8, %get3A_9] : memref<2x16x10000xf32, #tpu.memory_space<vmem>>, vector<1x16x10000xf32>
    %get3A_11 = vector.shape_cast %get3A_10 : vector<1x16x10000xf32> to vector<16x10000xf32>
    %add3A = arith.addf %get3A_6, %get3A_11 : vector<16x10000xf32>
    %get3A_12 = arith.constant 0 : index
    %get3A_13 = arith.constant 0 : index
    %get3A_14 = vector.load %arg1[%get3A_12, %get3A_13] : memref<16x10000xf32, #tpu.memory_space<vmem>>, vector<16x10000xf32>
    %add3A_15 = arith.addf %add3A, %get3A_14 : vector<16x10000xf32>
    %mul3A = vector.broadcast %get3A_1 : vector<1x10000xf32> to vector<16x10000xf32>
    %mul3A_16 = arith.mulf %mul3A, %add3A_15 : vector<16x10000xf32>
    %get3A_17 = arith.constant 0 : index
    %get3A_18 = arith.constant 0 : index
    %get3A_19 = vector.load %arg3[%get3A_17, %get3A_18] : memref<16x128xf32, #tpu.memory_space<vmem>>, vector<16x128xf32>
    %dot_general3A = arith.constant dense<0.000000e+00> : vector<16x16xf32>
    %dot_general3A_20 = tpu.matmul %get3A_19, %get3A_19, %dot_general3A {dimension_numbers = #tpu.dot_dimension_numbers<[1], [1], [0], [0], [0, 0, 1, 0], [], []>, transpose_lhs_hint = false} : vector<16x128xf32>, vector<16x128xf32>, vector<16x16xf32> -> vector<16x16xf32>
    %dot_general3A_21 = arith.constant dense<0.000000e+00> : vector<16x10000xf32>
    %dot_general3A_22 = tpu.matmul %dot_general3A_20, %mul3A_16, %dot_general3A_21 {dimension_numbers = #tpu.dot_dimension_numbers<[1], [0], [0], [1], [0, 0, 1, 1], [], []>, transpose_lhs_hint = false} : vector<16x16xf32>, vector<16x10000xf32>, vector<16x10000xf32> -> vector<16x10000xf32>
    %get3A_23 = arith.constant 0 : index
    %get3A_24 = arith.constant 0 : index
    %get3A_25 = vector.load %arg4[%get3A_23, %get3A_24] : memref<1x128xf32, #tpu.memory_space<vmem>>, vector<1x128xf32>
    %dot_general3A_26 = arith.constant dense<0.000000e+00> : vector<16x1xf32>
    %dot_general3A_27 = tpu.matmul %get3A_19, %get3A_25, %dot_general3A_26 {dimension_numbers = #tpu.dot_dimension_numbers<[1], [1], [0], [0], [0, 0, 1, 0], [], []>, transpose_lhs_hint = false} : vector<16x128xf32>, vector<1x128xf32>, vector<16x1xf32> -> vector<16x1xf32>
    %dot_general3A_28 = arith.constant dense<0.000000e+00> : vector<1x10000xf32>
    %dot_general3A_29 = tpu.matmul %dot_general3A_27, %mul3A_16, %dot_general3A_28 {dimension_numbers = #tpu.dot_dimension_numbers<[0], [0], [1], [1], [0, 1, 1, 1], [], []>, transpose_lhs_hint = false} : vector<16x1xf32>, vector<16x10000xf32>, vector<1x10000xf32> -> vector<1x10000xf32>
    %mul3A_30 = arith.mulf %get3A_25, %get3A_25 : vector<1x128xf32>
    %reduce_sum3A = vector.shape_cast %mul3A_30 : vector<1x128xf32> to vector<1x1x128xf32>
    %reduce_sum3A_31 = arith.constant dense<0.000000e+00> : vector<1xf32>
    %reduce_sum3A_32 = vector.multi_reduction <add>, %reduce_sum3A, %reduce_sum3A_31 [1, 2] : vector<1x1x128xf32> to vector<1xf32>
    %reduce_sum3A_33 = vector.shape_cast %reduce_sum3A_32 : vector<1xf32> to vector<1x1x1xf32>
    %reduce_sum3A_34 = vector.extract %reduce_sum3A_33[0, 0, 0] : f32 from vector<1x1x1xf32>
    %broadcast_in_dim3A = arith.constant 1.000000e+00 : f32
    %broadcast_in_dim3A_35 = vector.broadcast %broadcast_in_dim3A : f32 to vector<1x10000xf32>
    %concatenate3A = tpu.concatenate %mul3A_16, %dot_general3A_29, %broadcast_in_dim3A_35 in 0 : vector<16x10000xf32>, vector<1x10000xf32>, vector<1x10000xf32> -> vector<18x10000xf32>
    %swap3A = arith.constant 0 : index
    %swap3A_36 = arith.constant 0 : index
    %swap3A_37 = vector.load %arg5[%swap3A, %swap3A_36] : memref<18x10000xf32, #tpu.memory_space<vmem>>, vector<18x10000xf32>
    tpu.vector_store %arg5[%swap3A, %swap3A_36], %concatenate3A {strides = array<i32>} : memref<18x10000xf32, #tpu.memory_space<vmem>>, vector<18x10000xf32>,
    %add3A_38 = vector.broadcast %reduce_sum3A_34 : f32 to vector<1x10000xf32>
    %add3A_39 = arith.addf %dot_general3A_29, %add3A_38 : vector<1x10000xf32>
    %concatenate3A_40 = tpu.concatenate %dot_general3A_22, %broadcast_in_dim3A_35, %add3A_39 in 0 : vector<16x10000xf32>, vector<1x10000xf32>, vector<1x10000xf32> -> vector<18x10000xf32>
    %swap3A_41 = arith.constant 0 : index
    %swap3A_42 = arith.constant 0 : index
    %swap3A_43 = vector.load %arg6[%swap3A_41, %swap3A_42] : memref<18x10000xf32, #tpu.memory_space<vmem>>, vector<18x10000xf32>
    tpu.vector_store %arg6[%swap3A_41, %swap3A_42], %concatenate3A_40 {strides = array<i32>} : memref<18x10000xf32, #tpu.memory_space<vmem>>, vector<18x10000xf32>,
    return
  }
}

</mosaic_0001>

<sc_bundles>
// kernel: kernel.12.cloned.1.call-start
scs
__scs_entry_jumppad:
0x0: {  	(pc) =	sbr.rel $0x88, $3  }
0x1: {  	(tag) =	ssettag $0x0;
	lr =	simm.s32 $0x1  }
0x2: {  	[smem:$0x3F9A] =	sst lr;
	_ =	strace $0xD0000000  }
0x3: {  	_ = 	snop  }
0x4: {  	_ = 	snop  }
0x5: {  	_ = 	snop  }
0x6: {  	_ = 	snop  }
0x7: {  	_ = 	snop  }
__scs_overlays_trampoline_lowered:
0x8: {  	[smem:$0x3FA9] =	sst s0  }
0x9: {  	[smem:$0x3FAA] =	sst s1  }
0xa: {  	[smem:$0x3FAB] =	sst s2  }
0xb: {  	[smem:$0x3FAC] =	sst s3  }
0xc: {  	[smem:$0x3FAD] =	sst s4  }
0xd: {  	[smem:$0x3FAE] =	sst s5  }
0xe: {  	[smem:$0x3FAF] =	sst s6  }
0xf: {  	[smem:$0x3FB0] =	sst s7  }
0x10: {  	[smem:$0x3FB1] =	sst s8  }
0x11: {  	[smem:$0x3FB2] =	sst s9;
	s0 =	simm.s32 @!p0 $0x0  }
0x12: {  	s1 =	sld [smem:$0x3F98];
	s0 =	simm.s32 @p0 $0x1  }
0x13: {  	[smem:$0x3FB3] =	sst s0;
	s0 =	simm.s32 @!p1 $0x0  }
0x14: {  	s2 =	sld [smem:$0x3F97];
	s0 =	simm.s32 @p1 $0x1  }
0x15: {  	[smem:$0x3FB4] =	sst s0;
	s0 =	simm.s32 @!p2 $0x0  }
0x16: {  	s3 =	sld [smem:$0x3FDB];
	s0 =	simm.s32 @p2 $0x1  }
0x17: {  	s4 =	simm.s32 $0x1BF5;
	[smem:$0x3FB6] =	sst s0  }
0x18: {  	s0 =	sld [smem:$0x3F99];
	_ =	swait.ge [sflag:s4], $0x0  }
0x19: {  	s7 =	sld [smem:$0x3F9A]  }
0x1a: {  	s8 =	sadd.s32 $0xFFFFE003, lr  }
0x1b: {  	s9 =	sadd.s32 $0xFFFFFEF7, lr;
	s5 =	simm.s32 $0xFFFFFFFF;
	p2 =	slt.u32 s8, $0xFFFFF086  }
0x1c: {  	p1 =	slt.u32 s9, $0xF7A;
	s5 =	simm.s32 @!p2 $0x0  }
0x1d: {  	s5 =	simm.s32 @p1 $0x1;
	p0 =	seq.s32 s7, s2  }
0x1e: {  	s7 =	smul.u32 @!p0 $0xF7A, s2;
	p2 =	seq.s32 @!p0 s5, $0x0  }
0x1f: {  	s9 =	smul.u32 $0xF7A, s1;
	s8 =	simm.s32 @!p0 $0x1BF5;
	p2 =	por !p2, p0  }
0x20: {  	[sflag:s8] =	ssyncset.s32 @!p0 $0xFFFFF086;
	s6 =	sadd.s32 @!p0 s3, s7;
	s7 =	simm.s32 @!p0 $0x108  }
0x21: {  	s3 =	sadd.s32 s3, s9;
	s6 =	sadd.s32 @!p0 $0x88, s6;
	s7 =	simm.s32 @p2 $0x1082  }
0x22: {  	[simem:s7], [sflag:s8] =	dma.local @!p0 [hbm:s6], $0xF7A  }
0x23: {  	s9 =	sor.u32 $0xD0000000, s2;
	s6 =	simm.s32 $0x108;
	_ =	swait.ge @!p0 [sflag:s8], $0x0  }
0x24: {  	s3 =	sadd.s32 $0x88, s3;
	s6 =	simm.s32 @!p1 $0x1082;
	[sflag:s4] =	ssyncset.s32 $0xFFFFF086  }
0x25: {  	[simem:s6], [sflag:s4] =	dma.local [hbm:s3], $0xF7A  }
0x26: {  	[smem:$0x3F9A] =	sst s1;
	(tag) =	ssettag s2;
	_ =	strace s9  }
0x27: {  	s1 =	sld [smem:$0x3FAA]  }
0x28: {  	s2 =	sld [smem:$0x3FAB]  }
0x29: {  	s4 =	sld [smem:$0x3FAD]  }
0x2a: {  	p0 =	seq.s32 s5, $0x0;
	s5 =	sld [smem:$0x3FAE]  }
0x2b: {  	s6 =	sld [smem:$0x3FAF]  }
0x2c: {  	s7 =	sld [smem:$0x3FB0]  }
0x2d: {  	s3 =	simm.s32 $0x108;
	s8 =	sld [smem:$0x3FB1]  }
0x2e: {  	s3 =	simm.s32 @!p0 $0x1082;
	s9 =	sld [smem:$0x3FB2]  }
0x2f: {  	lr =	sadd.s32 s0, s3;
	s0 =	sld [smem:$0x3FA9]  }
0x30: {  	s3 =	sld [smem:$0x3FAC]  }
0x31: {  	[smem:$0x3FB5] =	sst s10  }
0x32: {  	s10 =	sld [smem:$0x3FB3];
	_ =	sdelay $0x3  }
0x33: {  	p0 =	seq.s32 s10, $0x1;
	s10 =	sld [smem:$0x3FB5];
	_ =	sdelay $0x3  }
0x34: {  	[smem:$0x3FB5] =	sst s10  }
0x35: {  	s10 =	sld [smem:$0x3FB4];
	_ =	sdelay $0x3  }
0x36: {  	p1 =	seq.s32 s10, $0x1;
	s10 =	sld [smem:$0x3FB5];
	_ =	sdelay $0x3  }
0x37: {  	[smem:$0x3FB5] =	sst s10  }
0x38: {  	s10 =	sld [smem:$0x3FB6]  }
0x39: {  	_ = 	snop;
	(pc) =	sbr.ind lr, $3  }
0x3a: {  	_ = 	snop  }
0x3b: {  	_ = 	snop  }
0x3c: {  	p2 =	seq.s32 s10, $0x1;
	s10 =	sld [smem:$0x3FB5]  }
0x3d: {  	_ =	shalt  }
0x3e: {  	_ =	shalt  }
0x3f: {  	_ =	shalt  }
0x40: {  	_ =	shalt  }
0x41: {  	_ =	shalt  }
0x42: {  	_ =	shalt  }
0x43: {  	_ =	shalt  }
0x44: {  	_ =	shalt  }
0x45: {  	_ =	shalt  }
0x46: {  	_ =	shalt  }
0x47: {  	_ =	shalt  }
0x48: {  	_ =	shalt  }
0x49: {  	_ =	shalt  }
0x4a: {  	_ =	shalt  }
0x4b: {  	_ =	shalt  }
0x4c: {  	_ =	shalt  }
0x4d: {  	_ =	shalt  }
0x4e: {  	_ =	shalt  }
0x4f: {  	_ =	shalt  }
0x50: {  	_ =	shalt  }
0x51: {  	_ =	shalt  }
0x52: {  	_ =	shalt  }
0x53: {  	_ =	shalt  }
0x54: {  	_ =	shalt  }
0x55: {  	_ =	shalt  }
0x56: {  	_ =	shalt  }
0x57: {  	_ =	shalt  }
0x58: {  	_ =	shalt  }
0x59: {  	_ =	shalt  }
0x5a: {  	_ =	shalt  }
0x5b: {  	_ =	shalt  }
0x5c: {  	_ =	shalt  }
0x5d: {  	_ =	shalt  }
0x5e: {  	_ =	shalt  }
0x5f: {  	_ =	shalt  }
0x60: {  	_ =	shalt  }
0x61: {  	_ =	shalt  }
0x62: {  	_ =	shalt  }
0x63: {  	_ =	shalt  }
0x64: {  	_ =	shalt  }
0x65: {  	_ =	shalt  }
0x66: {  	_ =	shalt  }
0x67: {  	_ =	shalt  }
0x68: {  	_ =	shalt  }
0x69: {  	_ =	shalt  }
0x6a: {  	_ =	shalt  }
0x6b: {  	_ =	shalt  }
0x6c: {  	_ =	shalt  }
0x6d: {  	_ =	shalt  }
0x6e: {  	_ =	shalt  }
0x6f: {  	_ =	shalt  }
0x70: {  	_ =	shalt  }
0x71: {  	_ =	shalt  }
0x72: {  	_ =	shalt  }
0x73: {  	_ =	shalt  }
0x74: {  	_ =	shalt  }
0x75: {  	_ =	shalt  }
0x76: {  	_ =	shalt  }
0x77: {  	_ =	shalt  }
0x78: {  	_ =	shalt  }
0x79: {  	_ =	shalt  }
0x7a: {  	_ =	shalt  }
0x7b: {  	_ =	shalt  }
0x7c: {  	_ =	shalt  }
0x7d: {  	_ =	shalt  }
0x7e: {  	_ =	shalt  }
0x7f: {  	_ =	shalt  }
0x80: {  	_ =	shalt  }
0x81: {  	_ =	shalt  }
0x82: {  	_ =	shalt  }
0x83: {  	_ =	shalt  }
0x84: {  	_ =	shalt  }
0x85: {  	_ =	shalt  }
0x86: {  	_ =	shalt  }
0x87: {  	_ =	shalt  }
.Lfunc_end0:
.L_simem_size_0:
called_computation.1_lowered:
.L_overlay_start_0:
0x88: {  	s2 =	sld [smem:$0x3FD9]  }
0x89: {  	s3 =	sld [smem:$0x3FFE];
	_ =	sdelay $0x1  }
0x8a: {  	s1 =	srdreg.scid  }
0x8b: {  	s0 =	sand.u32 $0x1, s1  }
0x8c: {  	s17 =	sshll.u32 s0, $0xA;
	s2 =	sadd.s32 s3, s2  }
0x8d: {  	s2 =	sadd.s32 s2, s17  }
0x8e: {  	[smem:$0x3FC1] =	sst s2  }
0x8f: {  	_ = 	snop  }
0x90: {  	s2 =	sld [smem:$0x3FD0];
	(tm) =	ssettm $0x1  }
0x91: {  	s18 =	sld [smem:$0x3FFB];
	_ =	sdelay $0x3  }
0x92: {  	_ =	strace s18  }
0x93: {  	s3 =	sld [smem:$0x3FFC];
	_ =	sdelay $0x3  }
0x94: {  	_ =	strace s3  }
0x95: {  	s3 =	sld [smem:$0x3FFD];
	_ =	sdelay $0x3  }
0x96: {  	_ =	strace s3  }
0x97: {  	_ =	strace $0x8FFFFFFF  }
0x98: {  	s19 =	sld [smem:$0x3FDB];
	_ =	sdelay $0x1  }
0x99: {  	s4 =	simm.s32 $_scs_section_size  }
0x9a: {  	s5 =	simm.s32 $_size__tile_overlayer_lowered;
	s6 =	simm.s32 $_tile_overlayer_lowered  }
0x9b: {  	s22 =	simm.s32 $0x1BFF;
	s21 =	sshll.u32 s6, $0x1;
	s3 =	sadd.s32 s4, s19  }
0x9c: {  	s7 =	simm.s32 $0x0;
	s20 =	sshll.u32 s5, $0x1;
	s5 =	sadd.s32 s21, s3  }
0x9d: {  	[timem:s7], [sflag:s22] =	dma.local [hbm:s5], s20  }
0x9e: {  	_ =	swait.ge [sflag:s22], s20  }
0x9f: {  	s4 =	ssub.s32 $0x0, s20;
	[sflag:s22] =	ssyncset.done $0x0  }
0xa0: {  	[sflag:s22] =	ssyncadd.s32 s4;
	_ =	sdelay $0x1  }
0xa1: {  	s23 =	simm.s32 $0x1B8B  }
0xa2: {  	_ =	swait.ge [sflag:s23], $0x1  }
0xa3: {  	[sflag:s23] =	ssyncset.done $0x0  }
0xa4: {  	s25 =	simm.s32 $0x1B8E;
	s24 =	sld [smem:$0x3FFE];
	[sflag:s23] =	ssyncadd.s32 $0xFFFFFFFF  }
0xa5: {  	s26 =	simm.s32 $execute0_lowered;
	[smem:$0x3FD2] =	sst s25  }
0xa6: {  	s5 =	sshll.u32 s26, $0x1;
	_ =	strace $0x80000049;
	[dreg:$0x1] =	wrdreg $0xFFFFFFFF  }
0xa7: {  	s28 =	simm.s32 $_size_execute0_lowered;
	s3 =	sadd.s32 s3, s5;
	[dreg:$0x0] =	wrdreg $0x0  }
0xa8: {  	s5 =	sshll.u32 s28, $0x1;
	[dreg:$0x2] =	wrdreg s3  }
0xa9: {  	[dreg:$0x3] =	wrdreg s5  }
0xaa: {  	[dreg:$0x4] =	wrdreg $0xC0  }
0xab: {  	_ =	task [dreg:s7], $0x5FFFF  }
0xac: {  	[dreg:$0x1] =	wrdreg $0xFFFFFFFF  }
0xad: {  	[dreg:$0x0] =	wrdreg $0x60  }
0xae: {  	[dreg:$0x2] =	wrdreg s24  }
0xaf: {  	[dreg:$0x3] =	wrdreg s2  }
0xb0: {  	[dreg:$0x4] =	wrdreg $0x53200  }
0xb1: {  	[dreg:$0x5] =	wrdreg $0x9  }
0xb2: {  	_ =	task.clear_ibuf [dreg:s7], $0x6FFFF;
	_ =	strace $0x90000049  }
0xb3: {  	s29 =	simm.s32 $0x9;
	_ =	strace $0x8000004B  }
0xb4: {  	_ =	swait.ge [sflag:s29], $0x1  }
0xb5: {  	[sflag:s29] =	ssyncadd.s32 $0xFFFFFFFF  }
0xb6: {  	_ =	strace $0x9000004B  }
0xb7: {  	_ =	sfence  }
0xb8: {  	s30 =	sld [smem:$0x0];
	_ =	sdelay $0x2  }
0xb9: {  	s31 =	sshll.u32 s1, $0xD;
	s1 =	sshrl.u32 s1, $0x2  }
0xba: {  	s3 =	sand.u32 $0x4000, s31;
	s1 =	sadd.s32 s1, s30  }
0xbb: {  	s0 =	sor.u32 s3, s0;
	s1 =	sshll.u32 s1, $0x11  }
0xbc: {  	s0 =	sor.u32 s1, s0  }
0xbd: {  	s0 =	sadd.s32 $0x8F2B, s0  }
0xbe: {  	[sflag:s0] =	ssyncadd.remote.s32 $0x1  }
0xbf: {  	_ =	sfence.sel $0xFFFF  }
0xc0: {  	[dreg:$0x0] =	wrdreg $0xFFFFFFFF;
	(pc) =	sbr.abs _section_cstart, $3  }
0xc1: {  	[dreg:$0x1] =	wrdreg $0xFFFFFFFF  }
0xc2: {  	_ =	task.clear_ibuf [dreg:s7], $0x2FFFF;
	_ =	strace $0x9FFFFFFF  }
0xc3: {  	(tm) =	ssettm $0x7FFFFFFF  }
tec
execute0_lowered:
.L_overlay_start_1:
0x0: {  	(tag) =	ssettag $0x1  }
0x1: {  	s5 =	rddreg [dreg:$0x0]  }
0x2: {  	s0 =	srdreg.scid;
	s9 =	rddreg [dreg:$0x1]  }
0x3: {  	s2 =	rddreg [dreg:$0x2];
	s3 =	simm.s32 $0x0;
	s14 =	simm.s32 $0x50  }
0x4: {  	s15 =	simm.s32 $0x4E20;
	s6 =	sand.u32 $0x1, s0;
	s0 =	stileid.u32  }
0x5: {  	s16 =	simm.s32 $0x1;
	s17 =	simm.s32 $0x0;
	s7 =	smul.u32 $0xA000, s0  }
0x6: {  	[smem:$0x7FF] =	sst s3;
	s1 =	sshll.u32 s6, $0x4;
	s11 =	smul.u32 $0x28000, s6  }
0x7: {  	s10 =	ssub.s32 $0x2, s6;
	s12 =	smul.u32 $0x2800, s0;
	s31 =	sshll.u32 s0, $0x6  }
0x8: {  	s4 =	sor.u32 s0, s1;
	s1 =	rddreg [dreg:$0x3];
	_ =	strace $0x8000004A  }
0x9: {  	s29 =	sshrl.u32 s10, $0x1;
	s6 =	sor.u32 $0x1C02, s31;
	s4 =	smul.u32 $0x4E2, s4  }
0xa: {  	s10 =	ssub.s32 s10, s29;
	s30 =	sshrl.u32 s7, $0x2;
	s11 =	sadd.s32 s12, s11  }
0xb: {  	s12 =	simm.s32 $0x2;
	s13 =	sadd.s32 s30, s2;
	s11 =	sshrl.u32 s11, $0x3  }
0xc: {  	s10 =	smax.u32 s10, $0x1;
	s8 =	sadd.s32 s4, s5;
	s4 =	sadd.s32 $0x15400, s5  }
0xd: {  	s5 =	sadd.s32 $0x1A400, s5;
	s9 =	sadd.s32 s9, s11;
	s11 =	sshrl.u32 s13, $0x3  }
0xe: {  	s13 =	simm.s32 $0x2710;
	s7 =	sadd.s32 $0xB600, s8;
	s8 =	sadd.s32 $0x1800, s8  }
.LBB2_1:
0xf: {  	[spmem:s11], [sflag:s6] =	dma.local [hbm:s5], $0x500  }
0x10: {  	_ =	swait.ge [sflag:s12], $0x500  }
0x11: {  	[sflag:s12] =	ssyncset.done $0x0  }
0x12: {  	[sflag:s12] =	ssyncadd.s32 $0xFFFFFB00  }
0x13: {  	[tilespmem:s3], [sflag:$0x2] =	stream.linear.gather [hbm4b:s7+s3], $0x2710, $0x38;
	[tilespmem:$0x7B20] =	vst v63  }
0x14: {  	_ =	swait.ge [sflag:s12], $0x2710  }
0x15: {  	[sflag:s12] =	ssyncset.done $0x0  }
0x16: {  	[sflag:s12] =	ssyncadd.s32 $0xFFFFD8F0  }
0x17: {  	[tilespmem:s13], [sflag:$0x2] =	stream.linear.gather [hbm4b:s8+s3], $0x2710, $0x38;
	[tilespmem:$0x7B20] =	vst v63  }
0x18: {  	_ =	swait.ge [sflag:s12], $0x2710  }
0x19: {  	[sflag:s12] =	ssyncset.done $0x0  }
0x1a: {  	[sflag:s12] =	ssyncadd.s32 $0xFFFFD8F0  }
0x1b: {  	s18 =	simm.s32 $0x0;
	[bflag:$0x0] =	sbarrier.arrive $0xFFFF  }
0x1c: {  	[tilespmem:s15], [sflag:$0x1] =	stream.indirect.gather [hbm4b:s4+s14], $0x10, s18, s14, $0xb8;
	[tilespmem:$0x7B20] =	vst v63  }
0x1d: {  	_ =	swait.ge [sflag:s16], $0x500  }
0x1e: {  	[sflag:s16] =	ssyncset.done $0x0  }
0x1f: {  	s31 =	simm.s32 $0x2710;
	[sflag:s16] =	ssyncadd.s32 $0xFFFFFB00  }
0x20: {  	[spmem:s2] =	stream.indirect.scatter.add.f32 [tilespmem:s15], [sflag:$0x2], $0x10, s31, s14, $0xb8;
	[tilespmem:$0x7B20] =	vst v63  }
0x21: {  	_ =	swait.ge [sflag:s12], $0x500  }
0x22: {  	s19 =	simm.s32 $0x280;
	s18 =	simm.s32 $0x140;
	[sflag:s12] =	ssyncset.done $0x0  }
.LBB2_2:
0x23: {  	s20 =	sshra.s32 s18, $0x2  }
0x24: {  	[sflag:s12] =	ssyncadd.s32 $0xFFFFFB00;
	s18 =	smov.u32 s19;
	s21 =	sadd.s32 $0x140, s19  }
0x25: {  	[tilespmem:s15], [sflag:$0x1] =	stream.indirect.gather [hbm4b:s4+s14], $0x10, s20, s14, $0xb8;
	[tilespmem:$0x7B20] =	vst v63  }
0x26: {  	p0 =	sne.s32 s19, $0x9B00;
	_ =	swait.ge [sflag:s16], $0x500  }
.Ltmp0:
0x27: {  	[sflag:s16] =	ssyncset.done $0x0;
	(pc) =	sbr.rel @p0 .LBB2_2-.Ltmp0, $4  }
0x28: {  	s19 =	sadd.s32 $0x2710, s20;
	[sflag:s16] =	ssyncadd.s32 $0xFFFFFB00  }
0x29: {  	[spmem:s2] =	stream.indirect.scatter.add.f32 [tilespmem:s15], [sflag:$0x2], $0x10, s19, s14, $0xb8;
	[tilespmem:$0x7B20] =	vst v63  }
0x2a: {  	_ =	swait.ge [sflag:s12], $0x500  }
0x2b: {  	s19 =	smov.u32 s21;
	[sflag:s12] =	ssyncset.done $0x0  }
0x2c: {  	s18 =	sshra.s32 s18, $0x2;
	[sflag:s12] =	ssyncadd.s32 $0xFFFFFB00  }
0x2d: {  	[tilespmem:s15], [sflag:$0x1] =	stream.indirect.gather [hbm4b:s4+s14], $0x10, s18, s14, $0xb8;
	[tilespmem:$0x7B20] =	vst v63  }
0x2e: {  	_ =	swait.ge [sflag:s16], $0x500  }
0x2f: {  	[sflag:s16] =	ssyncset.done $0x0  }
0x30: {  	s18 =	sadd.s32 $0x2710, s18;
	[sflag:s16] =	ssyncadd.s32 $0xFFFFFB00  }
0x31: {  	[spmem:s2] =	stream.indirect.scatter.add.f32 [tilespmem:s15], [sflag:$0x2], $0x10, s18, s14, $0xb8;
	[tilespmem:$0x7B20] =	vst v63  }
0x32: {  	_ =	swait.ge [sflag:s12], $0x500  }
0x33: {  	s17 =	sadd.s32 $0x1, s17;
	[sflag:s12] =	ssyncset.done $0x0  }
0x34: {  	p0 =	sne.s32 s17, s10;
	[sflag:s12] =	ssyncadd.s32 $0xFFFFFB00  }
.Ltmp1:
0x35: {  	[bflag:$0x0] =	sbarrier.arrive $0xFFFF;
	(pc) =	sbr.rel @p0 .LBB2_1-.Ltmp1, $4  }
0x36: {  	[hbm:s9], [sflag:s6] =	dma.local [spmem:s11], $0x500  }
0x37: {  	_ =	swait.ge [sflag:s12], $0x500  }
0x38: {  	[sflag:s12] =	ssyncset.done $0x0  }
0x39: {  	[sflag:s12] =	ssyncadd.s32 $0xFFFFFB00  }
0x3a: {  	_ =	sfence.sel $0x180000  }
0x3b: {  	[bflag:$0x0] =	sbarrier.arrive $0xFFFF  }
0x3c: {  	p0 =	sne.s32 s0, $0x0;
	_ =	strace $0x9000004A  }
0x3d: {  	s0 =	sadd.s32 @!p0 $0x100000, s1;
	[bflag:$0x2] =	sbarrier.arrive $0xFFFF  }
0x3e: {  	[sflag:s0] =	ssyncadd.tile.s32 @!p0 $0x1;
	_ =	shalt  }
.Lfunc_end2:
_tile_overlayer_lowered:
.L_overlay_start_2:
0x3f: {  	(tag) =	ssettag $0x2  }
0x40: {  	s0 =	rddreg [dreg:$0x0];
	s2 =	stileid.u32  }
0x41: {  	s1 =	rddreg [dreg:$0x1];
	p0 =	sne.s32 s2, $0x0  }
0x42: {  	s3 =	rddreg [dreg:$0x2];
	[bflag:$0x3] =	sbarrier.arrive $0xFFFF;
	s2 =	simm.s32 @!p0 $0x1C02  }
0x43: {  	[timem:s3], [sflag:s2] =	dma.local @!p0 [hbm:s0], s1  }
0x44: {  	s0 =	simm.s32 @!p0 $0x2  }
0x45: {  	_ =	swait.ge @!p0 [sflag:s0], s1  }
0x46: {  	s1 =	ssub.s32 @!p0 $0x0, s1;
	[sflag:s0] =	ssyncset.done @!p0 $0x0  }
0x47: {  	[sflag:s0] =	ssyncadd.s32 @!p0 s1  }
0x48: {  	[bflag:$0x3] =	sbarrier.arrive $0xFFFF  }
0x49: {  	_ =	shalt  }

// kernel: kernel.15.cloned.1.call-start
scs
__scs_entry_jumppad:
0x0: {  	(pc) =	sbr.rel $0x88, $3  }
0x1: {  	(tag) =	ssettag $0x0;
	lr =	simm.s32 $0x1  }
0x2: {  	[smem:$0x3F9A] =	sst lr;
	_ =	strace $0xD0000000  }
0x3: {  	_ = 	snop  }
0x4: {  	_ = 	snop  }
0x5: {  	_ = 	snop  }
0x6: {  	_ = 	snop  }
0x7: {  	_ = 	snop  }
__scs_overlays_trampoline_lowered:
0x8: {  	[smem:$0x3FA9] =	sst s0  }
0x9: {  	[smem:$0x3FAA] =	sst s1  }
0xa: {  	[smem:$0x3FAB] =	sst s2  }
0xb: {  	[smem:$0x3FAC] =	sst s3  }
0xc: {  	[smem:$0x3FAD] =	sst s4  }
0xd: {  	[smem:$0x3FAE] =	sst s5  }
0xe: {  	[smem:$0x3FAF] =	sst s6  }
0xf: {  	[smem:$0x3FB0] =	sst s7  }
0x10: {  	[smem:$0x3FB1] =	sst s8  }
0x11: {  	[smem:$0x3FB2] =	sst s9;
	s0 =	simm.s32 @!p0 $0x0  }
0x12: {  	s1 =	sld [smem:$0x3F98];
	s0 =	simm.s32 @p0 $0x1  }
0x13: {  	[smem:$0x3FB3] =	sst s0;
	s0 =	simm.s32 @!p1 $0x0  }
0x14: {  	s2 =	sld [smem:$0x3F97];
	s0 =	simm.s32 @p1 $0x1  }
0x15: {  	[smem:$0x3FB4] =	sst s0;
	s0 =	simm.s32 @!p2 $0x0  }
0x16: {  	s3 =	sld [smem:$0x3FDB];
	s0 =	simm.s32 @p2 $0x1  }
0x17: {  	s4 =	simm.s32 $0x1BF5;
	[smem:$0x3FB6] =	sst s0  }
0x18: {  	s0 =	sld [smem:$0x3F99];
	_ =	swait.ge [sflag:s4], $0x0  }
0x19: {  	s7 =	sld [smem:$0x3F9A]  }
0x1a: {  	s8 =	sadd.s32 $0xFFFFE003, lr  }
0x1b: {  	s9 =	sadd.s32 $0xFFFFFEF7, lr;
	s5 =	simm.s32 $0xFFFFFFFF;
	p2 =	slt.u32 s8, $0xFFFFF086  }
0x1c: {  	p1 =	slt.u32 s9, $0xF7A;
	s5 =	simm.s32 @!p2 $0x0  }
0x1d: {  	s5 =	simm.s32 @p1 $0x1;
	p0 =	seq.s32 s7, s2  }
0x1e: {  	s7 =	smul.u32 @!p0 $0xF7A, s2;
	p2 =	seq.s32 @!p0 s5, $0x0  }
0x1f: {  	s9 =	smul.u32 $0xF7A, s1;
	s8 =	simm.s32 @!p0 $0x1BF5;
	p2 =	por !p2, p0  }
0x20: {  	[sflag:s8] =	ssyncset.s32 @!p0 $0xFFFFF086;
	s6 =	sadd.s32 @!p0 s3, s7;
	s7 =	simm.s32 @!p0 $0x108  }
0x21: {  	s3 =	sadd.s32 s3, s9;
	s6 =	sadd.s32 @!p0 $0x88, s6;
	s7 =	simm.s32 @p2 $0x1082  }
0x22: {  	[simem:s7], [sflag:s8] =	dma.local @!p0 [hbm:s6], $0xF7A  }
0x23: {  	s9 =	sor.u32 $0xD0000000, s2;
	s6 =	simm.s32 $0x108;
	_ =	swait.ge @!p0 [sflag:s8], $0x0  }
0x24: {  	s3 =	sadd.s32 $0x88, s3;
	s6 =	simm.s32 @!p1 $0x1082;
	[sflag:s4] =	ssyncset.s32 $0xFFFFF086  }
0x25: {  	[simem:s6], [sflag:s4] =	dma.local [hbm:s3], $0xF7A  }
0x26: {  	[smem:$0x3F9A] =	sst s1;
	(tag) =	ssettag s2;
	_ =	strace s9  }
0x27: {  	s1 =	sld [smem:$0x3FAA]  }
0x28: {  	s2 =	sld [smem:$0x3FAB]  }
0x29: {  	s4 =	sld [smem:$0x3FAD]  }
0x2a: {  	p0 =	seq.s32 s5, $0x0;
	s5 =	sld [smem:$0x3FAE]  }
0x2b: {  	s6 =	sld [smem:$0x3FAF]  }
0x2c: {  	s7 =	sld [smem:$0x3FB0]  }
0x2d: {  	s3 =	simm.s32 $0x108;
	s8 =	sld [smem:$0x3FB1]  }
0x2e: {  	s3 =	simm.s32 @!p0 $0x1082;
	s9 =	sld [smem:$0x3FB2]  }
0x2f: {  	lr =	sadd.s32 s0, s3;
	s0 =	sld [smem:$0x3FA9]  }
0x30: {  	s3 =	sld [smem:$0x3FAC]  }
0x31: {  	[smem:$0x3FB5] =	sst s10  }
0x32: {  	s10 =	sld [smem:$0x3FB3];
	_ =	sdelay $0x3  }
0x33: {  	p0 =	seq.s32 s10, $0x1;
	s10 =	sld [smem:$0x3FB5];
	_ =	sdelay $0x3  }
0x34: {  	[smem:$0x3FB5] =	sst s10  }
0x35: {  	s10 =	sld [smem:$0x3FB4];
	_ =	sdelay $0x3  }
0x36: {  	p1 =	seq.s32 s10, $0x1;
	s10 =	sld [smem:$0x3FB5];
	_ =	sdelay $0x3  }
0x37: {  	[smem:$0x3FB5] =	sst s10  }
0x38: {  	s10 =	sld [smem:$0x3FB6]  }
0x39: {  	_ = 	snop;
	(pc) =	sbr.ind lr, $3  }
0x3a: {  	_ = 	snop  }
0x3b: {  	_ = 	snop  }
0x3c: {  	p2 =	seq.s32 s10, $0x1;
	s10 =	sld [smem:$0x3FB5]  }
0x3d: {  	_ =	shalt  }
0x3e: {  	_ =	shalt  }
0x3f: {  	_ =	shalt  }
0x40: {  	_ =	shalt  }
0x41: {  	_ =	shalt  }
0x42: {  	_ =	shalt  }
0x43: {  	_ =	shalt  }
0x44: {  	_ =	shalt  }
0x45: {  	_ =	shalt  }
0x46: {  	_ =	shalt  }
0x47: {  	_ =	shalt  }
0x48: {  	_ =	shalt  }
0x49: {  	_ =	shalt  }
0x4a: {  	_ =	shalt  }
0x4b: {  	_ =	shalt  }
0x4c: {  	_ =	shalt  }
0x4d: {  	_ =	shalt  }
0x4e: {  	_ =	shalt  }
0x4f: {  	_ =	shalt  }
0x50: {  	_ =	shalt  }
0x51: {  	_ =	shalt  }
0x52: {  	_ =	shalt  }
0x53: {  	_ =	shalt  }
0x54: {  	_ =	shalt  }
0x55: {  	_ =	shalt  }
0x56: {  	_ =	shalt  }
0x57: {  	_ =	shalt  }
0x58: {  	_ =	shalt  }
0x59: {  	_ =	shalt  }
0x5a: {  	_ =	shalt  }
0x5b: {  	_ =	shalt  }
0x5c: {  	_ =	shalt  }
0x5d: {  	_ =	shalt  }
0x5e: {  	_ =	shalt  }
0x5f: {  	_ =	shalt  }
0x60: {  	_ =	shalt  }
0x61: {  	_ =	shalt  }
0x62: {  	_ =	shalt  }
0x63: {  	_ =	shalt  }
0x64: {  	_ =	shalt  }
0x65: {  	_ =	shalt  }
0x66: {  	_ =	shalt  }
0x67: {  	_ =	shalt  }
0x68: {  	_ =	shalt  }
0x69: {  	_ =	shalt  }
0x6a: {  	_ =	shalt  }
0x6b: {  	_ =	shalt  }
0x6c: {  	_ =	shalt  }
0x6d: {  	_ =	shalt  }
0x6e: {  	_ =	shalt  }
0x6f: {  	_ =	shalt  }
0x70: {  	_ =	shalt  }
0x71: {  	_ =	shalt  }
0x72: {  	_ =	shalt  }
0x73: {  	_ =	shalt  }
0x74: {  	_ =	shalt  }
0x75: {  	_ =	shalt  }
0x76: {  	_ =	shalt  }
0x77: {  	_ =	shalt  }
0x78: {  	_ =	shalt  }
0x79: {  	_ =	shalt  }
0x7a: {  	_ =	shalt  }
0x7b: {  	_ =	shalt  }
0x7c: {  	_ =	shalt  }
0x7d: {  	_ =	shalt  }
0x7e: {  	_ =	shalt  }
0x7f: {  	_ =	shalt  }
0x80: {  	_ =	shalt  }
0x81: {  	_ =	shalt  }
0x82: {  	_ =	shalt  }
0x83: {  	_ =	shalt  }
0x84: {  	_ =	shalt  }
0x85: {  	_ =	shalt  }
0x86: {  	_ =	shalt  }
0x87: {  	_ =	shalt  }
.Lfunc_end0:
.L_simem_size_0:
called_computation.2_lowered:
.L_overlay_start_0:
0x88: {  	s2 =	sld [smem:$0x3FD9]  }
0x89: {  	s3 =	sld [smem:$0x3FFE];
	_ =	sdelay $0x1  }
0x8a: {  	s1 =	srdreg.scid  }
0x8b: {  	s0 =	sand.u32 $0x1, s1  }
0x8c: {  	s17 =	sshll.u32 s0, $0xA;
	s2 =	sadd.s32 s3, s2  }
0x8d: {  	s2 =	sadd.s32 s2, s17  }
0x8e: {  	[smem:$0x3FC1] =	sst s2  }
0x8f: {  	_ = 	snop  }
0x90: {  	s2 =	sld [smem:$0x3FD0];
	(tm) =	ssettm $0x1  }
0x91: {  	s18 =	sld [smem:$0x3FFB];
	_ =	sdelay $0x3  }
0x92: {  	_ =	strace s18  }
0x93: {  	s3 =	sld [smem:$0x3FFC];
	_ =	sdelay $0x3  }
0x94: {  	_ =	strace s3  }
0x95: {  	s3 =	sld [smem:$0x3FFD];
	_ =	sdelay $0x3  }
0x96: {  	_ =	strace s3  }
0x97: {  	_ =	strace $0x8FFFFFFF  }
0x98: {  	s19 =	sld [smem:$0x3FDB];
	_ =	sdelay $0x1  }
0x99: {  	s4 =	simm.s32 $_scs_section_size  }
0x9a: {  	s5 =	simm.s32 $_size__tile_overlayer_lowered;
	s6 =	simm.s32 $_tile_overlayer_lowered  }
0x9b: {  	s22 =	simm.s32 $0x1BFF;
	s21 =	sshll.u32 s6, $0x1;
	s3 =	sadd.s32 s4, s19  }
0x9c: {  	s7 =	simm.s32 $0x0;
	s20 =	sshll.u32 s5, $0x1;
	s5 =	sadd.s32 s21, s3  }
0x9d: {  	[timem:s7], [sflag:s22] =	dma.local [hbm:s5], s20  }
0x9e: {  	_ =	swait.ge [sflag:s22], s20  }
0x9f: {  	s4 =	ssub.s32 $0x0, s20;
	[sflag:s22] =	ssyncset.done $0x0  }
0xa0: {  	[sflag:s22] =	ssyncadd.s32 s4;
	_ =	sdelay $0x1  }
0xa1: {  	s23 =	simm.s32 $0x1B8B  }
0xa2: {  	_ =	swait.ge [sflag:s23], $0x1  }
0xa3: {  	[sflag:s23] =	ssyncset.done $0x0  }
0xa4: {  	s25 =	simm.s32 $0x1B8E;
	s24 =	sld [smem:$0x3FFE];
	[sflag:s23] =	ssyncadd.s32 $0xFFFFFFFF  }
0xa5: {  	s26 =	simm.s32 $execute0_lowered;
	[smem:$0x3FD2] =	sst s25  }
0xa6: {  	s5 =	sshll.u32 s26, $0x1;
	_ =	strace $0x8000004C;
	[dreg:$0x1] =	wrdreg $0xFFFFFFFF  }
0xa7: {  	s28 =	simm.s32 $_size_execute0_lowered;
	s3 =	sadd.s32 s3, s5;
	[dreg:$0x0] =	wrdreg $0x0  }
0xa8: {  	s5 =	sshll.u32 s28, $0x1;
	[dreg:$0x2] =	wrdreg s3  }
0xa9: {  	[dreg:$0x3] =	wrdreg s5  }
0xaa: {  	[dreg:$0x4] =	wrdreg $0xC0  }
0xab: {  	_ =	task [dreg:s7], $0x5FFFF  }
0xac: {  	[dreg:$0x1] =	wrdreg $0xFFFFFFFF  }
0xad: {  	[dreg:$0x0] =	wrdreg $0x60  }
0xae: {  	[dreg:$0x2] =	wrdreg s24  }
0xaf: {  	[dreg:$0x3] =	wrdreg s2  }
0xb0: {  	[dreg:$0x4] =	wrdreg $0x53200  }
0xb1: {  	[dreg:$0x5] =	wrdreg $0x9  }
0xb2: {  	_ =	task.clear_ibuf [dreg:s7], $0x6FFFF;
	_ =	strace $0x9000004C  }
0xb3: {  	s29 =	simm.s32 $0x9;
	_ =	strace $0x8000004E  }
0xb4: {  	_ =	swait.ge [sflag:s29], $0x1  }
0xb5: {  	[sflag:s29] =	ssyncadd.s32 $0xFFFFFFFF  }
0xb6: {  	_ =	strace $0x9000004E  }
0xb7: {  	_ =	sfence  }
0xb8: {  	s30 =	sld [smem:$0x0];
	_ =	sdelay $0x2  }
0xb9: {  	s31 =	sshll.u32 s1, $0xD;
	s1 =	sshrl.u32 s1, $0x2  }
0xba: {  	s3 =	sand.u32 $0x4000, s31;
	s1 =	sadd.s32 s1, s30  }
0xbb: {  	s0 =	sor.u32 s3, s0;
	s1 =	sshll.u32 s1, $0x11  }
0xbc: {  	s0 =	sor.u32 s1, s0  }
0xbd: {  	s0 =	sadd.s32 $0x8F2B, s0  }
0xbe: {  	[sflag:s0] =	ssyncadd.remote.s32 $0x1  }
0xbf: {  	_ =	sfence.sel $0xFFFF  }
0xc0: {  	[dreg:$0x0] =	wrdreg $0xFFFFFFFF;
	(pc) =	sbr.abs _section_cstart, $3  }
0xc1: {  	[dreg:$0x1] =	wrdreg $0xFFFFFFFF  }
0xc2: {  	_ =	task.clear_ibuf [dreg:s7], $0x2FFFF;
	_ =	strace $0x9FFFFFFF  }
0xc3: {  	(tm) =	ssettm $0x7FFFFFFF  }
tec
execute0_lowered:
.L_overlay_start_1:
0x0: {  	(tag) =	ssettag $0x1  }
0x1: {  	s5 =	rddreg [dreg:$0x0]  }
0x2: {  	s0 =	srdreg.scid;
	s9 =	rddreg [dreg:$0x1]  }
0x3: {  	s2 =	rddreg [dreg:$0x2];
	s3 =	simm.s32 $0x0;
	s14 =	simm.s32 $0x50  }
0x4: {  	s15 =	simm.s32 $0x4E20;
	s6 =	sand.u32 $0x1, s0;
	s0 =	stileid.u32  }
0x5: {  	s16 =	simm.s32 $0x1;
	s17 =	simm.s32 $0x0;
	s7 =	smul.u32 $0xA000, s0  }
0x6: {  	[smem:$0x7FF] =	sst s3;
	s1 =	sshll.u32 s6, $0x4;
	s11 =	smul.u32 $0x28000, s6  }
0x7: {  	s10 =	ssub.s32 $0x2, s6;
	s12 =	smul.u32 $0x2800, s0;
	s31 =	sshll.u32 s0, $0x6  }
0x8: {  	s4 =	sor.u32 s0, s1;
	s1 =	rddreg [dreg:$0x3];
	_ =	strace $0x8000004D  }
0x9: {  	s29 =	sshrl.u32 s10, $0x1;
	s6 =	sor.u32 $0x1C02, s31;
	s4 =	smul.u32 $0x4E2, s4  }
0xa: {  	s10 =	ssub.s32 s10, s29;
	s30 =	sshrl.u32 s7, $0x2;
	s11 =	sadd.s32 s12, s11  }
0xb: {  	s12 =	simm.s32 $0x2;
	s13 =	sadd.s32 s30, s2;
	s11 =	sshrl.u32 s11, $0x3  }
0xc: {  	s10 =	smax.u32 s10, $0x1;
	s8 =	sadd.s32 s4, s5;
	s4 =	sadd.s32 $0x15400, s5  }
0xd: {  	s5 =	sadd.s32 $0x1A400, s5;
	s9 =	sadd.s32 s9, s11;
	s11 =	sshrl.u32 s13, $0x3  }
0xe: {  	s13 =	simm.s32 $0x2710;
	s7 =	sadd.s32 $0xB600, s8;
	s8 =	sadd.s32 $0x1800, s8  }
.LBB2_1:
0xf: {  	[spmem:s11], [sflag:s6] =	dma.local [hbm:s5], $0x500  }
0x10: {  	_ =	swait.ge [sflag:s12], $0x500  }
0x11: {  	[sflag:s12] =	ssyncset.done $0x0  }
0x12: {  	[sflag:s12] =	ssyncadd.s32 $0xFFFFFB00  }
0x13: {  	[tilespmem:s3], [sflag:$0x2] =	stream.linear.gather [hbm4b:s7+s3], $0x2710, $0x38;
	[tilespmem:$0x7B20] =	vst v63  }
0x14: {  	_ =	swait.ge [sflag:s12], $0x2710  }
0x15: {  	[sflag:s12] =	ssyncset.done $0x0  }
0x16: {  	[sflag:s12] =	ssyncadd.s32 $0xFFFFD8F0  }
0x17: {  	[tilespmem:s13], [sflag:$0x2] =	stream.linear.gather [hbm4b:s8+s3], $0x2710, $0x38;
	[tilespmem:$0x7B20] =	vst v63  }
0x18: {  	_ =	swait.ge [sflag:s12], $0x2710  }
0x19: {  	[sflag:s12] =	ssyncset.done $0x0  }
0x1a: {  	[sflag:s12] =	ssyncadd.s32 $0xFFFFD8F0  }
0x1b: {  	s18 =	simm.s32 $0x0;
	[bflag:$0x0] =	sbarrier.arrive $0xFFFF  }
0x1c: {  	[tilespmem:s15], [sflag:$0x1] =	stream.indirect.gather [hbm4b:s4+s14], $0x10, s18, s14, $0xb8;
	[tilespmem:$0x7B20] =	vst v63  }
0x1d: {  	_ =	swait.ge [sflag:s16], $0x500  }
0x1e: {  	[sflag:s16] =	ssyncset.done $0x0  }
0x1f: {  	s31 =	simm.s32 $0x2710;
	[sflag:s16] =	ssyncadd.s32 $0xFFFFFB00  }
0x20: {  	[spmem:s2] =	stream.indirect.scatter.add.f32 [tilespmem:s15], [sflag:$0x2], $0x10, s31, s14, $0xb8;
	[tilespmem:$0x7B20] =	vst v63  }
0x21: {  	_ =	swait.ge [sflag:s12], $0x500  }
0x22: {  	s19 =	simm.s32 $0x280;
	s18 =	simm.s32 $0x140;
	[sflag:s12] =	ssyncset.done $0x0  }
.LBB2_2:
0x23: {  	s20 =	sshra.s32 s18, $0x2  }
0x24: {  	[sflag:s12] =	ssyncadd.s32 $0xFFFFFB00;
	s18 =	smov.u32 s19;
	s21 =	sadd.s32 $0x140, s19  }
0x25: {  	[tilespmem:s15], [sflag:$0x1] =	stream.indirect.gather [hbm4b:s4+s14], $0x10, s20, s14, $0xb8;
	[tilespmem:$0x7B20] =	vst v63  }
0x26: {  	p0 =	sne.s32 s19, $0x9B00;
	_ =	swait.ge [sflag:s16], $0x500  }
.Ltmp0:
0x27: {  	[sflag:s16] =	ssyncset.done $0x0;
	(pc) =	sbr.rel @p0 .LBB2_2-.Ltmp0, $4  }
0x28: {  	s19 =	sadd.s32 $0x2710, s20;
	[sflag:s16] =	ssyncadd.s32 $0xFFFFFB00  }
0x29: {  	[spmem:s2] =	stream.indirect.scatter.add.f32 [tilespmem:s15], [sflag:$0x2], $0x10, s19, s14, $0xb8;
	[tilespmem:$0x7B20] =	vst v63  }
0x2a: {  	_ =	swait.ge [sflag:s12], $0x500  }
0x2b: {  	s19 =	smov.u32 s21;
	[sflag:s12] =	ssyncset.done $0x0  }
0x2c: {  	s18 =	sshra.s32 s18, $0x2;
	[sflag:s12] =	ssyncadd.s32 $0xFFFFFB00  }
0x2d: {  	[tilespmem:s15], [sflag:$0x1] =	stream.indirect.gather [hbm4b:s4+s14], $0x10, s18, s14, $0xb8;
	[tilespmem:$0x7B20] =	vst v63  }
0x2e: {  	_ =	swait.ge [sflag:s16], $0x500  }
0x2f: {  	[sflag:s16] =	ssyncset.done $0x0  }
0x30: {  	s18 =	sadd.s32 $0x2710, s18;
	[sflag:s16] =	ssyncadd.s32 $0xFFFFFB00  }
0x31: {  	[spmem:s2] =	stream.indirect.scatter.add.f32 [tilespmem:s15], [sflag:$0x2], $0x10, s18, s14, $0xb8;
	[tilespmem:$0x7B20] =	vst v63  }
0x32: {  	_ =	swait.ge [sflag:s12], $0x500  }
0x33: {  	s17 =	sadd.s32 $0x1, s17;
	[sflag:s12] =	ssyncset.done $0x0  }
0x34: {  	p0 =	sne.s32 s17, s10;
	[sflag:s12] =	ssyncadd.s32 $0xFFFFFB00  }
.Ltmp1:
0x35: {  	[bflag:$0x0] =	sbarrier.arrive $0xFFFF;
	(pc) =	sbr.rel @p0 .LBB2_1-.Ltmp1, $4  }
0x36: {  	[hbm:s9], [sflag:s6] =	dma.local [spmem:s11], $0x500  }
0x37: {  	_ =	swait.ge [sflag:s12], $0x500  }
0x38: {  	[sflag:s12] =	ssyncset.done $0x0  }
0x39: {  	[sflag:s12] =	ssyncadd.s32 $0xFFFFFB00  }
0x3a: {  	_ =	sfence.sel $0x180000  }
0x3b: {  	[bflag:$0x0] =	sbarrier.arrive $0xFFFF  }
0x3c: {  	p0 =	sne.s32 s0, $0x0;
	_ =	strace $0x9000004D  }
0x3d: {  	s0 =	sadd.s32 @!p0 $0x100000, s1;
	[bflag:$0x2] =	sbarrier.arrive $0xFFFF  }
0x3e: {  	[sflag:s0] =	ssyncadd.tile.s32 @!p0 $0x1;
	_ =	shalt  }
.Lfunc_end2:
_tile_overlayer_lowered:
.L_overlay_start_2:
0x3f: {  	(tag) =	ssettag $0x2  }
0x40: {  	s0 =	rddreg [dreg:$0x0];
	s2 =	stileid.u32  }
0x41: {  	s1 =	rddreg [dreg:$0x1];
	p0 =	sne.s32 s2, $0x0  }
0x42: {  	s3 =	rddreg [dreg:$0x2];
	[bflag:$0x3] =	sbarrier.arrive $0xFFFF;
	s2 =	simm.s32 @!p0 $0x1C02  }
0x43: {  	[timem:s3], [sflag:s2] =	dma.local @!p0 [hbm:s0], s1  }
0x44: {  	s0 =	simm.s32 @!p0 $0x2  }
0x45: {  	_ =	swait.ge @!p0 [sflag:s0], s1  }
0x46: {  	s1 =	ssub.s32 @!p0 $0x0, s1;
	[sflag:s0] =	ssyncset.done @!p0 $0x0  }
0x47: {  	[sflag:s0] =	ssyncadd.s32 @!p0 s1  }
0x48: {  	[bflag:$0x3] =	sbarrier.arrive $0xFFFF  }
0x49: {  	_ =	shalt  }

// kernel: kernel.18.cloned.1.call-start
scs
__scs_entry_jumppad:
0x0: {  	(pc) =	sbr.rel $0x88, $3  }
0x1: {  	(tag) =	ssettag $0x0;
	lr =	simm.s32 $0x1  }
0x2: {  	[smem:$0x3F9A] =	sst lr;
	_ =	strace $0xD0000000  }
0x3: {  	_ = 	snop  }
0x4: {  	_ = 	snop  }
0x5: {  	_ = 	snop  }
0x6: {  	_ = 	snop  }
0x7: {  	_ = 	snop  }
__scs_overlays_trampoline_lowered:
0x8: {  	[smem:$0x3FA9] =	sst s0  }
0x9: {  	[smem:$0x3FAA] =	sst s1  }
0xa: {  	[smem:$0x3FAB] =	sst s2  }
0xb: {  	[smem:$0x3FAC] =	sst s3  }
0xc: {  	[smem:$0x3FAD] =	sst s4  }
0xd: {  	[smem:$0x3FAE] =	sst s5  }
0xe: {  	[smem:$0x3FAF] =	sst s6  }
0xf: {  	[smem:$0x3FB0] =	sst s7  }
0x10: {  	[smem:$0x3FB1] =	sst s8  }
0x11: {  	[smem:$0x3FB2] =	sst s9;
	s0 =	simm.s32 @!p0 $0x0  }
0x12: {  	s1 =	sld [smem:$0x3F98];
	s0 =	simm.s32 @p0 $0x1  }
0x13: {  	[smem:$0x3FB3] =	sst s0;
	s0 =	simm.s32 @!p1 $0x0  }
0x14: {  	s2 =	sld [smem:$0x3F97];
	s0 =	simm.s32 @p1 $0x1  }
0x15: {  	[smem:$0x3FB4] =	sst s0;
	s0 =	simm.s32 @!p2 $0x0  }
0x16: {  	s3 =	sld [smem:$0x3FDB];
	s0 =	simm.s32 @p2 $0x1  }
0x17: {  	s4 =	simm.s32 $0x1BF5;
	[smem:$0x3FB6] =	sst s0  }
0x18: {  	s0 =	sld [smem:$0x3F99];
	_ =	swait.ge [sflag:s4], $0x0  }
0x19: {  	s7 =	sld [smem:$0x3F9A]  }
0x1a: {  	s8 =	sadd.s32 $0xFFFFE003, lr  }
0x1b: {  	s9 =	sadd.s32 $0xFFFFFEF7, lr;
	s5 =	simm.s32 $0xFFFFFFFF;
	p2 =	slt.u32 s8, $0xFFFFF086  }
0x1c: {  	p1 =	slt.u32 s9, $0xF7A;
	s5 =	simm.s32 @!p2 $0x0  }
0x1d: {  	s5 =	simm.s32 @p1 $0x1;
	p0 =	seq.s32 s7, s2  }
0x1e: {  	s7 =	smul.u32 @!p0 $0xF7A, s2;
	p2 =	seq.s32 @!p0 s5, $0x0  }
0x1f: {  	s9 =	smul.u32 $0xF7A, s1;
	s8 =	simm.s32 @!p0 $0x1BF5;
	p2 =	por !p2, p0  }
0x20: {  	[sflag:s8] =	ssyncset.s32 @!p0 $0xFFFFF086;
	s6 =	sadd.s32 @!p0 s3, s7;
	s7 =	simm.s32 @!p0 $0x108  }
0x21: {  	s3 =	sadd.s32 s3, s9;
	s6 =	sadd.s32 @!p0 $0x88, s6;
	s7 =	simm.s32 @p2 $0x1082  }
0x22: {  	[simem:s7], [sflag:s8] =	dma.local @!p0 [hbm:s6], $0xF7A  }
0x23: {  	s9 =	sor.u32 $0xD0000000, s2;
	s6 =	simm.s32 $0x108;
	_ =	swait.ge @!p0 [sflag:s8], $0x0  }
0x24: {  	s3 =	sadd.s32 $0x88, s3;
	s6 =	simm.s32 @!p1 $0x1082;
	[sflag:s4] =	ssyncset.s32 $0xFFFFF086  }
0x25: {  	[simem:s6], [sflag:s4] =	dma.local [hbm:s3], $0xF7A  }
0x26: {  	[smem:$0x3F9A] =	sst s1;
	(tag) =	ssettag s2;
	_ =	strace s9  }
0x27: {  	s1 =	sld [smem:$0x3FAA]  }
0x28: {  	s2 =	sld [smem:$0x3FAB]  }
0x29: {  	s4 =	sld [smem:$0x3FAD]  }
0x2a: {  	p0 =	seq.s32 s5, $0x0;
	s5 =	sld [smem:$0x3FAE]  }
0x2b: {  	s6 =	sld [smem:$0x3FAF]  }
0x2c: {  	s7 =	sld [smem:$0x3FB0]  }
0x2d: {  	s3 =	simm.s32 $0x108;
	s8 =	sld [smem:$0x3FB1]  }
0x2e: {  	s3 =	simm.s32 @!p0 $0x1082;
	s9 =	sld [smem:$0x3FB2]  }
0x2f: {  	lr =	sadd.s32 s0, s3;
	s0 =	sld [smem:$0x3FA9]  }
0x30: {  	s3 =	sld [smem:$0x3FAC]  }
0x31: {  	[smem:$0x3FB5] =	sst s10  }
0x32: {  	s10 =	sld [smem:$0x3FB3];
	_ =	sdelay $0x3  }
0x33: {  	p0 =	seq.s32 s10, $0x1;
	s10 =	sld [smem:$0x3FB5];
	_ =	sdelay $0x3  }
0x34: {  	[smem:$0x3FB5] =	sst s10  }
0x35: {  	s10 =	sld [smem:$0x3FB4];
	_ =	sdelay $0x3  }
0x36: {  	p1 =	seq.s32 s10, $0x1;
	s10 =	sld [smem:$0x3FB5];
	_ =	sdelay $0x3  }
0x37: {  	[smem:$0x3FB5] =	sst s10  }
0x38: {  	s10 =	sld [smem:$0x3FB6]  }
0x39: {  	_ = 	snop;
	(pc) =	sbr.ind lr, $3  }
0x3a: {  	_ = 	snop  }
0x3b: {  	_ = 	snop  }
0x3c: {  	p2 =	seq.s32 s10, $0x1;
	s10 =	sld [smem:$0x3FB5]  }
0x3d: {  	_ =	shalt  }
0x3e: {  	_ =	shalt  }
0x3f: {  	_ =	shalt  }
0x40: {  	_ =	shalt  }
0x41: {  	_ =	shalt  }
0x42: {  	_ =	shalt  }
0x43: {  	_ =	shalt  }
0x44: {  	_ =	shalt  }
0x45: {  	_ =	shalt  }
0x46: {  	_ =	shalt  }
0x47: {  	_ =	shalt  }
0x48: {  	_ =	shalt  }
0x49: {  	_ =	shalt  }
0x4a: {  	_ =	shalt  }
0x4b: {  	_ =	shalt  }
0x4c: {  	_ =	shalt  }
0x4d: {  	_ =	shalt  }
0x4e: {  	_ =	shalt  }
0x4f: {  	_ =	shalt  }
0x50: {  	_ =	shalt  }
0x51: {  	_ =	shalt  }
0x52: {  	_ =	shalt  }
0x53: {  	_ =	shalt  }
0x54: {  	_ =	shalt  }
0x55: {  	_ =	shalt  }
0x56: {  	_ =	shalt  }
0x57: {  	_ =	shalt  }
0x58: {  	_ =	shalt  }
0x59: {  	_ =	shalt  }
0x5a: {  	_ =	shalt  }
0x5b: {  	_ =	shalt  }
0x5c: {  	_ =	shalt  }
0x5d: {  	_ =	shalt  }
0x5e: {  	_ =	shalt  }
0x5f: {  	_ =	shalt  }
0x60: {  	_ =	shalt  }
0x61: {  	_ =	shalt  }
0x62: {  	_ =	shalt  }
0x63: {  	_ =	shalt  }
0x64: {  	_ =	shalt  }
0x65: {  	_ =	shalt  }
0x66: {  	_ =	shalt  }
0x67: {  	_ =	shalt  }
0x68: {  	_ =	shalt  }
0x69: {  	_ =	shalt  }
0x6a: {  	_ =	shalt  }
0x6b: {  	_ =	shalt  }
0x6c: {  	_ =	shalt  }
0x6d: {  	_ =	shalt  }
0x6e: {  	_ =	shalt  }
0x6f: {  	_ =	shalt  }
0x70: {  	_ =	shalt  }
0x71: {  	_ =	shalt  }
0x72: {  	_ =	shalt  }
0x73: {  	_ =	shalt  }
0x74: {  	_ =	shalt  }
0x75: {  	_ =	shalt  }
0x76: {  	_ =	shalt  }
0x77: {  	_ =	shalt  }
0x78: {  	_ =	shalt  }
0x79: {  	_ =	shalt  }
0x7a: {  	_ =	shalt  }
0x7b: {  	_ =	shalt  }
0x7c: {  	_ =	shalt  }
0x7d: {  	_ =	shalt  }
0x7e: {  	_ =	shalt  }
0x7f: {  	_ =	shalt  }
0x80: {  	_ =	shalt  }
0x81: {  	_ =	shalt  }
0x82: {  	_ =	shalt  }
0x83: {  	_ =	shalt  }
0x84: {  	_ =	shalt  }
0x85: {  	_ =	shalt  }
0x86: {  	_ =	shalt  }
0x87: {  	_ =	shalt  }
.Lfunc_end0:
.L_simem_size_0:
called_computation.3_lowered:
.L_overlay_start_0:
0x88: {  	s2 =	sld [smem:$0x3FD9]  }
0x89: {  	s3 =	sld [smem:$0x3FFE];
	_ =	sdelay $0x1  }
0x8a: {  	s1 =	srdreg.scid  }
0x8b: {  	s0 =	sand.u32 $0x1, s1  }
0x8c: {  	s17 =	sshll.u32 s0, $0xA;
	s2 =	sadd.s32 s3, s2  }
0x8d: {  	s2 =	sadd.s32 s2, s17  }
0x8e: {  	[smem:$0x3FC1] =	sst s2  }
0x8f: {  	_ = 	snop  }
0x90: {  	s2 =	sld [smem:$0x3FD0];
	(tm) =	ssettm $0x1  }
0x91: {  	s18 =	sld [smem:$0x3FFB];
	_ =	sdelay $0x3  }
0x92: {  	_ =	strace s18  }
0x93: {  	s3 =	sld [smem:$0x3FFC];
	_ =	sdelay $0x3  }
0x94: {  	_ =	strace s3  }
0x95: {  	s3 =	sld [smem:$0x3FFD];
	_ =	sdelay $0x3  }
0x96: {  	_ =	strace s3  }
0x97: {  	_ =	strace $0x8FFFFFFF  }
0x98: {  	s19 =	sld [smem:$0x3FDB];
	_ =	sdelay $0x1  }
0x99: {  	s4 =	simm.s32 $_scs_section_size  }
0x9a: {  	s5 =	simm.s32 $_size__tile_overlayer_lowered;
	s6 =	simm.s32 $_tile_overlayer_lowered  }
0x9b: {  	s22 =	simm.s32 $0x1BFF;
	s21 =	sshll.u32 s6, $0x1;
	s3 =	sadd.s32 s4, s19  }
0x9c: {  	s7 =	simm.s32 $0x0;
	s20 =	sshll.u32 s5, $0x1;
	s5 =	sadd.s32 s21, s3  }
0x9d: {  	[timem:s7], [sflag:s22] =	dma.local [hbm:s5], s20  }
0x9e: {  	_ =	swait.ge [sflag:s22], s20  }
0x9f: {  	s4 =	ssub.s32 $0x0, s20;
	[sflag:s22] =	ssyncset.done $0x0  }
0xa0: {  	[sflag:s22] =	ssyncadd.s32 s4;
	_ =	sdelay $0x1  }
0xa1: {  	s23 =	simm.s32 $0x1B8B  }
0xa2: {  	_ =	swait.ge [sflag:s23], $0x1  }
0xa3: {  	[sflag:s23] =	ssyncset.done $0x0  }
0xa4: {  	s25 =	simm.s32 $0x1B8E;
	s24 =	sld [smem:$0x3FFE];
	[sflag:s23] =	ssyncadd.s32 $0xFFFFFFFF  }
0xa5: {  	s26 =	simm.s32 $execute0_lowered;
	[smem:$0x3FD2] =	sst s25  }
0xa6: {  	s5 =	sshll.u32 s26, $0x1;
	_ =	strace $0x8000004F;
	[dreg:$0x1] =	wrdreg $0xFFFFFFFF  }
0xa7: {  	s28 =	simm.s32 $_size_execute0_lowered;
	s3 =	sadd.s32 s3, s5;
	[dreg:$0x0] =	wrdreg $0x0  }
0xa8: {  	s5 =	sshll.u32 s28, $0x1;
	[dreg:$0x2] =	wrdreg s3  }
0xa9: {  	[dreg:$0x3] =	wrdreg s5  }
0xaa: {  	[dreg:$0x4] =	wrdreg $0xC0  }
0xab: {  	_ =	task [dreg:s7], $0x5FFFF  }
0xac: {  	[dreg:$0x1] =	wrdreg $0xFFFFFFFF  }
0xad: {  	[dreg:$0x0] =	wrdreg $0x60  }
0xae: {  	[dreg:$0x2] =	wrdreg s24  }
0xaf: {  	[dreg:$0x3] =	wrdreg s2  }
0xb0: {  	[dreg:$0x4] =	wrdreg $0x9  }
0xb1: {  	_ =	task.clear_ibuf [dreg:s7], $0x5FFFF;
	_ =	strace $0x9000004F  }
0xb2: {  	s29 =	simm.s32 $0x9;
	_ =	strace $0x80000051  }
0xb3: {  	_ =	swait.ge [sflag:s29], $0x1  }
0xb4: {  	[sflag:s29] =	ssyncadd.s32 $0xFFFFFFFF  }
0xb5: {  	_ =	strace $0x90000051  }
0xb6: {  	_ =	sfence  }
0xb7: {  	s30 =	sld [smem:$0x0];
	_ =	sdelay $0x2  }
0xb8: {  	s31 =	sshll.u32 s1, $0xD;
	s1 =	sshrl.u32 s1, $0x2  }
0xb9: {  	s3 =	sand.u32 $0x4000, s31;
	s1 =	sadd.s32 s1, s30  }
0xba: {  	s0 =	sor.u32 s3, s0;
	s1 =	sshll.u32 s1, $0x11  }
0xbb: {  	s0 =	sor.u32 s1, s0  }
0xbc: {  	s0 =	sadd.s32 $0x8F2B, s0  }
0xbd: {  	[sflag:s0] =	ssyncadd.remote.s32 $0x1  }
0xbe: {  	_ =	sfence.sel $0xFFFF  }
0xbf: {  	[dreg:$0x0] =	wrdreg $0xFFFFFFFF;
	(pc) =	sbr.abs _section_cstart, $3  }
0xc0: {  	[dreg:$0x1] =	wrdreg $0xFFFFFFFF  }
0xc1: {  	_ =	task.clear_ibuf [dreg:s7], $0x2FFFF;
	_ =	strace $0x9FFFFFFF  }
0xc2: {  	(tm) =	ssettm $0x7FFFFFFF  }
0xc3: {  	_ =	shalt  }
tec
execute0_lowered:
.L_overlay_start_1:
0x0: {  	(tag) =	ssettag $0x1  }
0x1: {  	s0 =	srdreg.scid  }
0x2: {  	s0 =	sand.u32 $0x1, s0  }
0x3: {  	s11 =	rddreg [dreg:$0x0];
	s2 =	stileid.u32;
	s1 =	sshll.u32 s0, $0x4  }
0x4: {  	s3 =	rddreg [dreg:$0x1];
	s1 =	sor.u32 s2, s1;
	s2 =	simm.s32 $0x0  }
0x5: {  	s5 =	sadd.s32 $0x7200, s11;
	[smem:$0x7FF] =	sst s2  }
0x6: {  	s6 =	sadd.s32 $0x1800, s11;
	_ =	strace $0x80000050;
	[dreg:$0x3] =	wrdreg s5  }
0x7: {  	s10 =	sadd.s32 $0x7700, s11;
	[dreg:$0x4] =	wrdreg s6  }
0x8: {  	s13 =	sadd.s32 $0x1D00, s11;
	[dreg:$0x7] =	wrdreg s10  }
0x9: {  	s14 =	sadd.s32 $0x7C00, s11;
	[dreg:$0x8] =	wrdreg s13  }
0xa: {  	s15 =	sadd.s32 $0x2200, s11;
	[dreg:$0x9] =	wrdreg s14  }
0xb: {  	s16 =	sadd.s32 $0x8100, s11;
	[dreg:$0xa] =	wrdreg s15  }
0xc: {  	s17 =	sadd.s32 $0x2700, s11;
	[dreg:$0xb] =	wrdreg s16  }
0xd: {  	s18 =	sadd.s32 $0x8600, s11;
	[dreg:$0xc] =	wrdreg s17  }
0xe: {  	s19 =	sadd.s32 $0x2C00, s11;
	s20 =	sadd.s32 $0x8B00, s11;
	[dreg:$0xd] =	wrdreg s18  }
0xf: {  	s21 =	sadd.s32 $0x3100, s11;
	s22 =	sadd.s32 $0x9000, s11;
	[dreg:$0xe] =	wrdreg s19  }
0x10: {  	s23 =	sadd.s32 $0x3600, s11;
	s24 =	sadd.s32 $0x9500, s11;
	[dreg:$0xf] =	wrdreg s20  }
0x11: {  	s25 =	sadd.s32 $0x3B00, s11;
	s26 =	sadd.s32 $0x9A00, s11;
	[dreg:$0x10] =	wrdreg s21  }
0x12: {  	s28 =	sadd.s32 $0x4A00, s11;
	s29 =	sadd.s32 $0xA900, s11;
	[dreg:$0x11] =	wrdreg s22  }
0x13: {  	s30 =	sadd.s32 $0x4F00, s11;
	s0 =	ssub.s32 $0x2, s0;
	[dreg:$0x12] =	wrdreg s23  }
0x14: {  	s31 =	sadd.s32 $0xAE00, s11;
	s7 =	sshrl.u32 s0, $0x1;
	[dreg:$0x13] =	wrdreg s24  }
0x15: {  	s1 =	smul.u32 $0x9C4, s1;
	s12 =	ssub.s32 s0, s7;
	[dreg:$0x14] =	wrdreg s25  }
0x16: {  	s0 =	sadd.s32 $0xB300, s11;
	s7 =	sadd.s32 $0x6300, s11;
	[dreg:$0x15] =	wrdreg s26  }
0x17: {  	s23 =	sadd.s32 $0x4000, s11;
	s24 =	sadd.s32 $0x9F00, s11;
	s25 =	sadd.s32 $0x4500, s11  }
0x18: {  	s26 =	sadd.s32 $0xA400, s11;
	s5 =	sadd.s32 $0x5E00, s11;
	s6 =	sadd.s32 $0xBD00, s11  }
0x19: {  	s10 =	sadd.s32 $0xC700, s11;
	s12 =	smax.u32 s12, $0x1;
	s13 =	simm.s32 $0x1  }
0x1a: {  	s14 =	simm.s32 $0xEA60;
	s15 =	simm.s32 $0x11260;
	s4 =	sadd.s32 s1, s11  }
0x1b: {  	s16 =	simm.s32 $0x0;
	s22 =	sadd.s32 s3, s1;
	s8 =	sadd.s32 $0x2E400, s4  }
0x1c: {  	s1 =	sadd.s32 $0x5400, s11;
	s9 =	sadd.s32 $0x1AA00, s4;
	[dreg:$0x5] =	wrdreg s8  }
0x1d: {  	s3 =	sadd.s32 $0x5900, s11;
	s4 =	sadd.s32 $0xB800, s11;
	[dreg:$0x6] =	wrdreg s9  }
0x1e: {  	v0 =	vimm.f32 $0.0e+00;
	s8 =	sadd.s32 $0xC200, s11;
	s9 =	sadd.s32 $0x6800, s11;
	s11 =	sadd.s32 $0x6D00, s11  }
.LBB2_1:
0x1f: {  	s17 =	rddreg [dreg:$0x5]  }
0x20: {  	[tilespmem:s2], [sflag:$0x1] =	stream.linear.gather [hbm4b:s17+s2], $0x4E20, $0x38;
	[tilespmem:$0x13A60] =	vst v63  }
0x21: {  	_ =	swait.ge [sflag:s13], $0x4E20  }
0x22: {  	[sflag:s13] =	ssyncset.done $0x0  }
0x23: {  	s18 =	simm.s32 $0x4E20;
	s21 =	rddreg [dreg:$0x6];
	[sflag:s13] =	ssyncadd.s32 $0xFFFFB1E0  }
0x24: {  	[tilespmem:s18], [sflag:$0x1] =	stream.linear.gather [hbm4b:s21+s2], $0x4E20, $0x38;
	[tilespmem:$0x13A60] =	vst v63  }
0x25: {  	_ =	swait.ge [sflag:s13], $0x4E20  }
0x26: {  	[sflag:s13] =	ssyncset.done $0x0  }
0x27: {  	s17 =	simm.s32 $0x40;
	s18 =	simm.s32 $0x0;
	[sflag:s13] =	ssyncadd.s32 $0xFFFFB1E0  }
.LBB2_2:
0x28: {  	p0 =	sne.s32 s17, $0x13840;
	[tilespmem:s18+$0x9C40] =	vst v0;
	s18 =	smov.u32 s17;
	s17 =	sadd.s32 $0x40, s17  }
.Ltmp0:
0x29: {  	(pc) =	sbr.rel @p0 .LBB2_2-.Ltmp0, $2  }
0x2a: {  	_ =	sdelay $0x2  }
0x2b: {  	s18 =	sshra.s32 s18, $0x2  }
0x2c: {  	[tilespmem:s18+$0x9C40] =	vst v0;
	s17 =	simm.s32 $0x0;
	s20 =	rddreg [dreg:$0x3]  }
0x2d: {  	[tilespmem:s14], [sflag:$0x1] =	stream.linear.gather [hbm4b:s20+s17], $0x2800, $0x38;
	[tilespmem:$0x13A60] =	vst v63  }
0x2e: {  	_ =	swait.ge [sflag:s13], $0x2800  }
0x2f: {  	[sflag:s13] =	ssyncset.done $0x0  }
0x30: {  	s21 =	rddreg [dreg:$0x4];
	[sflag:s13] =	ssyncadd.s32 $0xFFFFD800  }
0x31: {  	[tilespmem:s15], [sflag:$0x1] =	stream.linear.gather [hbm4b:s21+s17], $0x2800, $0x38;
	[tilespmem:$0x13A60] =	vst v63  }
0x32: {  	_ =	swait.ge [sflag:s13], $0x2800  }
0x33: {  	[sflag:s13] =	ssyncset.done $0x0  }
0x34: {  	s17 =	simm.s32 $0x0;
	[sflag:s13] =	ssyncadd.s32 $0xFFFFD800  }
0x35: {  	v1 =	vld [tilespmem:s17+$0x4E20]  }
0x36: {  	v3 =	vld [tilespmem:s17+$0x0];
	_ =	sdelay $0x6  }
0x37: {  	v2 =	vld.idx.msk [tilespmem:v1+s15+$0x0], $0xffff  }
0x38: {  	v3 =	vld.idx.msk [tilespmem:v3+s14+$0x0], $0xffff  }
0x39: {  	s18 =	simm.s32 $0x10;
	v4 =	vld [tilespmem:s17+$0x9C40]  }
0x3a: {  	s19 =	simm.s32 $0x80;
	v1 =	vld [tilespmem:s18+$0x4E20]  }
.LBB2_4:
0x3b: {  	p0 =	sne.s32 s19, $0x13840;
	v5 =	vld [tilespmem:s18+$0x0];
	_ =	sdelay $0x1  }
0x3c: {  	v2 =	vmul.f32 v2, v3;
	_ =	sdelay $0x1  }
0x3d: {  	v2 =	vadd.f32 v2, v4;
	_ =	sdelay $0x1  }
0x3e: {  	[tilespmem:s17+$0x9C40] =	vst v2;
	s17 =	smov.u32 s18  }
.Ltmp1:
0x3f: {  	v2 =	vld.idx.msk [tilespmem:v1+s15+$0x0], $0xffff;
	(pc) =	sbr.rel @p0 .LBB2_4-.Ltmp1, $4  }
0x40: {  	v3 =	vld.idx.msk [tilespmem:v5+s14+$0x0], $0xffff  }
0x41: {  	s18 =	sshra.s32 s19, $0x2  }
0x42: {  	v1 =	vld [tilespmem:s18+$0x4E20]  }
0x43: {  	s19 =	sadd.s32 $0x40, s19;
	v4 =	vld [tilespmem:s17+$0x9C40]  }
0x44: {  	v5 =	vld [tilespmem:s18+$0x0];
	_ =	sdelay $0x1  }
0x45: {  	v2 =	vmul.f32 v2, v3;
	_ =	sdelay $0x1  }
0x46: {  	v2 =	vadd.f32 v2, v4;
	_ =	sdelay $0x1  }
0x47: {  	[tilespmem:s17+$0x9C40] =	vst v2  }
0x48: {  	v1 =	vld.idx.msk [tilespmem:v1+s15+$0x0], $0xffff  }
0x49: {  	v2 =	vld.idx.msk [tilespmem:v5+s14+$0x0], $0xffff;
	_ =	sdelay $0x1  }
0x4a: {  	v3 =	vld [tilespmem:s18+$0x9C40];
	_ =	sdelay $0x2  }
0x4b: {  	v1 =	vmul.f32 v1, v2;
	_ =	sdelay $0x1  }
0x4c: {  	v1 =	vadd.f32 v1, v3;
	_ =	sdelay $0x1  }
0x4d: {  	s19 =	simm.s32 $0x0;
	s20 =	rddreg [dreg:$0x7];
	[tilespmem:s18+$0x9C40] =	vst v1  }
0x4e: {  	[tilespmem:s14], [sflag:$0x1] =	stream.linear.gather [hbm4b:s20+s19], $0x2800, $0x38;
	[tilespmem:$0x13A60] =	vst v63  }
0x4f: {  	_ =	swait.ge [sflag:s13], $0x2800  }
0x50: {  	[sflag:s13] =	ssyncset.done $0x0  }
0x51: {  	s21 =	rddreg [dreg:$0x8];
	[sflag:s13] =	ssyncadd.s32 $0xFFFFD800  }
0x52: {  	[tilespmem:s15], [sflag:$0x1] =	stream.linear.gather [hbm4b:s21+s19], $0x2800, $0x38;
	[tilespmem:$0x13A60] =	vst v63  }
0x53: {  	_ =	swait.ge [sflag:s13], $0x2800  }
0x54: {  	[sflag:s13] =	ssyncset.done $0x0  }
0x55: {  	s17 =	simm.s32 $0x0;
	[sflag:s13] =	ssyncadd.s32 $0xFFFFD800  }
0x56: {  	v1 =	vld [tilespmem:s17+$0x4E20]  }
0x57: {  	v3 =	vld [tilespmem:s17+$0x0];
	_ =	sdelay $0x6  }
0x58: {  	v2 =	vld.idx.msk [tilespmem:v1+s15+$0x0], $0xffff  }
0x59: {  	v3 =	vld.idx.msk [tilespmem:v3+s14+$0x0], $0xffff  }
0x5a: {  	s18 =	simm.s32 $0x10;
	v4 =	vld [tilespmem:s17+$0x9C40]  }
0x5b: {  	s19 =	simm.s32 $0x80;
	v1 =	vld [tilespmem:s18+$0x4E20]  }
.LBB2_6:
0x5c: {  	p0 =	sne.s32 s19, $0x13840;
	v5 =	vld [tilespmem:s18+$0x0];
	_ =	sdelay $0x1  }
0x5d: {  	v2 =	vmul.f32 v2, v3;
	_ =	sdelay $0x1  }
0x5e: {  	v2 =	vadd.f32 v2, v4;
	_ =	sdelay $0x1  }
0x5f: {  	[tilespmem:s17+$0x9C40] =	vst v2;
	s17 =	smov.u32 s18  }
.Ltmp2:
0x60: {  	v2 =	vld.idx.msk [tilespmem:v1+s15+$0x0], $0xffff;
	(pc) =	sbr.rel @p0 .LBB2_6-.Ltmp2, $4  }
0x61: {  	v3 =	vld.idx.msk [tilespmem:v5+s14+$0x0], $0xffff  }
0x62: {  	s18 =	sshra.s32 s19, $0x2  }
0x63: {  	v1 =	vld [tilespmem:s18+$0x4E20]  }
0x64: {  	s19 =	sadd.s32 $0x40, s19;
	v4 =	vld [tilespmem:s17+$0x9C40]  }
0x65: {  	v5 =	vld [tilespmem:s18+$0x0];
	_ =	sdelay $0x1  }
0x66: {  	v2 =	vmul.f32 v2, v3;
	_ =	sdelay $0x1  }
0x67: {  	v2 =	vadd.f32 v2, v4;
	_ =	sdelay $0x1  }
0x68: {  	[tilespmem:s17+$0x9C40] =	vst v2  }
0x69: {  	v1 =	vld.idx.msk [tilespmem:v1+s15+$0x0], $0xffff  }
0x6a: {  	v2 =	vld.idx.msk [tilespmem:v5+s14+$0x0], $0xffff;
	_ =	sdelay $0x1  }
0x6b: {  	v3 =	vld [tilespmem:s18+$0x9C40];
	_ =	sdelay $0x2  }
0x6c: {  	v1 =	vmul.f32 v1, v2;
	_ =	sdelay $0x1  }
0x6d: {  	v1 =	vadd.f32 v1, v3;
	_ =	sdelay $0x1  }
0x6e: {  	s19 =	simm.s32 $0x0;
	s20 =	rddreg [dreg:$0x9];
	[tilespmem:s18+$0x9C40] =	vst v1  }
0x6f: {  	[tilespmem:s14], [sflag:$0x1] =	stream.linear.gather [hbm4b:s20+s19], $0x2800, $0x38;
	[tilespmem:$0x13A60] =	vst v63  }
0x70: {  	_ =	swait.ge [sflag:s13], $0x2800  }
0x71: {  	[sflag:s13] =	ssyncset.done $0x0  }
0x72: {  	s21 =	rddreg [dreg:$0xa];
	[sflag:s13] =	ssyncadd.s32 $0xFFFFD800  }
0x73: {  	[tilespmem:s15], [sflag:$0x1] =	stream.linear.gather [hbm4b:s21+s19], $0x2800, $0x38;
	[tilespmem:$0x13A60] =	vst v63  }
0x74: {  	_ =	swait.ge [sflag:s13], $0x2800  }
0x75: {  	[sflag:s13] =	ssyncset.done $0x0  }
0x76: {  	s17 =	simm.s32 $0x0;
	[sflag:s13] =	ssyncadd.s32 $0xFFFFD800  }
0x77: {  	v1 =	vld [tilespmem:s17+$0x4E20]  }
0x78: {  	v3 =	vld [tilespmem:s17+$0x0];
	_ =	sdelay $0x6  }
0x79: {  	v2 =	vld.idx.msk [tilespmem:v1+s15+$0x0], $0xffff  }
0x7a: {  	v3 =	vld.idx.msk [tilespmem:v3+s14+$0x0], $0xffff  }
0x7b: {  	s18 =	simm.s32 $0x10;
	v4 =	vld [tilespmem:s17+$0x9C40]  }
0x7c: {  	s19 =	simm.s32 $0x80;
	v1 =	vld [tilespmem:s18+$0x4E20]  }
.LBB2_8:
0x7d: {  	p0 =	sne.s32 s19, $0x13840;
	v5 =	vld [tilespmem:s18+$0x0];
	_ =	sdelay $0x1  }
0x7e: {  	v2 =	vmul.f32 v2, v3;
	_ =	sdelay $0x1  }
0x7f: {  	v2 =	vadd.f32 v2, v4;
	_ =	sdelay $0x1  }
0x80: {  	[tilespmem:s17+$0x9C40] =	vst v2;
	s17 =	smov.u32 s18  }
.Ltmp3:
0x81: {  	v2 =	vld.idx.msk [tilespmem:v1+s15+$0x0], $0xffff;
	(pc) =	sbr.rel @p0 .LBB2_8-.Ltmp3, $4  }
0x82: {  	v3 =	vld.idx.msk [tilespmem:v5+s14+$0x0], $0xffff  }
0x83: {  	s18 =	sshra.s32 s19, $0x2  }
0x84: {  	v1 =	vld [tilespmem:s18+$0x4E20]  }
0x85: {  	s19 =	sadd.s32 $0x40, s19;
	v4 =	vld [tilespmem:s17+$0x9C40]  }
0x86: {  	v5 =	vld [tilespmem:s18+$0x0];
	_ =	sdelay $0x1  }
0x87: {  	v2 =	vmul.f32 v2, v3;
	_ =	sdelay $0x1  }
0x88: {  	v2 =	vadd.f32 v2, v4;
	_ =	sdelay $0x1  }
0x89: {  	[tilespmem:s17+$0x9C40] =	vst v2  }
0x8a: {  	v1 =	vld.idx.msk [tilespmem:v1+s15+$0x0], $0xffff  }
0x8b: {  	v2 =	vld.idx.msk [tilespmem:v5+s14+$0x0], $0xffff;
	_ =	sdelay $0x1  }
0x8c: {  	v3 =	vld [tilespmem:s18+$0x9C40];
	_ =	sdelay $0x2  }
0x8d: {  	v1 =	vmul.f32 v1, v2;
	_ =	sdelay $0x1  }
0x8e: {  	v1 =	vadd.f32 v1, v3;
	_ =	sdelay $0x1  }
0x8f: {  	s19 =	simm.s32 $0x0;
	s20 =	rddreg [dreg:$0xb];
	[tilespmem:s18+$0x9C40] =	vst v1  }
0x90: {  	[tilespmem:s14], [sflag:$0x1] =	stream.linear.gather [hbm4b:s20+s19], $0x2800, $0x38;
	[tilespmem:$0x13A60] =	vst v63  }
0x91: {  	_ =	swait.ge [sflag:s13], $0x2800  }
0x92: {  	[sflag:s13] =	ssyncset.done $0x0  }
0x93: {  	s21 =	rddreg [dreg:$0xc];
	[sflag:s13] =	ssyncadd.s32 $0xFFFFD800  }
0x94: {  	[tilespmem:s15], [sflag:$0x1] =	stream.linear.gather [hbm4b:s21+s19], $0x2800, $0x38;
	[tilespmem:$0x13A60] =	vst v63  }
0x95: {  	_ =	swait.ge [sflag:s13], $0x2800  }
0x96: {  	[sflag:s13] =	ssyncset.done $0x0  }
0x97: {  	s17 =	simm.s32 $0x0;
	[sflag:s13] =	ssyncadd.s32 $0xFFFFD800  }
0x98: {  	v1 =	vld [tilespmem:s17+$0x4E20]  }
0x99: {  	v3 =	vld [tilespmem:s17+$0x0];
	_ =	sdelay $0x6  }
0x9a: {  	v2 =	vld.idx.msk [tilespmem:v1+s15+$0x0], $0xffff  }
0x9b: {  	v3 =	vld.idx.msk [tilespmem:v3+s14+$0x0], $0xffff  }
0x9c: {  	s18 =	simm.s32 $0x10;
	v4 =	vld [tilespmem:s17+$0x9C40]  }
0x9d: {  	s19 =	simm.s32 $0x80;
	v1 =	vld [tilespmem:s18+$0x4E20]  }
.LBB2_10:
0x9e: {  	p0 =	sne.s32 s19, $0x13840;
	v5 =	vld [tilespmem:s18+$0x0];
	_ =	sdelay $0x1  }
0x9f: {  	v2 =	vmul.f32 v2, v3;
	_ =	sdelay $0x1  }
0xa0: {  	v2 =	vadd.f32 v2, v4;
	_ =	sdelay $0x1  }
0xa1: {  	[tilespmem:s17+$0x9C40] =	vst v2;
	s17 =	smov.u32 s18  }
.Ltmp4:
0xa2: {  	v2 =	vld.idx.msk [tilespmem:v1+s15+$0x0], $0xffff;
	(pc) =	sbr.rel @p0 .LBB2_10-.Ltmp4, $4  }
0xa3: {  	v3 =	vld.idx.msk [tilespmem:v5+s14+$0x0], $0xffff  }
0xa4: {  	s18 =	sshra.s32 s19, $0x2  }
0xa5: {  	v1 =	vld [tilespmem:s18+$0x4E20]  }
0xa6: {  	s19 =	sadd.s32 $0x40, s19;
	v4 =	vld [tilespmem:s17+$0x9C40]  }
0xa7: {  	v5 =	vld [tilespmem:s18+$0x0];
	_ =	sdelay $0x1  }
0xa8: {  	v2 =	vmul.f32 v2, v3;
	_ =	sdelay $0x1  }
0xa9: {  	v2 =	vadd.f32 v2, v4;
	_ =	sdelay $0x1  }
0xaa: {  	[tilespmem:s17+$0x9C40] =	vst v2  }
0xab: {  	v1 =	vld.idx.msk [tilespmem:v1+s15+$0x0], $0xffff  }
0xac: {  	v2 =	vld.idx.msk [tilespmem:v5+s14+$0x0], $0xffff;
	_ =	sdelay $0x1  }
0xad: {  	v3 =	vld [tilespmem:s18+$0x9C40];
	_ =	sdelay $0x2  }
0xae: {  	v1 =	vmul.f32 v1, v2;
	_ =	sdelay $0x1  }
0xaf: {  	v1 =	vadd.f32 v1, v3;
	_ =	sdelay $0x1  }
0xb0: {  	s19 =	simm.s32 $0x0;
	s20 =	rddreg [dreg:$0xd];
	[tilespmem:s18+$0x9C40] =	vst v1  }
0xb1: {  	[tilespmem:s14], [sflag:$0x1] =	stream.linear.gather [hbm4b:s20+s19], $0x2800, $0x38;
	[tilespmem:$0x13A60] =	vst v63  }
0xb2: {  	_ =	swait.ge [sflag:s13], $0x2800  }
0xb3: {  	[sflag:s13] =	ssyncset.done $0x0  }
0xb4: {  	s21 =	rddreg [dreg:$0xe];
	[sflag:s13] =	ssyncadd.s32 $0xFFFFD800  }
0xb5: {  	[tilespmem:s15], [sflag:$0x1] =	stream.linear.gather [hbm4b:s21+s19], $0x2800, $0x38;
	[tilespmem:$0x13A60] =	vst v63  }
0xb6: {  	_ =	swait.ge [sflag:s13], $0x2800  }
0xb7: {  	[sflag:s13] =	ssyncset.done $0x0  }
0xb8: {  	s17 =	simm.s32 $0x0;
	[sflag:s13] =	ssyncadd.s32 $0xFFFFD800  }
0xb9: {  	v1 =	vld [tilespmem:s17+$0x4E20]  }
0xba: {  	v3 =	vld [tilespmem:s17+$0x0];
	_ =	sdelay $0x6  }
0xbb: {  	v2 =	vld.idx.msk [tilespmem:v1+s15+$0x0], $0xffff  }
0xbc: {  	v3 =	vld.idx.msk [tilespmem:v3+s14+$0x0], $0xffff  }
0xbd: {  	s18 =	simm.s32 $0x10;
	v4 =	vld [tilespmem:s17+$0x9C40]  }
0xbe: {  	s19 =	simm.s32 $0x80;
	v1 =	vld [tilespmem:s18+$0x4E20]  }
.LBB2_12:
0xbf: {  	p0 =	sne.s32 s19, $0x13840;
	v5 =	vld [tilespmem:s18+$0x0];
	_ =	sdelay $0x1  }
0xc0: {  	v2 =	vmul.f32 v2, v3;
	_ =	sdelay $0x1  }
0xc1: {  	v2 =	vadd.f32 v2, v4;
	_ =	sdelay $0x1  }
0xc2: {  	[tilespmem:s17+$0x9C40] =	vst v2;
	s17 =	smov.u32 s18  }
.Ltmp5:
0xc3: {  	v2 =	vld.idx.msk [tilespmem:v1+s15+$0x0], $0xffff;
	(pc) =	sbr.rel @p0 .LBB2_12-.Ltmp5, $4  }
0xc4: {  	v3 =	vld.idx.msk [tilespmem:v5+s14+$0x0], $0xffff  }
0xc5: {  	s18 =	sshra.s32 s19, $0x2  }
0xc6: {  	v1 =	vld [tilespmem:s18+$0x4E20]  }
0xc7: {  	s19 =	sadd.s32 $0x40, s19;
	v4 =	vld [tilespmem:s17+$0x9C40]  }
0xc8: {  	v5 =	vld [tilespmem:s18+$0x0];
	_ =	sdelay $0x1  }
0xc9: {  	v2 =	vmul.f32 v2, v3;
	_ =	sdelay $0x1  }
0xca: {  	v2 =	vadd.f32 v2, v4;
	_ =	sdelay $0x1  }
0xcb: {  	[tilespmem:s17+$0x9C40] =	vst v2  }
0xcc: {  	v1 =	vld.idx.msk [tilespmem:v1+s15+$0x0], $0xffff  }
0xcd: {  	v2 =	vld.idx.msk [tilespmem:v5+s14+$0x0], $0xffff;
	_ =	sdelay $0x1  }
0xce: {  	v3 =	vld [tilespmem:s18+$0x9C40];
	_ =	sdelay $0x2  }
0xcf: {  	v1 =	vmul.f32 v1, v2;
	_ =	sdelay $0x1  }
0xd0: {  	v1 =	vadd.f32 v1, v3;
	_ =	sdelay $0x1  }
0xd1: {  	s19 =	simm.s32 $0x0;
	s20 =	rddreg [dreg:$0xf];
	[tilespmem:s18+$0x9C40] =	vst v1  }
0xd2: {  	[tilespmem:s14], [sflag:$0x1] =	stream.linear.gather [hbm4b:s20+s19], $0x2800, $0x38;
	[tilespmem:$0x13A60] =	vst v63  }
0xd3: {  	_ =	swait.ge [sflag:s13], $0x2800  }
0xd4: {  	[sflag:s13] =	ssyncset.done $0x0  }
0xd5: {  	s21 =	rddreg [dreg:$0x10];
	[sflag:s13] =	ssyncadd.s32 $0xFFFFD800  }
0xd6: {  	[tilespmem:s15], [sflag:$0x1] =	stream.linear.gather [hbm4b:s21+s19], $0x2800, $0x38;
	[tilespmem:$0x13A60] =	vst v63  }
0xd7: {  	_ =	swait.ge [sflag:s13], $0x2800  }
0xd8: {  	[sflag:s13] =	ssyncset.done $0x0  }
0xd9: {  	s17 =	simm.s32 $0x0;
	[sflag:s13] =	ssyncadd.s32 $0xFFFFD800  }
0xda: {  	v1 =	vld [tilespmem:s17+$0x4E20]  }
0xdb: {  	v3 =	vld [tilespmem:s17+$0x0];
	_ =	sdelay $0x6  }
0xdc: {  	v2 =	vld.idx.msk [tilespmem:v1+s15+$0x0], $0xffff  }
0xdd: {  	v3 =	vld.idx.msk [tilespmem:v3+s14+$0x0], $0xffff  }
0xde: {  	s18 =	simm.s32 $0x10;
	v4 =	vld [tilespmem:s17+$0x9C40]  }
0xdf: {  	s19 =	simm.s32 $0x80;
	v1 =	vld [tilespmem:s18+$0x4E20]  }
.LBB2_14:
0xe0: {  	p0 =	sne.s32 s19, $0x13840;
	v5 =	vld [tilespmem:s18+$0x0];
	_ =	sdelay $0x1  }
0xe1: {  	v2 =	vmul.f32 v2, v3;
	_ =	sdelay $0x1  }
0xe2: {  	v2 =	vadd.f32 v2, v4;
	_ =	sdelay $0x1  }
0xe3: {  	[tilespmem:s17+$0x9C40] =	vst v2;
	s17 =	smov.u32 s18  }
.Ltmp6:
0xe4: {  	v2 =	vld.idx.msk [tilespmem:v1+s15+$0x0], $0xffff;
	(pc) =	sbr.rel @p0 .LBB2_14-.Ltmp6, $4  }
0xe5: {  	v3 =	vld.idx.msk [tilespmem:v5+s14+$0x0], $0xffff  }
0xe6: {  	s18 =	sshra.s32 s19, $0x2  }
0xe7: {  	v1 =	vld [tilespmem:s18+$0x4E20]  }
0xe8: {  	s19 =	sadd.s32 $0x40, s19;
	v4 =	vld [tilespmem:s17+$0x9C40]  }
0xe9: {  	v5 =	vld [tilespmem:s18+$0x0];
	_ =	sdelay $0x1  }
0xea: {  	v2 =	vmul.f32 v2, v3;
	_ =	sdelay $0x1  }
0xeb: {  	v2 =	vadd.f32 v2, v4;
	_ =	sdelay $0x1  }
0xec: {  	[tilespmem:s17+$0x9C40] =	vst v2  }
0xed: {  	v1 =	vld.idx.msk [tilespmem:v1+s15+$0x0], $0xffff  }
0xee: {  	v2 =	vld.idx.msk [tilespmem:v5+s14+$0x0], $0xffff;
	_ =	sdelay $0x1  }
0xef: {  	v3 =	vld [tilespmem:s18+$0x9C40];
	_ =	sdelay $0x2  }
0xf0: {  	v1 =	vmul.f32 v1, v2;
	_ =	sdelay $0x1  }
0xf1: {  	v1 =	vadd.f32 v1, v3;
	_ =	sdelay $0x1  }
0xf2: {  	s19 =	simm.s32 $0x0;
	s20 =	rddreg [dreg:$0x11];
	[tilespmem:s18+$0x9C40] =	vst v1  }
0xf3: {  	[tilespmem:s14], [sflag:$0x1] =	stream.linear.gather [hbm4b:s20+s19], $0x2800, $0x38;
	[tilespmem:$0x13A60] =	vst v63  }
0xf4: {  	_ =	swait.ge [sflag:s13], $0x2800  }
0xf5: {  	[sflag:s13] =	ssyncset.done $0x0  }
0xf6: {  	s21 =	rddreg [dreg:$0x12];
	[sflag:s13] =	ssyncadd.s32 $0xFFFFD800  }
0xf7: {  	[tilespmem:s15], [sflag:$0x1] =	stream.linear.gather [hbm4b:s21+s19], $0x2800, $0x38;
	[tilespmem:$0x13A60] =	vst v63  }
0xf8: {  	_ =	swait.ge [sflag:s13], $0x2800  }
0xf9: {  	[sflag:s13] =	ssyncset.done $0x0  }
0xfa: {  	s17 =	simm.s32 $0x0;
	[sflag:s13] =	ssyncadd.s32 $0xFFFFD800  }
0xfb: {  	v1 =	vld [tilespmem:s17+$0x4E20]  }
0xfc: {  	v3 =	vld [tilespmem:s17+$0x0];
	_ =	sdelay $0x6  }
0xfd: {  	v2 =	vld.idx.msk [tilespmem:v1+s15+$0x0], $0xffff  }
0xfe: {  	v3 =	vld.idx.msk [tilespmem:v3+s14+$0x0], $0xffff  }
0xff: {  	s18 =	simm.s32 $0x10;
	v4 =	vld [tilespmem:s17+$0x9C40]  }
0x100: {  	s19 =	simm.s32 $0x80;
	v1 =	vld [tilespmem:s18+$0x4E20]  }
.LBB2_16:
0x101: {  	p0 =	sne.s32 s19, $0x13840;
	v5 =	vld [tilespmem:s18+$0x0];
	_ =	sdelay $0x1  }
0x102: {  	v2 =	vmul.f32 v2, v3;
	_ =	sdelay $0x1  }
0x103: {  	v2 =	vadd.f32 v2, v4;
	_ =	sdelay $0x1  }
0x104: {  	[tilespmem:s17+$0x9C40] =	vst v2;
	s17 =	smov.u32 s18  }
.Ltmp7:
0x105: {  	v2 =	vld.idx.msk [tilespmem:v1+s15+$0x0], $0xffff;
	(pc) =	sbr.rel @p0 .LBB2_16-.Ltmp7, $4  }
0x106: {  	v3 =	vld.idx.msk [tilespmem:v5+s14+$0x0], $0xffff  }
0x107: {  	s18 =	sshra.s32 s19, $0x2  }
0x108: {  	v1 =	vld [tilespmem:s18+$0x4E20]  }
0x109: {  	s19 =	sadd.s32 $0x40, s19;
	v4 =	vld [tilespmem:s17+$0x9C40]  }
0x10a: {  	v5 =	vld [tilespmem:s18+$0x0];
	_ =	sdelay $0x1  }
0x10b: {  	v2 =	vmul.f32 v2, v3;
	_ =	sdelay $0x1  }
0x10c: {  	v2 =	vadd.f32 v2, v4;
	_ =	sdelay $0x1  }
0x10d: {  	[tilespmem:s17+$0x9C40] =	vst v2  }
0x10e: {  	v1 =	vld.idx.msk [tilespmem:v1+s15+$0x0], $0xffff  }
0x10f: {  	v2 =	vld.idx.msk [tilespmem:v5+s14+$0x0], $0xffff;
	_ =	sdelay $0x1  }
0x110: {  	v3 =	vld [tilespmem:s18+$0x9C40];
	_ =	sdelay $0x2  }
0x111: {  	v1 =	vmul.f32 v1, v2;
	_ =	sdelay $0x1  }
0x112: {  	v1 =	vadd.f32 v1, v3;
	_ =	sdelay $0x1  }
0x113: {  	s19 =	simm.s32 $0x0;
	s20 =	rddreg [dreg:$0x13];
	[tilespmem:s18+$0x9C40] =	vst v1  }
0x114: {  	[tilespmem:s14], [sflag:$0x1] =	stream.linear.gather [hbm4b:s20+s19], $0x2800, $0x38;
	[tilespmem:$0x13A60] =	vst v63  }
0x115: {  	_ =	swait.ge [sflag:s13], $0x2800  }
0x116: {  	[sflag:s13] =	ssyncset.done $0x0  }
0x117: {  	s21 =	rddreg [dreg:$0x14];
	[sflag:s13] =	ssyncadd.s32 $0xFFFFD800  }
0x118: {  	[tilespmem:s15], [sflag:$0x1] =	stream.linear.gather [hbm4b:s21+s19], $0x2800, $0x38;
	[tilespmem:$0x13A60] =	vst v63  }
0x119: {  	_ =	swait.ge [sflag:s13], $0x2800  }
0x11a: {  	[sflag:s13] =	ssyncset.done $0x0  }
0x11b: {  	s17 =	simm.s32 $0x0;
	[sflag:s13] =	ssyncadd.s32 $0xFFFFD800  }
0x11c: {  	v1 =	vld [tilespmem:s17+$0x4E20]  }
0x11d: {  	v3 =	vld [tilespmem:s17+$0x0];
	_ =	sdelay $0x6  }
0x11e: {  	v2 =	vld.idx.msk [tilespmem:v1+s15+$0x0], $0xffff  }
0x11f: {  	v3 =	vld.idx.msk [tilespmem:v3+s14+$0x0], $0xffff  }
0x120: {  	s18 =	simm.s32 $0x10;
	v4 =	vld [tilespmem:s17+$0x9C40]  }
0x121: {  	s19 =	simm.s32 $0x80;
	v1 =	vld [tilespmem:s18+$0x4E20]  }
.LBB2_18:
0x122: {  	p0 =	sne.s32 s19, $0x13840;
	v5 =	vld [tilespmem:s18+$0x0];
	_ =	sdelay $0x1  }
0x123: {  	v2 =	vmul.f32 v2, v3;
	_ =	sdelay $0x1  }
0x124: {  	v2 =	vadd.f32 v2, v4;
	_ =	sdelay $0x1  }
0x125: {  	[tilespmem:s17+$0x9C40] =	vst v2;
	s17 =	smov.u32 s18  }
.Ltmp8:
0x126: {  	v2 =	vld.idx.msk [tilespmem:v1+s15+$0x0], $0xffff;
	(pc) =	sbr.rel @p0 .LBB2_18-.Ltmp8, $4  }
0x127: {  	v3 =	vld.idx.msk [tilespmem:v5+s14+$0x0], $0xffff  }
0x128: {  	s18 =	sshra.s32 s19, $0x2  }
0x129: {  	v1 =	vld [tilespmem:s18+$0x4E20]  }
0x12a: {  	s19 =	sadd.s32 $0x40, s19;
	v4 =	vld [tilespmem:s17+$0x9C40]  }
0x12b: {  	v5 =	vld [tilespmem:s18+$0x0];
	_ =	sdelay $0x1  }
0x12c: {  	v2 =	vmul.f32 v2, v3;
	_ =	sdelay $0x1  }
0x12d: {  	v2 =	vadd.f32 v2, v4;
	_ =	sdelay $0x1  }
0x12e: {  	[tilespmem:s17+$0x9C40] =	vst v2  }
0x12f: {  	v1 =	vld.idx.msk [tilespmem:v1+s15+$0x0], $0xffff  }
0x130: {  	v2 =	vld.idx.msk [tilespmem:v5+s14+$0x0], $0xffff;
	_ =	sdelay $0x1  }
0x131: {  	v3 =	vld [tilespmem:s18+$0x9C40];
	_ =	sdelay $0x2  }
0x132: {  	v1 =	vmul.f32 v1, v2;
	_ =	sdelay $0x1  }
0x133: {  	v1 =	vadd.f32 v1, v3;
	_ =	sdelay $0x1  }
0x134: {  	s20 =	simm.s32 $0x0;
	s21 =	rddreg [dreg:$0x15];
	[tilespmem:s18+$0x9C40] =	vst v1  }
0x135: {  	[tilespmem:s14], [sflag:$0x1] =	stream.linear.gather [hbm4b:s21+s20], $0x2800, $0x38;
	[tilespmem:$0x13A60] =	vst v63  }
0x136: {  	_ =	swait.ge [sflag:s13], $0x2800  }
0x137: {  	[sflag:s13] =	ssyncset.done $0x0  }
0x138: {  	[sflag:s13] =	ssyncadd.s32 $0xFFFFD800  }
0x139: {  	[tilespmem:s15], [sflag:$0x1] =	stream.linear.gather [hbm4b:s23+s20], $0x2800, $0x38;
	[tilespmem:$0x13A60] =	vst v63  }
0x13a: {  	_ =	swait.ge [sflag:s13], $0x2800  }
0x13b: {  	[sflag:s13] =	ssyncset.done $0x0  }
0x13c: {  	s17 =	simm.s32 $0x0;
	[sflag:s13] =	ssyncadd.s32 $0xFFFFD800  }
0x13d: {  	v1 =	vld [tilespmem:s17+$0x4E20]  }
0x13e: {  	v3 =	vld [tilespmem:s17+$0x0];
	_ =	sdelay $0x6  }
0x13f: {  	v2 =	vld.idx.msk [tilespmem:v1+s15+$0x0], $0xffff  }
0x140: {  	v3 =	vld.idx.msk [tilespmem:v3+s14+$0x0], $0xffff  }
0x141: {  	s18 =	simm.s32 $0x10;
	v4 =	vld [tilespmem:s17+$0x9C40]  }
0x142: {  	s19 =	simm.s32 $0x80;
	v1 =	vld [tilespmem:s18+$0x4E20]  }
.LBB2_20:
0x143: {  	p0 =	sne.s32 s19, $0x13840;
	v5 =	vld [tilespmem:s18+$0x0];
	_ =	sdelay $0x1  }
0x144: {  	v2 =	vmul.f32 v2, v3;
	_ =	sdelay $0x1  }
0x145: {  	v2 =	vadd.f32 v2, v4;
	_ =	sdelay $0x1  }
0x146: {  	[tilespmem:s17+$0x9C40] =	vst v2;
	s17 =	smov.u32 s18  }
.Ltmp9:
0x147: {  	v2 =	vld.idx.msk [tilespmem:v1+s15+$0x0], $0xffff;
	(pc) =	sbr.rel @p0 .LBB2_20-.Ltmp9, $4  }
0x148: {  	v3 =	vld.idx.msk [tilespmem:v5+s14+$0x0], $0xffff  }
0x149: {  	s18 =	sshra.s32 s19, $0x2  }
0x14a: {  	v1 =	vld [tilespmem:s18+$0x4E20]  }
0x14b: {  	s19 =	sadd.s32 $0x40, s19;
	v4 =	vld [tilespmem:s17+$0x9C40]  }
0x14c: {  	v5 =	vld [tilespmem:s18+$0x0];
	_ =	sdelay $0x1  }
0x14d: {  	v2 =	vmul.f32 v2, v3;
	_ =	sdelay $0x1  }
0x14e: {  	v2 =	vadd.f32 v2, v4;
	_ =	sdelay $0x1  }
0x14f: {  	[tilespmem:s17+$0x9C40] =	vst v2  }
0x150: {  	v1 =	vld.idx.msk [tilespmem:v1+s15+$0x0], $0xffff  }
0x151: {  	v2 =	vld.idx.msk [tilespmem:v5+s14+$0x0], $0xffff;
	_ =	sdelay $0x1  }
0x152: {  	v3 =	vld [tilespmem:s18+$0x9C40];
	_ =	sdelay $0x2  }
0x153: {  	v1 =	vmul.f32 v1, v2;
	_ =	sdelay $0x1  }
0x154: {  	v1 =	vadd.f32 v1, v3;
	_ =	sdelay $0x1  }
0x155: {  	s21 =	simm.s32 $0x0;
	[tilespmem:s18+$0x9C40] =	vst v1  }
0x156: {  	[tilespmem:s14], [sflag:$0x1] =	stream.linear.gather [hbm4b:s24+s21], $0x2800, $0x38;
	[tilespmem:$0x13A60] =	vst v63  }
0x157: {  	_ =	swait.ge [sflag:s13], $0x2800  }
0x158: {  	[sflag:s13] =	ssyncset.done $0x0  }
0x159: {  	[sflag:s13] =	ssyncadd.s32 $0xFFFFD800  }
0x15a: {  	[tilespmem:s15], [sflag:$0x1] =	stream.linear.gather [hbm4b:s25+s21], $0x2800, $0x38;
	[tilespmem:$0x13A60] =	vst v63  }
0x15b: {  	_ =	swait.ge [sflag:s13], $0x2800  }
0x15c: {  	[sflag:s13] =	ssyncset.done $0x0  }
0x15d: {  	s17 =	simm.s32 $0x0;
	[sflag:s13] =	ssyncadd.s32 $0xFFFFD800  }
0x15e: {  	v1 =	vld [tilespmem:s17+$0x4E20]  }
0x15f: {  	v3 =	vld [tilespmem:s17+$0x0];
	_ =	sdelay $0x6  }
0x160: {  	v2 =	vld.idx.msk [tilespmem:v1+s15+$0x0], $0xffff  }
0x161: {  	v3 =	vld.idx.msk [tilespmem:v3+s14+$0x0], $0xffff  }
0x162: {  	s18 =	simm.s32 $0x10;
	v4 =	vld [tilespmem:s17+$0x9C40]  }
0x163: {  	s19 =	simm.s32 $0x80;
	v1 =	vld [tilespmem:s18+$0x4E20]  }
.LBB2_22:
0x164: {  	p0 =	sne.s32 s19, $0x13840;
	v5 =	vld [tilespmem:s18+$0x0];
	_ =	sdelay $0x1  }
0x165: {  	v2 =	vmul.f32 v2, v3;
	_ =	sdelay $0x1  }
0x166: {  	v2 =	vadd.f32 v2, v4;
	_ =	sdelay $0x1  }
0x167: {  	[tilespmem:s17+$0x9C40] =	vst v2;
	s17 =	smov.u32 s18  }
.Ltmp10:
0x168: {  	v2 =	vld.idx.msk [tilespmem:v1+s15+$0x0], $0xffff;
	(pc) =	sbr.rel @p0 .LBB2_22-.Ltmp10, $4  }
0x169: {  	v3 =	vld.idx.msk [tilespmem:v5+s14+$0x0], $0xffff  }
0x16a: {  	s18 =	sshra.s32 s19, $0x2  }
0x16b: {  	v1 =	vld [tilespmem:s18+$0x4E20]  }
0x16c: {  	s19 =	sadd.s32 $0x40, s19;
	v4 =	vld [tilespmem:s17+$0x9C40]  }
0x16d: {  	v5 =	vld [tilespmem:s18+$0x0];
	_ =	sdelay $0x1  }
0x16e: {  	v2 =	vmul.f32 v2, v3;
	_ =	sdelay $0x1  }
0x16f: {  	v2 =	vadd.f32 v2, v4;
	_ =	sdelay $0x1  }
0x170: {  	[tilespmem:s17+$0x9C40] =	vst v2  }
0x171: {  	v1 =	vld.idx.msk [tilespmem:v1+s15+$0x0], $0xffff  }
0x172: {  	v2 =	vld.idx.msk [tilespmem:v5+s14+$0x0], $0xffff;
	_ =	sdelay $0x1  }
0x173: {  	v3 =	vld [tilespmem:s18+$0x9C40];
	_ =	sdelay $0x2  }
0x174: {  	v1 =	vmul.f32 v1, v2;
	_ =	sdelay $0x1  }
0x175: {  	v1 =	vadd.f32 v1, v3;
	_ =	sdelay $0x1  }
0x176: {  	s21 =	simm.s32 $0x0;
	[tilespmem:s18+$0x9C40] =	vst v1  }
0x177: {  	[tilespmem:s14], [sflag:$0x1] =	stream.linear.gather [hbm4b:s26+s21], $0x2800, $0x38;
	[tilespmem:$0x13A60] =	vst v63  }
0x178: {  	_ =	swait.ge [sflag:s13], $0x2800  }
0x179: {  	[sflag:s13] =	ssyncset.done $0x0  }
0x17a: {  	[sflag:s13] =	ssyncadd.s32 $0xFFFFD800  }
0x17b: {  	[tilespmem:s15], [sflag:$0x1] =	stream.linear.gather [hbm4b:s28+s21], $0x2800, $0x38;
	[tilespmem:$0x13A60] =	vst v63  }
0x17c: {  	_ =	swait.ge [sflag:s13], $0x2800  }
0x17d: {  	[sflag:s13] =	ssyncset.done $0x0  }
0x17e: {  	s17 =	simm.s32 $0x0;
	[sflag:s13] =	ssyncadd.s32 $0xFFFFD800  }
0x17f: {  	v1 =	vld [tilespmem:s17+$0x4E20]  }
0x180: {  	v3 =	vld [tilespmem:s17+$0x0];
	_ =	sdelay $0x6  }
0x181: {  	v2 =	vld.idx.msk [tilespmem:v1+s15+$0x0], $0xffff  }
0x182: {  	v3 =	vld.idx.msk [tilespmem:v3+s14+$0x0], $0xffff  }
0x183: {  	s18 =	simm.s32 $0x10;
	v4 =	vld [tilespmem:s17+$0x9C40]  }
0x184: {  	s19 =	simm.s32 $0x80;
	v1 =	vld [tilespmem:s18+$0x4E20]  }
.LBB2_24:
0x185: {  	p0 =	sne.s32 s19, $0x13840;
	v5 =	vld [tilespmem:s18+$0x0];
	_ =	sdelay $0x1  }
0x186: {  	v2 =	vmul.f32 v2, v3;
	_ =	sdelay $0x1  }
0x187: {  	v2 =	vadd.f32 v2, v4;
	_ =	sdelay $0x1  }
0x188: {  	[tilespmem:s17+$0x9C40] =	vst v2;
	s17 =	smov.u32 s18  }
.Ltmp11:
0x189: {  	v2 =	vld.idx.msk [tilespmem:v1+s15+$0x0], $0xffff;
	(pc) =	sbr.rel @p0 .LBB2_24-.Ltmp11, $4  }
0x18a: {  	v3 =	vld.idx.msk [tilespmem:v5+s14+$0x0], $0xffff  }
0x18b: {  	s18 =	sshra.s32 s19, $0x2  }
0x18c: {  	v1 =	vld [tilespmem:s18+$0x4E20]  }
0x18d: {  	s19 =	sadd.s32 $0x40, s19;
	v4 =	vld [tilespmem:s17+$0x9C40]  }
0x18e: {  	v5 =	vld [tilespmem:s18+$0x0];
	_ =	sdelay $0x1  }
0x18f: {  	v2 =	vmul.f32 v2, v3;
	_ =	sdelay $0x1  }
0x190: {  	v2 =	vadd.f32 v2, v4;
	_ =	sdelay $0x1  }
0x191: {  	[tilespmem:s17+$0x9C40] =	vst v2  }
0x192: {  	v1 =	vld.idx.msk [tilespmem:v1+s15+$0x0], $0xffff  }
0x193: {  	v2 =	vld.idx.msk [tilespmem:v5+s14+$0x0], $0xffff;
	_ =	sdelay $0x1  }
0x194: {  	v3 =	vld [tilespmem:s18+$0x9C40];
	_ =	sdelay $0x2  }
0x195: {  	v1 =	vmul.f32 v1, v2;
	_ =	sdelay $0x1  }
0x196: {  	v1 =	vadd.f32 v1, v3;
	_ =	sdelay $0x1  }
0x197: {  	s21 =	simm.s32 $0x0;
	[tilespmem:s18+$0x9C40] =	vst v1  }
0x198: {  	[tilespmem:s14], [sflag:$0x1] =	stream.linear.gather [hbm4b:s29+s21], $0x2800, $0x38;
	[tilespmem:$0x13A60] =	vst v63  }
0x199: {  	_ =	swait.ge [sflag:s13], $0x2800  }
0x19a: {  	[sflag:s13] =	ssyncset.done $0x0  }
0x19b: {  	[sflag:s13] =	ssyncadd.s32 $0xFFFFD800  }
0x19c: {  	[tilespmem:s15], [sflag:$0x1] =	stream.linear.gather [hbm4b:s30+s21], $0x2800, $0x38;
	[tilespmem:$0x13A60] =	vst v63  }
0x19d: {  	_ =	swait.ge [sflag:s13], $0x2800  }
0x19e: {  	[sflag:s13] =	ssyncset.done $0x0  }
0x19f: {  	s17 =	simm.s32 $0x0;
	[sflag:s13] =	ssyncadd.s32 $0xFFFFD800  }
0x1a0: {  	v1 =	vld [tilespmem:s17+$0x4E20]  }
0x1a1: {  	v3 =	vld [tilespmem:s17+$0x0];
	_ =	sdelay $0x6  }
0x1a2: {  	v2 =	vld.idx.msk [tilespmem:v1+s15+$0x0], $0xffff  }
0x1a3: {  	v3 =	vld.idx.msk [tilespmem:v3+s14+$0x0], $0xffff  }
0x1a4: {  	s18 =	simm.s32 $0x10;
	v4 =	vld [tilespmem:s17+$0x9C40]  }
0x1a5: {  	s19 =	simm.s32 $0x80;
	v1 =	vld [tilespmem:s18+$0x4E20]  }
.LBB2_26:
0x1a6: {  	p0 =	sne.s32 s19, $0x13840;
	v5 =	vld [tilespmem:s18+$0x0];
	_ =	sdelay $0x1  }
0x1a7: {  	v2 =	vmul.f32 v2, v3;
	_ =	sdelay $0x1  }
0x1a8: {  	v2 =	vadd.f32 v2, v4;
	_ =	sdelay $0x1  }
0x1a9: {  	[tilespmem:s17+$0x9C40] =	vst v2;
	s17 =	smov.u32 s18  }
.Ltmp12:
0x1aa: {  	v2 =	vld.idx.msk [tilespmem:v1+s15+$0x0], $0xffff;
	(pc) =	sbr.rel @p0 .LBB2_26-.Ltmp12, $4  }
0x1ab: {  	v3 =	vld.idx.msk [tilespmem:v5+s14+$0x0], $0xffff  }
0x1ac: {  	s18 =	sshra.s32 s19, $0x2  }
0x1ad: {  	v1 =	vld [tilespmem:s18+$0x4E20]  }
0x1ae: {  	s19 =	sadd.s32 $0x40, s19;
	v4 =	vld [tilespmem:s17+$0x9C40]  }
0x1af: {  	v5 =	vld [tilespmem:s18+$0x0];
	_ =	sdelay $0x1  }
0x1b0: {  	v2 =	vmul.f32 v2, v3;
	_ =	sdelay $0x1  }
0x1b1: {  	v2 =	vadd.f32 v2, v4;
	_ =	sdelay $0x1  }
0x1b2: {  	[tilespmem:s17+$0x9C40] =	vst v2  }
0x1b3: {  	v1 =	vld.idx.msk [tilespmem:v1+s15+$0x0], $0xffff  }
0x1b4: {  	v2 =	vld.idx.msk [tilespmem:v5+s14+$0x0], $0xffff;
	_ =	sdelay $0x1  }
0x1b5: {  	v3 =	vld [tilespmem:s18+$0x9C40];
	_ =	sdelay $0x2  }
0x1b6: {  	v1 =	vmul.f32 v1, v2;
	_ =	sdelay $0x1  }
0x1b7: {  	v1 =	vadd.f32 v1, v3;
	_ =	sdelay $0x1  }
0x1b8: {  	s21 =	simm.s32 $0x0;
	[tilespmem:s18+$0x9C40] =	vst v1  }
0x1b9: {  	[tilespmem:s14], [sflag:$0x1] =	stream.linear.gather [hbm4b:s31+s21], $0x2800, $0x38;
	[tilespmem:$0x13A60] =	vst v63  }
0x1ba: {  	_ =	swait.ge [sflag:s13], $0x2800  }
0x1bb: {  	[sflag:s13] =	ssyncset.done $0x0  }
0x1bc: {  	[sflag:s13] =	ssyncadd.s32 $0xFFFFD800  }
0x1bd: {  	[tilespmem:s15], [sflag:$0x1] =	stream.linear.gather [hbm4b:s1+s21], $0x2800, $0x38;
	[tilespmem:$0x13A60] =	vst v63  }
0x1be: {  	_ =	swait.ge [sflag:s13], $0x2800  }
0x1bf: {  	[sflag:s13] =	ssyncset.done $0x0  }
0x1c0: {  	s17 =	simm.s32 $0x0;
	[sflag:s13] =	ssyncadd.s32 $0xFFFFD800  }
0x1c1: {  	v1 =	vld [tilespmem:s17+$0x4E20]  }
0x1c2: {  	v3 =	vld [tilespmem:s17+$0x0];
	_ =	sdelay $0x6  }
0x1c3: {  	v2 =	vld.idx.msk [tilespmem:v1+s15+$0x0], $0xffff  }
0x1c4: {  	v3 =	vld.idx.msk [tilespmem:v3+s14+$0x0], $0xffff  }
0x1c5: {  	s18 =	simm.s32 $0x10;
	v4 =	vld [tilespmem:s17+$0x9C40]  }
0x1c6: {  	s19 =	simm.s32 $0x80;
	v1 =	vld [tilespmem:s18+$0x4E20]  }
.LBB2_28:
0x1c7: {  	p0 =	sne.s32 s19, $0x13840;
	v5 =	vld [tilespmem:s18+$0x0];
	_ =	sdelay $0x1  }
0x1c8: {  	v2 =	vmul.f32 v2, v3;
	_ =	sdelay $0x1  }
0x1c9: {  	v2 =	vadd.f32 v2, v4;
	_ =	sdelay $0x1  }
0x1ca: {  	[tilespmem:s17+$0x9C40] =	vst v2;
	s17 =	smov.u32 s18  }
.Ltmp13:
0x1cb: {  	v2 =	vld.idx.msk [tilespmem:v1+s15+$0x0], $0xffff;
	(pc) =	sbr.rel @p0 .LBB2_28-.Ltmp13, $4  }
0x1cc: {  	v3 =	vld.idx.msk [tilespmem:v5+s14+$0x0], $0xffff  }
0x1cd: {  	s18 =	sshra.s32 s19, $0x2  }
0x1ce: {  	v1 =	vld [tilespmem:s18+$0x4E20]  }
0x1cf: {  	s19 =	sadd.s32 $0x40, s19;
	v4 =	vld [tilespmem:s17+$0x9C40]  }
0x1d0: {  	v5 =	vld [tilespmem:s18+$0x0];
	_ =	sdelay $0x1  }
0x1d1: {  	v2 =	vmul.f32 v2, v3;
	_ =	sdelay $0x1  }
0x1d2: {  	v2 =	vadd.f32 v2, v4;
	_ =	sdelay $0x1  }
0x1d3: {  	[tilespmem:s17+$0x9C40] =	vst v2  }
0x1d4: {  	v1 =	vld.idx.msk [tilespmem:v1+s15+$0x0], $0xffff  }
0x1d5: {  	v2 =	vld.idx.msk [tilespmem:v5+s14+$0x0], $0xffff;
	_ =	sdelay $0x1  }
0x1d6: {  	v3 =	vld [tilespmem:s18+$0x9C40];
	_ =	sdelay $0x2  }
0x1d7: {  	v1 =	vmul.f32 v1, v2;
	_ =	sdelay $0x1  }
0x1d8: {  	v1 =	vadd.f32 v1, v3;
	_ =	sdelay $0x1  }
0x1d9: {  	s21 =	simm.s32 $0x0;
	[tilespmem:s18+$0x9C40] =	vst v1  }
0x1da: {  	[tilespmem:s14], [sflag:$0x1] =	stream.linear.gather [hbm4b:s0+s21], $0x2800, $0x38;
	[tilespmem:$0x13A60] =	vst v63  }
0x1db: {  	_ =	swait.ge [sflag:s13], $0x2800  }
0x1dc: {  	[sflag:s13] =	ssyncset.done $0x0  }
0x1dd: {  	[sflag:s13] =	ssyncadd.s32 $0xFFFFD800  }
0x1de: {  	[tilespmem:s15], [sflag:$0x1] =	stream.linear.gather [hbm4b:s3+s21], $0x2800, $0x38;
	[tilespmem:$0x13A60] =	vst v63  }
0x1df: {  	_ =	swait.ge [sflag:s13], $0x2800  }
0x1e0: {  	[sflag:s13] =	ssyncset.done $0x0  }
0x1e1: {  	s17 =	simm.s32 $0x0;
	[sflag:s13] =	ssyncadd.s32 $0xFFFFD800  }
0x1e2: {  	v1 =	vld [tilespmem:s17+$0x4E20]  }
0x1e3: {  	v3 =	vld [tilespmem:s17+$0x0];
	_ =	sdelay $0x6  }
0x1e4: {  	v2 =	vld.idx.msk [tilespmem:v1+s15+$0x0], $0xffff  }
0x1e5: {  	v3 =	vld.idx.msk [tilespmem:v3+s14+$0x0], $0xffff  }
0x1e6: {  	s18 =	simm.s32 $0x10;
	v4 =	vld [tilespmem:s17+$0x9C40]  }
0x1e7: {  	s19 =	simm.s32 $0x80;
	v1 =	vld [tilespmem:s18+$0x4E20]  }
.LBB2_30:
0x1e8: {  	p0 =	sne.s32 s19, $0x13840;
	v5 =	vld [tilespmem:s18+$0x0];
	_ =	sdelay $0x1  }
0x1e9: {  	v2 =	vmul.f32 v2, v3;
	_ =	sdelay $0x1  }
0x1ea: {  	v2 =	vadd.f32 v2, v4;
	_ =	sdelay $0x1  }
0x1eb: {  	[tilespmem:s17+$0x9C40] =	vst v2;
	s17 =	smov.u32 s18  }
.Ltmp14:
0x1ec: {  	v2 =	vld.idx.msk [tilespmem:v1+s15+$0x0], $0xffff;
	(pc) =	sbr.rel @p0 .LBB2_30-.Ltmp14, $4  }
0x1ed: {  	v3 =	vld.idx.msk [tilespmem:v5+s14+$0x0], $0xffff  }
0x1ee: {  	s18 =	sshra.s32 s19, $0x2  }
0x1ef: {  	v1 =	vld [tilespmem:s18+$0x4E20]  }
0x1f0: {  	s19 =	sadd.s32 $0x40, s19;
	v4 =	vld [tilespmem:s17+$0x9C40]  }
0x1f1: {  	v5 =	vld [tilespmem:s18+$0x0];
	_ =	sdelay $0x1  }
0x1f2: {  	v2 =	vmul.f32 v2, v3;
	_ =	sdelay $0x1  }
0x1f3: {  	v2 =	vadd.f32 v2, v4;
	_ =	sdelay $0x1  }
0x1f4: {  	[tilespmem:s17+$0x9C40] =	vst v2  }
0x1f5: {  	v1 =	vld.idx.msk [tilespmem:v1+s15+$0x0], $0xffff  }
0x1f6: {  	v2 =	vld.idx.msk [tilespmem:v5+s14+$0x0], $0xffff;
	_ =	sdelay $0x1  }
0x1f7: {  	v3 =	vld [tilespmem:s18+$0x9C40];
	_ =	sdelay $0x2  }
0x1f8: {  	v1 =	vmul.f32 v1, v2;
	_ =	sdelay $0x1  }
0x1f9: {  	v1 =	vadd.f32 v1, v3;
	_ =	sdelay $0x1  }
0x1fa: {  	s21 =	simm.s32 $0x0;
	[tilespmem:s18+$0x9C40] =	vst v1  }
0x1fb: {  	[tilespmem:s14], [sflag:$0x1] =	stream.linear.gather [hbm4b:s4+s21], $0x2800, $0x38;
	[tilespmem:$0x13A60] =	vst v63  }
0x1fc: {  	_ =	swait.ge [sflag:s13], $0x2800  }
0x1fd: {  	[sflag:s13] =	ssyncset.done $0x0  }
0x1fe: {  	[sflag:s13] =	ssyncadd.s32 $0xFFFFD800  }
0x1ff: {  	[tilespmem:s15], [sflag:$0x1] =	stream.linear.gather [hbm4b:s5+s21], $0x2800, $0x38;
	[tilespmem:$0x13A60] =	vst v63  }
0x200: {  	_ =	swait.ge [sflag:s13], $0x2800  }
0x201: {  	[sflag:s13] =	ssyncset.done $0x0  }
0x202: {  	s17 =	simm.s32 $0x0;
	[sflag:s13] =	ssyncadd.s32 $0xFFFFD800  }
0x203: {  	v1 =	vld [tilespmem:s17+$0x4E20]  }
0x204: {  	v3 =	vld [tilespmem:s17+$0x0];
	_ =	sdelay $0x6  }
0x205: {  	v2 =	vld.idx.msk [tilespmem:v1+s15+$0x0], $0xffff  }
0x206: {  	v3 =	vld.idx.msk [tilespmem:v3+s14+$0x0], $0xffff  }
0x207: {  	s18 =	simm.s32 $0x10;
	v4 =	vld [tilespmem:s17+$0x9C40]  }
0x208: {  	s19 =	simm.s32 $0x80;
	v1 =	vld [tilespmem:s18+$0x4E20]  }
.LBB2_32:
0x209: {  	p0 =	sne.s32 s19, $0x13840;
	v5 =	vld [tilespmem:s18+$0x0];
	_ =	sdelay $0x1  }
0x20a: {  	v2 =	vmul.f32 v2, v3;
	_ =	sdelay $0x1  }
0x20b: {  	v2 =	vadd.f32 v2, v4;
	_ =	sdelay $0x1  }
0x20c: {  	[tilespmem:s17+$0x9C40] =	vst v2;
	s17 =	smov.u32 s18  }
.Ltmp15:
0x20d: {  	v2 =	vld.idx.msk [tilespmem:v1+s15+$0x0], $0xffff;
	(pc) =	sbr.rel @p0 .LBB2_32-.Ltmp15, $4  }
0x20e: {  	v3 =	vld.idx.msk [tilespmem:v5+s14+$0x0], $0xffff  }
0x20f: {  	s18 =	sshra.s32 s19, $0x2  }
0x210: {  	v1 =	vld [tilespmem:s18+$0x4E20]  }
0x211: {  	s19 =	sadd.s32 $0x40, s19;
	v4 =	vld [tilespmem:s17+$0x9C40]  }
0x212: {  	v5 =	vld [tilespmem:s18+$0x0];
	_ =	sdelay $0x1  }
0x213: {  	v2 =	vmul.f32 v2, v3;
	_ =	sdelay $0x1  }
0x214: {  	v2 =	vadd.f32 v2, v4;
	_ =	sdelay $0x1  }
0x215: {  	[tilespmem:s17+$0x9C40] =	vst v2  }
0x216: {  	v1 =	vld.idx.msk [tilespmem:v1+s15+$0x0], $0xffff  }
0x217: {  	v2 =	vld.idx.msk [tilespmem:v5+s14+$0x0], $0xffff;
	_ =	sdelay $0x1  }
0x218: {  	v3 =	vld [tilespmem:s18+$0x9C40];
	_ =	sdelay $0x2  }
0x219: {  	v1 =	vmul.f32 v1, v2;
	_ =	sdelay $0x1  }
0x21a: {  	v1 =	vadd.f32 v1, v3;
	_ =	sdelay $0x1  }
0x21b: {  	s21 =	simm.s32 $0x0;
	[tilespmem:s18+$0x9C40] =	vst v1  }
0x21c: {  	[tilespmem:s14], [sflag:$0x1] =	stream.linear.gather [hbm4b:s6+s21], $0x2800, $0x38;
	[tilespmem:$0x13A60] =	vst v63  }
0x21d: {  	_ =	swait.ge [sflag:s13], $0x2800  }
0x21e: {  	[sflag:s13] =	ssyncset.done $0x0  }
0x21f: {  	[sflag:s13] =	ssyncadd.s32 $0xFFFFD800  }
0x220: {  	[tilespmem:s15], [sflag:$0x1] =	stream.linear.gather [hbm4b:s7+s21], $0x2800, $0x38;
	[tilespmem:$0x13A60] =	vst v63  }
0x221: {  	_ =	swait.ge [sflag:s13], $0x2800  }
0x222: {  	[sflag:s13] =	ssyncset.done $0x0  }
0x223: {  	s17 =	simm.s32 $0x0;
	[sflag:s13] =	ssyncadd.s32 $0xFFFFD800  }
0x224: {  	v1 =	vld [tilespmem:s17+$0x4E20]  }
0x225: {  	v3 =	vld [tilespmem:s17+$0x0];
	_ =	sdelay $0x6  }
0x226: {  	v2 =	vld.idx.msk [tilespmem:v1+s15+$0x0], $0xffff  }
0x227: {  	v3 =	vld.idx.msk [tilespmem:v3+s14+$0x0], $0xffff  }
0x228: {  	s18 =	simm.s32 $0x10;
	v4 =	vld [tilespmem:s17+$0x9C40]  }
0x229: {  	s19 =	simm.s32 $0x80;
	v1 =	vld [tilespmem:s18+$0x4E20]  }
.LBB2_34:
0x22a: {  	p0 =	sne.s32 s19, $0x13840;
	v5 =	vld [tilespmem:s18+$0x0];
	_ =	sdelay $0x1  }
0x22b: {  	v2 =	vmul.f32 v2, v3;
	_ =	sdelay $0x1  }
0x22c: {  	v2 =	vadd.f32 v2, v4;
	_ =	sdelay $0x1  }
0x22d: {  	[tilespmem:s17+$0x9C40] =	vst v2;
	s17 =	smov.u32 s18  }
.Ltmp16:
0x22e: {  	v2 =	vld.idx.msk [tilespmem:v1+s15+$0x0], $0xffff;
	(pc) =	sbr.rel @p0 .LBB2_34-.Ltmp16, $4  }
0x22f: {  	v3 =	vld.idx.msk [tilespmem:v5+s14+$0x0], $0xffff  }
0x230: {  	s18 =	sshra.s32 s19, $0x2  }
0x231: {  	v1 =	vld [tilespmem:s18+$0x4E20]  }
0x232: {  	s19 =	sadd.s32 $0x40, s19;
	v4 =	vld [tilespmem:s17+$0x9C40]  }
0x233: {  	v5 =	vld [tilespmem:s18+$0x0];
	_ =	sdelay $0x1  }
0x234: {  	v2 =	vmul.f32 v2, v3;
	_ =	sdelay $0x1  }
0x235: {  	v2 =	vadd.f32 v2, v4;
	_ =	sdelay $0x1  }
0x236: {  	[tilespmem:s17+$0x9C40] =	vst v2  }
0x237: {  	v1 =	vld.idx.msk [tilespmem:v1+s15+$0x0], $0xffff  }
0x238: {  	v2 =	vld.idx.msk [tilespmem:v5+s14+$0x0], $0xffff;
	_ =	sdelay $0x1  }
0x239: {  	v3 =	vld [tilespmem:s18+$0x9C40];
	_ =	sdelay $0x2  }
0x23a: {  	v1 =	vmul.f32 v1, v2;
	_ =	sdelay $0x1  }
0x23b: {  	v1 =	vadd.f32 v1, v3;
	_ =	sdelay $0x1  }
0x23c: {  	s21 =	simm.s32 $0x0;
	[tilespmem:s18+$0x9C40] =	vst v1  }
0x23d: {  	[tilespmem:s14], [sflag:$0x1] =	stream.linear.gather [hbm4b:s8+s21], $0x2800, $0x38;
	[tilespmem:$0x13A60] =	vst v63  }
0x23e: {  	_ =	swait.ge [sflag:s13], $0x2800  }
0x23f: {  	[sflag:s13] =	ssyncset.done $0x0  }
0x240: {  	[sflag:s13] =	ssyncadd.s32 $0xFFFFD800  }
0x241: {  	[tilespmem:s15], [sflag:$0x1] =	stream.linear.gather [hbm4b:s9+s21], $0x2800, $0x38;
	[tilespmem:$0x13A60] =	vst v63  }
0x242: {  	_ =	swait.ge [sflag:s13], $0x2800  }
0x243: {  	[sflag:s13] =	ssyncset.done $0x0  }
0x244: {  	s17 =	simm.s32 $0x0;
	[sflag:s13] =	ssyncadd.s32 $0xFFFFD800  }
0x245: {  	v1 =	vld [tilespmem:s17+$0x4E20]  }
0x246: {  	v3 =	vld [tilespmem:s17+$0x0];
	_ =	sdelay $0x6  }
0x247: {  	v2 =	vld.idx.msk [tilespmem:v1+s15+$0x0], $0xffff  }
0x248: {  	v3 =	vld.idx.msk [tilespmem:v3+s14+$0x0], $0xffff  }
0x249: {  	s18 =	simm.s32 $0x10;
	v4 =	vld [tilespmem:s17+$0x9C40]  }
0x24a: {  	s19 =	simm.s32 $0x80;
	v1 =	vld [tilespmem:s18+$0x4E20]  }
.LBB2_36:
0x24b: {  	p0 =	sne.s32 s19, $0x13840;
	v5 =	vld [tilespmem:s18+$0x0];
	_ =	sdelay $0x1  }
0x24c: {  	v2 =	vmul.f32 v2, v3;
	_ =	sdelay $0x1  }
0x24d: {  	v2 =	vadd.f32 v2, v4;
	_ =	sdelay $0x1  }
0x24e: {  	[tilespmem:s17+$0x9C40] =	vst v2;
	s17 =	smov.u32 s18  }
.Ltmp17:
0x24f: {  	v2 =	vld.idx.msk [tilespmem:v1+s15+$0x0], $0xffff;
	(pc) =	sbr.rel @p0 .LBB2_36-.Ltmp17, $4  }
0x250: {  	v3 =	vld.idx.msk [tilespmem:v5+s14+$0x0], $0xffff  }
0x251: {  	s18 =	sshra.s32 s19, $0x2  }
0x252: {  	v1 =	vld [tilespmem:s18+$0x4E20]  }
0x253: {  	s19 =	sadd.s32 $0x40, s19;
	v4 =	vld [tilespmem:s17+$0x9C40]  }
0x254: {  	v5 =	vld [tilespmem:s18+$0x0];
	_ =	sdelay $0x1  }
0x255: {  	v2 =	vmul.f32 v2, v3;
	_ =	sdelay $0x1  }
0x256: {  	v2 =	vadd.f32 v2, v4;
	_ =	sdelay $0x1  }
0x257: {  	[tilespmem:s17+$0x9C40] =	vst v2  }
0x258: {  	v1 =	vld.idx.msk [tilespmem:v1+s15+$0x0], $0xffff  }
0x259: {  	v2 =	vld.idx.msk [tilespmem:v5+s14+$0x0], $0xffff;
	_ =	sdelay $0x1  }
0x25a: {  	v3 =	vld [tilespmem:s18+$0x9C40];
	_ =	sdelay $0x2  }
0x25b: {  	v1 =	vmul.f32 v1, v2;
	_ =	sdelay $0x1  }
0x25c: {  	v1 =	vadd.f32 v1, v3;
	_ =	sdelay $0x1  }
0x25d: {  	s21 =	simm.s32 $0x0;
	[tilespmem:s18+$0x9C40] =	vst v1  }
0x25e: {  	[tilespmem:s14], [sflag:$0x1] =	stream.linear.gather [hbm4b:s10+s21], $0x2800, $0x38;
	[tilespmem:$0x13A60] =	vst v63  }
0x25f: {  	_ =	swait.ge [sflag:s13], $0x2800  }
0x260: {  	[sflag:s13] =	ssyncset.done $0x0  }
0x261: {  	[sflag:s13] =	ssyncadd.s32 $0xFFFFD800  }
0x262: {  	[tilespmem:s15], [sflag:$0x1] =	stream.linear.gather [hbm4b:s11+s21], $0x2800, $0x38;
	[tilespmem:$0x13A60] =	vst v63  }
0x263: {  	_ =	swait.ge [sflag:s13], $0x2800  }
0x264: {  	[sflag:s13] =	ssyncset.done $0x0  }
0x265: {  	s17 =	simm.s32 $0x0;
	[sflag:s13] =	ssyncadd.s32 $0xFFFFD800  }
0x266: {  	v1 =	vld [tilespmem:s17+$0x4E20]  }
0x267: {  	v3 =	vld [tilespmem:s17+$0x0];
	_ =	sdelay $0x6  }
0x268: {  	v2 =	vld.idx.msk [tilespmem:v1+s15+$0x0], $0xffff  }
0x269: {  	v3 =	vld.idx.msk [tilespmem:v3+s14+$0x0], $0xffff  }
0x26a: {  	s19 =	simm.s32 $0x10;
	v4 =	vld [tilespmem:s17+$0x9C40]  }
0x26b: {  	s20 =	simm.s32 $0x0;
	s18 =	simm.s32 $0x40;
	s21 =	simm.s32 $0x80;
	v1 =	vld [tilespmem:s19+$0x4E20]  }
.LBB2_38:
0x26c: {  	p0 =	sne.s32 s21, $0x13840;
	v5 =	vld [tilespmem:s19+$0x0];
	_ =	sdelay $0x1  }
0x26d: {  	v2 =	vmul.f32 v2, v3;
	_ =	sdelay $0x1  }
0x26e: {  	v2 =	vadd.f32 v2, v4;
	_ =	sdelay $0x1  }
0x26f: {  	[tilespmem:s20+$0x9C40] =	vst v2;
	s20 =	smov.u32 s19  }
.Ltmp18:
0x270: {  	v2 =	vld.idx.msk [tilespmem:v1+s15+$0x0], $0xffff;
	(pc) =	sbr.rel @p0 .LBB2_38-.Ltmp18, $4  }
0x271: {  	v3 =	vld.idx.msk [tilespmem:v5+s14+$0x0], $0xffff  }
0x272: {  	s19 =	sshra.s32 s21, $0x2  }
0x273: {  	v1 =	vld [tilespmem:s19+$0x4E20]  }
0x274: {  	s21 =	sadd.s32 $0x40, s21;
	v4 =	vld [tilespmem:s20+$0x9C40]  }
0x275: {  	v5 =	vld [tilespmem:s19+$0x0];
	_ =	sdelay $0x1  }
0x276: {  	v2 =	vmul.f32 v2, v3;
	_ =	sdelay $0x1  }
0x277: {  	v2 =	vadd.f32 v2, v4;
	_ =	sdelay $0x1  }
0x278: {  	[tilespmem:s20+$0x9C40] =	vst v2  }
0x279: {  	v1 =	vld.idx.msk [tilespmem:v1+s15+$0x0], $0xffff  }
0x27a: {  	v2 =	vld.idx.msk [tilespmem:v5+s14+$0x0], $0xffff;
	_ =	sdelay $0x1  }
0x27b: {  	v3 =	vld [tilespmem:s19+$0x9C40];
	_ =	sdelay $0x2  }
0x27c: {  	v1 =	vmul.f32 v1, v2;
	_ =	sdelay $0x1  }
0x27d: {  	v1 =	vadd.f32 v1, v3;
	_ =	sdelay $0x1  }
0x27e: {  	[tilespmem:s19+$0x9C40] =	vst v1  }
.LBB2_40:
0x27f: {  	p0 =	sne.s32 s18, $0x13840;
	v1 =	vld [tilespmem:s17+$0x9C40];
	_ =	sdelay $0x4  }
0x280: {  	v1 =	vsub.f32 $0.0e+00, v1;
	_ =	sdelay $0x1  }
0x281: {  	v1 =	vmul.f32 $1.442695020e+00, v1;
	_ =	sdelay $0x1  }
0x282: {  	(erf) = vpow2.f32 v1;
	_ =	sdelay $0x8  }
0x283: {  	v1 =	vpop (erf)  }
0x284: {  	v1 =	vadd.f32 $1.000000000e+00, v1;
	_ =	sdelay $0x1  }
0x285: {  	(erf) = vrcp.f32 v1;
	_ =	sdelay $0x5  }
.Ltmp19:
0x286: {  	(pc) =	sbr.rel @p0 .LBB2_40-.Ltmp19, $3  }
0x287: {  	_ =	sdelay $0x1  }
0x288: {  	v1 =	vpop (erf)  }
0x289: {  	[tilespmem:s17+$0x9C40] =	vst v1;
	s17 =	sshra.s32 s18, $0x2;
	s18 =	sadd.s32 $0x40, s18  }
0x28a: {  	v1 =	vld [tilespmem:s17+$0x9C40];
	_ =	sdelay $0x4  }
0x28b: {  	v1 =	vsub.f32 $0.0e+00, v1;
	_ =	sdelay $0x1  }
0x28c: {  	v1 =	vmul.f32 $1.442695020e+00, v1;
	_ =	sdelay $0x1  }
0x28d: {  	(erf) = vpow2.f32 v1;
	_ =	sdelay $0x8  }
0x28e: {  	v1 =	vpop (erf)  }
0x28f: {  	v1 =	vadd.f32 $1.000000000e+00, v1;
	_ =	sdelay $0x1  }
0x290: {  	(erf) = vrcp.f32 v1;
	_ =	sdelay $0x7  }
0x291: {  	s16 =	sadd.s32 $0x1, s16  }
0x292: {  	p0 =	sne.s32 s16, s12;
	v1 =	vpop (erf)  }
.Ltmp20:
0x293: {  	s21 =	simm.s32 $0x9C40;
	[tilespmem:s17+$0x9C40] =	vst v1;
	(pc) =	sbr.rel @p0 .LBB2_1-.Ltmp20, $4  }
0x294: {  	[hbm4b:s22+s2] =	stream.linear.scatter [tilespmem:s21], [sflag:$0x1], $0x4E20, $0x38;
	[tilespmem:$0x13A60] =	vst v63  }
0x295: {  	_ =	swait.ge [sflag:s13], $0x4E20  }
0x296: {  	[sflag:s13] =	ssyncset.done $0x0  }
0x297: {  	[sflag:s13] =	ssyncadd.s32 $0xFFFFB1E0  }
0x298: {  	_ =	sfence.sel $0x180000  }
0x299: {  	[bflag:$0x0] =	sbarrier.arrive $0xFFFF  }
0x29a: {  	_ =	strace $0x90000050  }
0x29b: {  	s0 =	stileid.u32;
	[bflag:$0x2] =	sbarrier.arrive $0xFFFF  }
0x29c: {  	p0 =	sne.s32 s0, $0x0;
	s0 =	rddreg [dreg:$0x2]  }
0x29d: {  	s0 =	sadd.s32 @!p0 $0x100000, s0  }
0x29e: {  	[sflag:s0] =	ssyncadd.tile.s32 @!p0 $0x1;
	_ =	shalt  }
.Lfunc_end2:
_tile_overlayer_lowered:
.L_overlay_start_2:
0x29f: {  	(tag) =	ssettag $0x2  }
0x2a0: {  	s0 =	rddreg [dreg:$0x0];
	s2 =	stileid.u32  }
0x2a1: {  	s1 =	rddreg [dreg:$0x1];
	p0 =	sne.s32 s2, $0x0  }
0x2a2: {  	s3 =	rddreg [dreg:$0x2];
	[bflag:$0x3] =	sbarrier.arrive $0xFFFF;
	s2 =	simm.s32 @!p0 $0x1C01  }
0x2a3: {  	[timem:s3], [sflag:s2] =	dma.local @!p0 [hbm:s0], s1  }
0x2a4: {  	s0 =	simm.s32 @!p0 $0x1  }
0x2a5: {  	_ =	swait.ge @!p0 [sflag:s0], s1  }
0x2a6: {  	s1 =	ssub.s32 @!p0 $0x0, s1;
	[sflag:s0] =	ssyncset.done @!p0 $0x0  }
0x2a7: {  	[sflag:s0] =	ssyncadd.s32 @!p0 s1  }
0x2a8: {  	[bflag:$0x3] =	sbarrier.arrive $0xFFFF  }
0x2a9: {  	_ =	shalt  }

// kernel: kernel.9.cloned.1.call-start
scs
__scs_entry_jumppad:
0x0: {  	(pc) =	sbr.rel $0x88, $3  }
0x1: {  	(tag) =	ssettag $0x0;
	lr =	simm.s32 $0x1  }
0x2: {  	[smem:$0x3F9A] =	sst lr;
	_ =	strace $0xD0000000  }
0x3: {  	_ = 	snop  }
0x4: {  	_ = 	snop  }
0x5: {  	_ = 	snop  }
0x6: {  	_ = 	snop  }
0x7: {  	_ = 	snop  }
__scs_overlays_trampoline_lowered:
0x8: {  	[smem:$0x3FA9] =	sst s0  }
0x9: {  	[smem:$0x3FAA] =	sst s1  }
0xa: {  	[smem:$0x3FAB] =	sst s2  }
0xb: {  	[smem:$0x3FAC] =	sst s3  }
0xc: {  	[smem:$0x3FAD] =	sst s4  }
0xd: {  	[smem:$0x3FAE] =	sst s5  }
0xe: {  	[smem:$0x3FAF] =	sst s6  }
0xf: {  	[smem:$0x3FB0] =	sst s7  }
0x10: {  	[smem:$0x3FB1] =	sst s8  }
0x11: {  	[smem:$0x3FB2] =	sst s9;
	s0 =	simm.s32 @!p0 $0x0  }
0x12: {  	s1 =	sld [smem:$0x3F98];
	s0 =	simm.s32 @p0 $0x1  }
0x13: {  	[smem:$0x3FB3] =	sst s0;
	s0 =	simm.s32 @!p1 $0x0  }
0x14: {  	s2 =	sld [smem:$0x3F97];
	s0 =	simm.s32 @p1 $0x1  }
0x15: {  	[smem:$0x3FB4] =	sst s0;
	s0 =	simm.s32 @!p2 $0x0  }
0x16: {  	s3 =	sld [smem:$0x3FDB];
	s0 =	simm.s32 @p2 $0x1  }
0x17: {  	s4 =	simm.s32 $0x1BF5;
	[smem:$0x3FB6] =	sst s0  }
0x18: {  	s0 =	sld [smem:$0x3F99];
	_ =	swait.ge [sflag:s4], $0x0  }
0x19: {  	s7 =	sld [smem:$0x3F9A]  }
0x1a: {  	s8 =	sadd.s32 $0xFFFFE003, lr  }
0x1b: {  	s9 =	sadd.s32 $0xFFFFFEF7, lr;
	s5 =	simm.s32 $0xFFFFFFFF;
	p2 =	slt.u32 s8, $0xFFFFF086  }
0x1c: {  	p1 =	slt.u32 s9, $0xF7A;
	s5 =	simm.s32 @!p2 $0x0  }
0x1d: {  	s5 =	simm.s32 @p1 $0x1;
	p0 =	seq.s32 s7, s2  }
0x1e: {  	s7 =	smul.u32 @!p0 $0xF7A, s2;
	p2 =	seq.s32 @!p0 s5, $0x0  }
0x1f: {  	s9 =	smul.u32 $0xF7A, s1;
	s8 =	simm.s32 @!p0 $0x1BF5;
	p2 =	por !p2, p0  }
0x20: {  	[sflag:s8] =	ssyncset.s32 @!p0 $0xFFFFF086;
	s6 =	sadd.s32 @!p0 s3, s7;
	s7 =	simm.s32 @!p0 $0x108  }
0x21: {  	s3 =	sadd.s32 s3, s9;
	s6 =	sadd.s32 @!p0 $0x88, s6;
	s7 =	simm.s32 @p2 $0x1082  }
0x22: {  	[simem:s7], [sflag:s8] =	dma.local @!p0 [hbm:s6], $0xF7A  }
0x23: {  	s9 =	sor.u32 $0xD0000000, s2;
	s6 =	simm.s32 $0x108;
	_ =	swait.ge @!p0 [sflag:s8], $0x0  }
0x24: {  	s3 =	sadd.s32 $0x88, s3;
	s6 =	simm.s32 @!p1 $0x1082;
	[sflag:s4] =	ssyncset.s32 $0xFFFFF086  }
0x25: {  	[simem:s6], [sflag:s4] =	dma.local [hbm:s3], $0xF7A  }
0x26: {  	[smem:$0x3F9A] =	sst s1;
	(tag) =	ssettag s2;
	_ =	strace s9  }
0x27: {  	s1 =	sld [smem:$0x3FAA]  }
0x28: {  	s2 =	sld [smem:$0x3FAB]  }
0x29: {  	s4 =	sld [smem:$0x3FAD]  }
0x2a: {  	p0 =	seq.s32 s5, $0x0;
	s5 =	sld [smem:$0x3FAE]  }
0x2b: {  	s6 =	sld [smem:$0x3FAF]  }
0x2c: {  	s7 =	sld [smem:$0x3FB0]  }
0x2d: {  	s3 =	simm.s32 $0x108;
	s8 =	sld [smem:$0x3FB1]  }
0x2e: {  	s3 =	simm.s32 @!p0 $0x1082;
	s9 =	sld [smem:$0x3FB2]  }
0x2f: {  	lr =	sadd.s32 s0, s3;
	s0 =	sld [smem:$0x3FA9]  }
0x30: {  	s3 =	sld [smem:$0x3FAC]  }
0x31: {  	[smem:$0x3FB5] =	sst s10  }
0x32: {  	s10 =	sld [smem:$0x3FB3];
	_ =	sdelay $0x3  }
0x33: {  	p0 =	seq.s32 s10, $0x1;
	s10 =	sld [smem:$0x3FB5];
	_ =	sdelay $0x3  }
0x34: {  	[smem:$0x3FB5] =	sst s10  }
0x35: {  	s10 =	sld [smem:$0x3FB4];
	_ =	sdelay $0x3  }
0x36: {  	p1 =	seq.s32 s10, $0x1;
	s10 =	sld [smem:$0x3FB5];
	_ =	sdelay $0x3  }
0x37: {  	[smem:$0x3FB5] =	sst s10  }
0x38: {  	s10 =	sld [smem:$0x3FB6]  }
0x39: {  	_ = 	snop;
	(pc) =	sbr.ind lr, $3  }
0x3a: {  	_ = 	snop  }
0x3b: {  	_ = 	snop  }
0x3c: {  	p2 =	seq.s32 s10, $0x1;
	s10 =	sld [smem:$0x3FB5]  }
0x3d: {  	_ =	shalt  }
0x3e: {  	_ =	shalt  }
0x3f: {  	_ =	shalt  }
0x40: {  	_ =	shalt  }
0x41: {  	_ =	shalt  }
0x42: {  	_ =	shalt  }
0x43: {  	_ =	shalt  }
0x44: {  	_ =	shalt  }
0x45: {  	_ =	shalt  }
0x46: {  	_ =	shalt  }
0x47: {  	_ =	shalt  }
0x48: {  	_ =	shalt  }
0x49: {  	_ =	shalt  }
0x4a: {  	_ =	shalt  }
0x4b: {  	_ =	shalt  }
0x4c: {  	_ =	shalt  }
0x4d: {  	_ =	shalt  }
0x4e: {  	_ =	shalt  }
0x4f: {  	_ =	shalt  }
0x50: {  	_ =	shalt  }
0x51: {  	_ =	shalt  }
0x52: {  	_ =	shalt  }
0x53: {  	_ =	shalt  }
0x54: {  	_ =	shalt  }
0x55: {  	_ =	shalt  }
0x56: {  	_ =	shalt  }
0x57: {  	_ =	shalt  }
0x58: {  	_ =	shalt  }
0x59: {  	_ =	shalt  }
0x5a: {  	_ =	shalt  }
0x5b: {  	_ =	shalt  }
0x5c: {  	_ =	shalt  }
0x5d: {  	_ =	shalt  }
0x5e: {  	_ =	shalt  }
0x5f: {  	_ =	shalt  }
0x60: {  	_ =	shalt  }
0x61: {  	_ =	shalt  }
0x62: {  	_ =	shalt  }
0x63: {  	_ =	shalt  }
0x64: {  	_ =	shalt  }
0x65: {  	_ =	shalt  }
0x66: {  	_ =	shalt  }
0x67: {  	_ =	shalt  }
0x68: {  	_ =	shalt  }
0x69: {  	_ =	shalt  }
0x6a: {  	_ =	shalt  }
0x6b: {  	_ =	shalt  }
0x6c: {  	_ =	shalt  }
0x6d: {  	_ =	shalt  }
0x6e: {  	_ =	shalt  }
0x6f: {  	_ =	shalt  }
0x70: {  	_ =	shalt  }
0x71: {  	_ =	shalt  }
0x72: {  	_ =	shalt  }
0x73: {  	_ =	shalt  }
0x74: {  	_ =	shalt  }
0x75: {  	_ =	shalt  }
0x76: {  	_ =	shalt  }
0x77: {  	_ =	shalt  }
0x78: {  	_ =	shalt  }
0x79: {  	_ =	shalt  }
0x7a: {  	_ =	shalt  }
0x7b: {  	_ =	shalt  }
0x7c: {  	_ =	shalt  }
0x7d: {  	_ =	shalt  }
0x7e: {  	_ =	shalt  }
0x7f: {  	_ =	shalt  }
0x80: {  	_ =	shalt  }
0x81: {  	_ =	shalt  }
0x82: {  	_ =	shalt  }
0x83: {  	_ =	shalt  }
0x84: {  	_ =	shalt  }
0x85: {  	_ =	shalt  }
0x86: {  	_ =	shalt  }
0x87: {  	_ =	shalt  }
.Lfunc_end0:
.L_simem_size_0:
called_computation_lowered:
.L_overlay_start_0:
0x88: {  	s2 =	sld [smem:$0x3FD9]  }
0x89: {  	s3 =	sld [smem:$0x3FFE];
	_ =	sdelay $0x1  }
0x8a: {  	s1 =	srdreg.scid  }
0x8b: {  	s0 =	sand.u32 $0x1, s1  }
0x8c: {  	s17 =	sshll.u32 s0, $0xA;
	s2 =	sadd.s32 s3, s2  }
0x8d: {  	s2 =	sadd.s32 s2, s17  }
0x8e: {  	[smem:$0x3FC1] =	sst s2  }
0x8f: {  	_ = 	snop  }
0x90: {  	s2 =	sld [smem:$0x3FD0];
	(tm) =	ssettm $0x1  }
0x91: {  	s18 =	sld [smem:$0x3FFB];
	_ =	sdelay $0x3  }
0x92: {  	_ =	strace s18  }
0x93: {  	s3 =	sld [smem:$0x3FFC];
	_ =	sdelay $0x3  }
0x94: {  	_ =	strace s3  }
0x95: {  	s3 =	sld [smem:$0x3FFD];
	_ =	sdelay $0x3  }
0x96: {  	_ =	strace s3  }
0x97: {  	_ =	strace $0x8FFFFFFF  }
0x98: {  	s19 =	sld [smem:$0x3FDB];
	_ =	sdelay $0x1  }
0x99: {  	s4 =	simm.s32 $_scs_section_size  }
0x9a: {  	s5 =	simm.s32 $_size__tile_overlayer_lowered;
	s6 =	simm.s32 $_tile_overlayer_lowered  }
0x9b: {  	s22 =	simm.s32 $0x1BFF;
	s21 =	sshll.u32 s6, $0x1;
	s3 =	sadd.s32 s4, s19  }
0x9c: {  	s7 =	simm.s32 $0x0;
	s20 =	sshll.u32 s5, $0x1;
	s5 =	sadd.s32 s21, s3  }
0x9d: {  	[timem:s7], [sflag:s22] =	dma.local [hbm:s5], s20  }
0x9e: {  	_ =	swait.ge [sflag:s22], s20  }
0x9f: {  	s4 =	ssub.s32 $0x0, s20;
	[sflag:s22] =	ssyncset.done $0x0  }
0xa0: {  	[sflag:s22] =	ssyncadd.s32 s4;
	_ =	sdelay $0x1  }
0xa1: {  	s23 =	simm.s32 $0x1B8B  }
0xa2: {  	_ =	swait.ge [sflag:s23], $0x1  }
0xa3: {  	[sflag:s23] =	ssyncset.done $0x0  }
0xa4: {  	s25 =	simm.s32 $0x1B8E;
	s24 =	sld [smem:$0x3FFE];
	[sflag:s23] =	ssyncadd.s32 $0xFFFFFFFF  }
0xa5: {  	s26 =	simm.s32 $execute0_lowered;
	[smem:$0x3FD2] =	sst s25  }
0xa6: {  	s5 =	sshll.u32 s26, $0x1;
	_ =	strace $0x80000046;
	[dreg:$0x1] =	wrdreg $0xFFFFFFFF  }
0xa7: {  	s28 =	simm.s32 $_size_execute0_lowered;
	s3 =	sadd.s32 s3, s5;
	[dreg:$0x0] =	wrdreg $0x0  }
0xa8: {  	s5 =	sshll.u32 s28, $0x1;
	[dreg:$0x2] =	wrdreg s3  }
0xa9: {  	[dreg:$0x3] =	wrdreg s5  }
0xaa: {  	[dreg:$0x4] =	wrdreg $0xC0  }
0xab: {  	_ =	task [dreg:s7], $0x5FFFF  }
0xac: {  	[dreg:$0x1] =	wrdreg $0xFFFFFFFF  }
0xad: {  	[dreg:$0x0] =	wrdreg $0x60  }
0xae: {  	[dreg:$0x2] =	wrdreg s24  }
0xaf: {  	[dreg:$0x3] =	wrdreg s2  }
0xb0: {  	[dreg:$0x4] =	wrdreg $0x27600  }
0xb1: {  	[dreg:$0x5] =	wrdreg $0x9  }
0xb2: {  	_ =	task.clear_ibuf [dreg:s7], $0x6FFFF;
	_ =	strace $0x90000046  }
0xb3: {  	s29 =	simm.s32 $0x9;
	_ =	strace $0x80000048  }
0xb4: {  	_ =	swait.ge [sflag:s29], $0x1  }
0xb5: {  	[sflag:s29] =	ssyncadd.s32 $0xFFFFFFFF  }
0xb6: {  	_ =	strace $0x90000048  }
0xb7: {  	_ =	sfence  }
0xb8: {  	s30 =	sld [smem:$0x0];
	_ =	sdelay $0x2  }
0xb9: {  	s31 =	sshll.u32 s1, $0xD;
	s1 =	sshrl.u32 s1, $0x2  }
0xba: {  	s3 =	sand.u32 $0x4000, s31;
	s1 =	sadd.s32 s1, s30  }
0xbb: {  	s0 =	sor.u32 s3, s0;
	s1 =	sshll.u32 s1, $0x11  }
0xbc: {  	s0 =	sor.u32 s1, s0  }
0xbd: {  	s0 =	sadd.s32 $0x8F2B, s0  }
0xbe: {  	[sflag:s0] =	ssyncadd.remote.s32 $0x1  }
0xbf: {  	_ =	sfence.sel $0xFFFF  }
0xc0: {  	[dreg:$0x0] =	wrdreg $0xFFFFFFFF;
	(pc) =	sbr.abs _section_cstart, $3  }
0xc1: {  	[dreg:$0x1] =	wrdreg $0xFFFFFFFF  }
0xc2: {  	_ =	task.clear_ibuf [dreg:s7], $0x2FFFF;
	_ =	strace $0x9FFFFFFF  }
0xc3: {  	(tm) =	ssettm $0x7FFFFFFF  }
tec
execute0_lowered:
.L_overlay_start_1:
0x0: {  	(tag) =	ssettag $0x1  }
0x1: {  	s5 =	rddreg [dreg:$0x0]  }
0x2: {  	s0 =	srdreg.scid;
	s7 =	rddreg [dreg:$0x1]  }
0x3: {  	s2 =	rddreg [dreg:$0x2];
	s3 =	simm.s32 $0x0;
	s12 =	simm.s32 $0x2710  }
0x4: {  	s13 =	simm.s32 $0x0;
	s4 =	sand.u32 $0x1, s0;
	s0 =	stileid.u32  }
0x5: {  	[smem:$0x7FF] =	sst s3;
	s1 =	sshll.u32 s4, $0x4;
	s8 =	smul.u32 $0x280, s0  }
0x6: {  	s9 =	ssub.s32 $0x2, s4;
	s10 =	smul.u32 $0x2800, s4;
	s4 =	sadd.s32 $0x15400, s5  }
0x7: {  	s30 =	sshll.u32 s0, $0x6;
	s1 =	sor.u32 s0, s1;
	s11 =	sshrl.u32 s9, $0x1  }
0x8: {  	s6 =	smul.u32 $0x4E2, s1;
	s1 =	rddreg [dreg:$0x3];
	_ =	strace $0x80000047  }
0x9: {  	s9 =	ssub.s32 s9, s11;
	s28 =	sadd.s32 s8, s10;
	s29 =	sadd.s32 s8, s2  }
0xa: {  	s10 =	simm.s32 $0x1;
	s11 =	simm.s32 $0x50;
	s31 =	sshrl.u32 s28, $0x3  }
0xb: {  	s8 =	smax.u32 s9, $0x1;
	s9 =	sshrl.u32 s29, $0x3;
	s6 =	sadd.s32 s6, s5  }
0xc: {  	v0 =	vimm.f32 $1.000000000e+00;
	s5 =	sor.u32 $0x1C01, s30;
	s7 =	sadd.s32 s7, s31;
	s6 =	sadd.s32 $0x1800, s6  }
.LBB2_1:
0xd: {  	[spmem:s9], [sflag:s5] =	dma.local [hbm:s4], $0x50  }
0xe: {  	_ =	swait.ge [sflag:s10], $0x50  }
0xf: {  	[sflag:s10] =	ssyncset.done $0x0  }
0x10: {  	[sflag:s10] =	ssyncadd.s32 $0xFFFFFFB0  }
0x11: {  	[tilespmem:s3], [sflag:$0x1] =	stream.linear.gather [hbm4b:s6+s3], $0x2710, $0x38;
	[tilespmem:$0x29E0] =	vst v63  }
0x12: {  	_ =	swait.ge [sflag:s10], $0x2710  }
0x13: {  	[sflag:s10] =	ssyncset.done $0x0  }
0x14: {  	[sflag:s10] =	ssyncadd.s32 $0xFFFFD8F0  }
0x15: {  	[tilespmem:$0x2710] =	vst v0  }
0x16: {  	[tilespmem:$0x2720] =	vst v0  }
0x17: {  	[tilespmem:$0x2730] =	vst v0  }
0x18: {  	[tilespmem:$0x2740] =	vst v0  }
0x19: {  	[tilespmem:$0x2750] =	vst v0  }
0x1a: {  	s14 =	simm.s32 $0x0;
	[bflag:$0x0] =	sbarrier.arrive $0xFFFF  }
0x1b: {  	[spmem:s2] =	stream.indirect.scatter.add.f32 [tilespmem:s12], [sflag:$0x1], $0x1, s14, s11, $0xb8;
	[tilespmem:$0x29E0] =	vst v63  }
0x1c: {  	_ =	swait.ge [sflag:s10], $0x50  }
0x1d: {  	s14 =	simm.s32 $0x140;
	[sflag:s10] =	ssyncset.done $0x0  }
.LBB2_2:
0x1e: {  	s15 =	sshra.s32 s14, $0x2;
	[sflag:s10] =	ssyncadd.s32 $0xFFFFFFB0;
	p0 =	sne.s32 s14, $0x9B00  }
0x1f: {  	[spmem:s2] =	stream.indirect.scatter.add.f32 [tilespmem:s12], [sflag:$0x1], $0x1, s15, s11, $0xb8;
	[tilespmem:$0x29E0] =	vst v63  }
.Ltmp0:
0x20: {  	_ = 	snop;
	(pc) =	sbr.rel @p0 .LBB2_2-.Ltmp0, $4  }
0x21: {  	_ = 	snop  }
0x22: {  	s14 =	sadd.s32 $0x140, s14  }
0x23: {  	_ =	swait.ge [sflag:s10], $0x50  }
0x24: {  	[sflag:s10] =	ssyncset.done $0x0  }
0x25: {  	s13 =	sadd.s32 $0x1, s13  }
0x26: {  	[sflag:s10] =	ssyncadd.s32 $0xFFFFFFB0;
	p0 =	sne.s32 s13, s8  }
.Ltmp1:
0x27: {  	[bflag:$0x0] =	sbarrier.arrive $0xFFFF;
	(pc) =	sbr.rel @p0 .LBB2_1-.Ltmp1, $4  }
0x28: {  	[hbm:s7], [sflag:s5] =	dma.local [spmem:s9], $0x50  }
0x29: {  	_ =	swait.ge [sflag:s10], $0x50  }
0x2a: {  	[sflag:s10] =	ssyncset.done $0x0  }
0x2b: {  	[sflag:s10] =	ssyncadd.s32 $0xFFFFFFB0  }
0x2c: {  	_ =	sfence.sel $0x180000  }
0x2d: {  	[bflag:$0x0] =	sbarrier.arrive $0xFFFF  }
0x2e: {  	p0 =	sne.s32 s0, $0x0;
	_ =	strace $0x90000047  }
0x2f: {  	s0 =	sadd.s32 @!p0 $0x100000, s1;
	[bflag:$0x2] =	sbarrier.arrive $0xFFFF  }
0x30: {  	[sflag:s0] =	ssyncadd.tile.s32 @!p0 $0x1;
	_ =	shalt  }
.Lfunc_end2:
_tile_overlayer_lowered:
.L_overlay_start_2:
0x31: {  	(tag) =	ssettag $0x2  }
0x32: {  	s0 =	rddreg [dreg:$0x0];
	s2 =	stileid.u32  }
0x33: {  	s1 =	rddreg [dreg:$0x1];
	p0 =	sne.s32 s2, $0x0  }
0x34: {  	s3 =	rddreg [dreg:$0x2];
	[bflag:$0x3] =	sbarrier.arrive $0xFFFF;
	s2 =	simm.s32 @!p0 $0x1C01  }
0x35: {  	[timem:s3], [sflag:s2] =	dma.local @!p0 [hbm:s0], s1  }
0x36: {  	s0 =	simm.s32 @!p0 $0x1  }
0x37: {  	_ =	swait.ge @!p0 [sflag:s0], s1  }
0x38: {  	s1 =	ssub.s32 @!p0 $0x0, s1;
	[sflag:s0] =	ssyncset.done @!p0 $0x0  }
0x39: {  	[sflag:s0] =	ssyncadd.s32 @!p0 s1  }
0x3a: {  	[bflag:$0x3] =	sbarrier.arrive $0xFFFF  }
0x3b: {  	_ =	shalt  }

</sc_bundles>
